<compile_context>
chip_gen: v7x
topology: tpu7x:2x2x1
jax: 0.10.2.dev20260603
libtpu: 0.0.44.dev20260713+nightly
codegen_flags: <defaults>
</compile_context>

<pallas_src>
import functools

import jax
import jax.numpy as jnp
from jax import lax
from jax.experimental import pallas as pl
from jax.experimental.pallas import tpu as pltpu
from jax.experimental.pallas import tpu_sc as plsc

N = 10000
NPAD = 10240
E = 160000
D_IN = 256
D_HID = 512
NC, NS = 2, 16
NW = NC * NS
EPT = E // NW
B = 125
NB = EPT // B
CW = 128
NCHUNK = D_HID // CW
STRIPE = NPAD // NS

def _deg_body(col3, ones_h, zer_h, out2, colv, onesv, acc, sem):
    c = lax.axis_index("c")
    s = lax.axis_index("s")
    wid = s * NC + c
    pltpu.sync_copy(col3.at[wid], colv)
    pltpu.sync_copy(ones_h, onesv)
    pltpu.sync_copy(zer_h, acc.at[pl.ds(s * STRIPE, STRIPE)])
    plsc.subcore_barrier()

    def body(j, carry):
        pltpu.sync_copy(onesv, acc.at[colv.at[j]], add=True)
        return carry

    lax.fori_loop(0, NB, body, 0)
    plsc.subcore_barrier()
    pltpu.sync_copy(acc.at[pl.ds(s * STRIPE, STRIPE)],
                    out2.at[c, pl.ds(s * STRIPE, STRIPE)])


@functools.cache
def _deg_call():
    return pl.kernel(
        _deg_body,
        out_type=jax.ShapeDtypeStruct((NC, NPAD), jnp.float32),
        mesh=plsc.VectorSubcoreMesh(core_axis_name="c", subcore_axis_name="s"),
        scratch_types=[
            pltpu.VMEM((NB, B), jnp.int32),
            pltpu.VMEM((B,), jnp.float32),
            pltpu.VMEM_SHARED((NPAD,), jnp.float32),
            pltpu.SemaphoreType.DMA,
        ],
    )


def _scat_body(nch, y4, row3, col3, zer2_h, out4,
               rowv, colv, buf0, buf1, acc, sem0, sem1):
    c = lax.axis_index("c")
    s = lax.axis_index("s")
    wid = s * NC + c
    pltpu.sync_copy(row3.at[wid], rowv)
    pltpu.sync_copy(col3.at[wid], colv)

    for k in range(nch):
        yk = y4.at[k]
        pltpu.sync_copy(zer2_h, acc.at[pl.ds(s * STRIPE, STRIPE)])
        plsc.subcore_barrier()
        pltpu.async_copy(yk.at[rowv.at[0]], buf0, sem0)

        def body(j2, carry):
            j = 2 * j2
            pltpu.make_async_copy(yk.at[rowv.at[j]], buf0, sem0).wait()
            pltpu.async_copy(yk.at[rowv.at[j + 1]], buf1, sem1)
            pltpu.sync_copy(buf0, acc.at[colv.at[j]], add=True)
            pltpu.make_async_copy(yk.at[rowv.at[j + 1]], buf1, sem1).wait()

            @pl.when(j2 + 1 < NB // 2)
            def _():
                pltpu.async_copy(yk.at[rowv.at[j + 2]], buf0, sem0)

            pltpu.sync_copy(buf1, acc.at[colv.at[j + 1]], add=True)
            return carry

        lax.fori_loop(0, NB // 2, body, 0)
        plsc.subcore_barrier()
        pltpu.sync_copy(acc.at[pl.ds(s * STRIPE, STRIPE)],
                        out4.at[c, k, pl.ds(s * STRIPE, STRIPE)])


@functools.cache
def _scat_call(nch):
    return pl.kernel(
        functools.partial(_scat_body, nch),
        out_type=jax.ShapeDtypeStruct((NC, nch, NPAD, CW), jnp.float32),
        mesh=plsc.VectorSubcoreMesh(core_axis_name="c", subcore_axis_name="s"),
        scratch_types=[
            pltpu.VMEM((NB, B), jnp.int32),
            pltpu.VMEM((NB, B), jnp.int32),
            pltpu.VMEM((B, CW), jnp.float32),
            pltpu.VMEM((B, CW), jnp.float32),
            pltpu.VMEM_SHARED((NPAD, CW), jnp.float32),
            pltpu.SemaphoreType.DMA,
            pltpu.SemaphoreType.DMA,
        ],
    )


_MT = 2000


def _d_from(degT_blk):
    deg = degT_blk[:, 0:1] + degT_blk[:, 1:2] + 1.0
    return lax.rsqrt(deg)


def _mm1_body(degT_ref, x_ref, w1_ref, out_ref):
    d = _d_from(degT_ref[...])
    xt = lax.dot_general(x_ref[...].astype(jnp.bfloat16), w1_ref[...],
                         (((1,), (1,)), ((), ())),
                         preferred_element_type=jnp.float32)
    out_ref[0] = xt * d


def _mm1(degT, x, w1):
    return pl.pallas_call(
        _mm1_body,
        grid=(N // _MT, NCHUNK),
        in_specs=[
            pl.BlockSpec((_MT, 2), lambda m, n: (m, 0)),
            pl.BlockSpec((_MT, D_IN), lambda m, n: (m, 0)),
            pl.BlockSpec((CW, D_IN), lambda m, n: (n, 0)),
        ],
        out_specs=pl.BlockSpec((1, _MT, CW), lambda m, n: (n, m, 0)),
        out_shape=jax.ShapeDtypeStruct((NCHUNK, N, CW), jnp.float32),
    )(degT, x, w1)


def _mm2_body(degT_ref, s1_ref, y1_ref, b1_ref, w2t_ref, out_ref):
    d = _d_from(degT_ref[...])
    acc = jnp.zeros((_MT, CW), jnp.float32)
    for k in range(NCHUNK):
        hk = d * (s1_ref[0, k] + s1_ref[1, k] + y1_ref[k]) + b1_ref[k][None, :]
        hk = jnp.maximum(hk, 0.0)
        acc = acc + lax.dot_general(hk.astype(jnp.bfloat16),
                                    w2t_ref[0, k * CW:(k + 1) * CW, :],
                                    (((1,), (0,)), ((), ())),
                                    preferred_element_type=jnp.float32)
    out_ref[0] = acc * d


def _mm2(degT, s1, y1, b1r, w2t):
    return pl.pallas_call(
        _mm2_body,
        grid=(N // _MT, NCHUNK),
        in_specs=[
            pl.BlockSpec((_MT, 2), lambda m, n: (m, 0)),
            pl.BlockSpec((NC, NCHUNK, _MT, CW), lambda m, n: (0, 0, m, 0)),
            pl.BlockSpec((NCHUNK, _MT, CW), lambda m, n: (0, m, 0)),
            pl.BlockSpec((NCHUNK, CW), lambda m, n: (0, 0)),
            pl.BlockSpec((1, D_HID, CW), lambda m, n: (n, 0, 0)),
        ],
        out_specs=pl.BlockSpec((1, _MT, CW), lambda m, n: (n, m, 0)),
        out_shape=jax.ShapeDtypeStruct((NCHUNK, N, CW), jnp.float32),
    )(degT, s1, y1, b1r, w2t)


def _ep3_body(degT_ref, s2_ref, y2_ref, b2_ref, out_ref):
    d = _d_from(degT_ref[...])
    b = b2_ref[pl.program_id(1)][None, :]
    out_ref[...] = d * (s2_ref[0, 0] + s2_ref[1, 0] + y2_ref[0]) + b


def _ep3(degT, s2, y2, b2r):
    return pl.pallas_call(
        _ep3_body,
        grid=(N // _MT, NCHUNK),
        in_specs=[
            pl.BlockSpec((_MT, 2), lambda m, n: (m, 0)),
            pl.BlockSpec((NC, 1, _MT, CW), lambda m, n: (0, n, m, 0)),
            pl.BlockSpec((1, _MT, CW), lambda m, n: (n, m, 0)),
            pl.BlockSpec((NCHUNK, CW), lambda m, n: (0, 0)),
        ],
        out_specs=pl.BlockSpec((_MT, CW), lambda m, n: (m, n)),
        out_shape=jax.ShapeDtypeStruct((N, D_HID), jnp.float32),
    )(degT, s2, y2, b2r)


@jax.jit
def kernel(x, edge_index, W1, b1, W2, b2):
    ei = edge_index.astype(jnp.int32)
    row3 = ei[0].reshape(NW, NB, B)
    col3 = ei[1].reshape(NW, NB, B)
    ones_h = jnp.ones((B,), jnp.float32)
    zer1 = jnp.zeros((STRIPE,), jnp.float32)
    zer2 = jnp.zeros((STRIPE, CW), jnp.float32)
    b1r = b1.reshape(NCHUNK, CW)
    b2r = b2.reshape(NCHUNK, CW)
    w1h = W1.astype(jnp.bfloat16)
    w2t = W2.T.reshape(D_HID, NCHUNK, CW).transpose(1, 0, 2).astype(jnp.bfloat16)

    scat = _scat_call(NCHUNK)
    deg2 = _deg_call()(col3, ones_h, zer1)
    degT = deg2.T

    y1 = _mm1(degT, x, w1h)
    s1 = scat(y1, row3, col3, zer2)
    y2 = _mm2(degT, s1, y1, b1r, w2t)
    s2 = scat(y2, row3, col3, zer2)
    return _ep3(degT, s2, y2, b2r)

# --- scband reference (transcript-rebuilt; emitter-appended) ---
"""Pipeline reference for scband-construct-model-36120674959488 (READ-ONLY COPY).

The authoritative reference and input builder live on the scoring server;
editing this copy changes nothing except your own understanding.
"""

import jax, jax.numpy as jnp
import numpy as np

N_NODES = 10000
N_EDGES = 160000
IN_DIM = 256
HID_DIM = 512


def glorot(key, shape):
    fan_in, fan_out = shape[1], shape[0]
    limit = float(np.sqrt(6.0 / (fan_in + fan_out)))
    return jax.random.uniform(key, shape, jnp.float32, -limit, limit)


def setup_inputs(seed: int = 0) -> dict:
    key = jax.random.key(seed)
    k1, k2, k3, k4 = jax.random.split(key, 4)
    x = jax.random.normal(k1, (N_NODES, IN_DIM), dtype=jnp.float32)
    edge_index = jax.random.randint(k2, (2, N_EDGES), 0, N_NODES, dtype=jnp.int64)
    W1 = glorot(k3, (HID_DIM, IN_DIM))
    b1 = jnp.zeros((HID_DIM,), jnp.float32)
    W2 = glorot(k4, (HID_DIM, HID_DIM))
    b2 = jnp.zeros((HID_DIM,), jnp.float32)
    return {"x": x, "edge_index": edge_index, "W1": W1, "b1": b1, "W2": W2, "b2": b2}


def gcn_conv(x, edge_index, W, b, num_nodes):
    # PyG GCNConv: add self-loops (fill_value=1), symmetric normalization,
    # linear transform, message = x_j * norm, scatter-add to dst, add bias.
    row, col = edge_index[0], edge_index[1]
    loop = jnp.arange(num_nodes, dtype=edge_index.dtype)
    row = jnp.concatenate([row, loop])
    col = jnp.concatenate([col, loop])
    ew = jnp.ones(row.shape[0], dtype=x.dtype)
    deg = jnp.zeros((num_nodes,), dtype=x.dtype).at[col].add(ew)
    deg_inv_sqrt = jnp.where(deg > 0, deg ** -0.5, 0.0)
    norm = deg_inv_sqrt[row] * ew * deg_inv_sqrt[col]
    xt = x @ W.T
    msg = xt[row] * norm[:, None]
    out = jnp.zeros((num_nodes, xt.shape[1]), dtype=x.dtype).at[col].add(msg)
    return out + b


def reference(x, edge_index, W1, b1, W2, b2):
    h = gcn_conv(x, edge_index, W1, b1, N_NODES)
    h = jax.nn.relu(h)
    h = gcn_conv(h, edge_index, W2, b2, N_NODES)
    return h

if __name__ == "__main__":
    import jax
    _d = setup_inputs()
    print(jax.jit(kernel)(*tuple(_d.values())))

</pallas_src>

<mosaic_0001>
#map = affine_map<(d0, d1) -> (0, 0, 0)>
#map1 = affine_map<(d0, d1) -> (0)>
#map2 = affine_map<(d0, d1) -> (0, 0)>
module attributes {stable_mosaic.version = 14 : i64} {
  func.func @_deg_body(%arg0: i32, %arg1: i32, %arg2: memref<32x40x125xi32, #tpu.memory_space<hbm>>, %arg3: memref<125xf32, #tpu.memory_space<hbm>>, %arg4: memref<640xf32, #tpu.memory_space<hbm>>, %arg5: memref<2x10240xf32, #tpu.memory_space<hbm>>, %arg6: memref<40x125xi32, #tpu.memory_space<vmem>>, %arg7: memref<125xf32, #tpu.memory_space<vmem>>, %arg8: memref<10240xf32, #tpu.memory_space<vmem_shared>>, %arg9: memref<!tpu.dma_semaphore, #tpu.memory_space<semaphore_mem>>) attributes {dimension_semantics = [#tpu.dimension_semantics<core_parallel>, #tpu.dimension_semantics<subcore_parallel>], iteration_bounds = array<i64: 2, 16>, scalar_prefetch = 0 : i64, scratch_operands = 4 : i64, tpu.core_type = #tpu.core_type<sc_vector_subcore>, window_params = [{transform_indices = #map}, {transform_indices = #map1}, {transform_indices = #map1}, {transform_indices = #map2}]} {
    %mul3A = arith.constant 2 : i32
    %mul3A_0 = arith.muli %arg1, %mul3A : i32
    %add3A = arith.addi %mul3A_0, %arg0 : i32
    "tpu.region"() ({
      %run_scoped3A = tpu.sem_alloc : memref<!tpu.dma_semaphore, #tpu.memory_space<semaphore_mem>>
      %dma_start3A = arith.constant 0 : i32
      %dma_start3A_13 = arith.constant 0 : i32
      %dma_start3A_14 = tpu.memref_slice %arg2[%add3A, %dma_start3A, %dma_start3A_13] : memref<32x40x125xi32, #tpu.memory_space<hbm>> -> memref<1x40x125xi32, #tpu.memory_space<hbm>>
      %dma_start3A_15 = tpu.memref_squeeze %dma_start3A_14 : memref<1x40x125xi32, #tpu.memory_space<hbm>> -> memref<40x125xi32, #tpu.memory_space<hbm>>
      %dma_start3A_16 = arith.constant 0 : i32
      %dma_start3A_17 = arith.constant 0 : i32
      %dma_start3A_18 = tpu.memref_slice %arg2[%add3A, %dma_start3A_16, %dma_start3A_17] : memref<32x40x125xi32, #tpu.memory_space<hbm>> -> memref<1x40x125xi32, #tpu.memory_space<hbm>>
      %dma_start3A_19 = tpu.memref_squeeze %dma_start3A_18 : memref<1x40x125xi32, #tpu.memory_space<hbm>> -> memref<40x125xi32, #tpu.memory_space<hbm>>
      tpu.enqueue_dma source(%dma_start3A_19 : memref<40x125xi32, #tpu.memory_space<hbm>>) target(%arg6 : memref<40x125xi32, #tpu.memory_space<vmem>>) target_semaphore(%run_scoped3A : memref<!tpu.dma_semaphore, #tpu.memory_space<semaphore_mem>>)
      %dma_wait3A = arith.constant 0 : i32
      %dma_wait3A_20 = arith.constant 0 : i32
      %dma_wait3A_21 = tpu.memref_slice %arg2[%add3A, %dma_wait3A, %dma_wait3A_20] : memref<32x40x125xi32, #tpu.memory_space<hbm>> -> memref<1x40x125xi32, #tpu.memory_space<hbm>>
      %dma_wait3A_22 = tpu.memref_squeeze %dma_wait3A_21 : memref<1x40x125xi32, #tpu.memory_space<hbm>> -> memref<40x125xi32, #tpu.memory_space<hbm>>
      %dma_wait3A_23 = arith.constant 0 : i32
      %dma_wait3A_24 = arith.constant 0 : i32
      %dma_wait3A_25 = tpu.memref_slice %arg2[%add3A, %dma_wait3A_23, %dma_wait3A_24] : memref<32x40x125xi32, #tpu.memory_space<hbm>> -> memref<1x40x125xi32, #tpu.memory_space<hbm>>
      %dma_wait3A_26 = tpu.memref_squeeze %dma_wait3A_25 : memref<1x40x125xi32, #tpu.memory_space<hbm>> -> memref<40x125xi32, #tpu.memory_space<hbm>>
      tpu.wait_dma2 semaphore(%run_scoped3A : memref<!tpu.dma_semaphore, #tpu.memory_space<semaphore_mem>>) src(%dma_wait3A_26 : memref<40x125xi32, #tpu.memory_space<hbm>>) dst(%arg6 : memref<40x125xi32, #tpu.memory_space<vmem>>)
      tpu.yield
    }) : () -> ()
    "tpu.region"() ({
      %run_scoped3A = tpu.sem_alloc : memref<!tpu.dma_semaphore, #tpu.memory_space<semaphore_mem>>
      tpu.enqueue_dma source(%arg3 : memref<125xf32, #tpu.memory_space<hbm>>) target(%arg7 : memref<125xf32, #tpu.memory_space<vmem>>) target_semaphore(%run_scoped3A : memref<!tpu.dma_semaphore, #tpu.memory_space<semaphore_mem>>)
      tpu.wait_dma2 semaphore(%run_scoped3A : memref<!tpu.dma_semaphore, #tpu.memory_space<semaphore_mem>>) src(%arg3 : memref<125xf32, #tpu.memory_space<hbm>>) dst(%arg7 : memref<125xf32, #tpu.memory_space<vmem>>)
      tpu.yield
    }) : () -> ()
    %mul3A_1 = arith.constant 640 : i32
    %mul3A_2 = arith.muli %arg1, %mul3A_1 : i32
    "tpu.region"() ({
      %run_scoped3A = tpu.sem_alloc : memref<!tpu.dma_semaphore, #tpu.memory_space<semaphore_mem>>
      %dma_start3A = tpu.memref_slice %arg8[%mul3A_2] : memref<10240xf32, #tpu.memory_space<vmem_shared>> -> memref<640xf32, #tpu.memory_space<vmem_shared>>
      tpu.enqueue_dma source(%arg4 : memref<640xf32, #tpu.memory_space<hbm>>) target(%dma_start3A : memref<640xf32, #tpu.memory_space<vmem_shared>>) target_semaphore(%run_scoped3A : memref<!tpu.dma_semaphore, #tpu.memory_space<semaphore_mem>>)
      %dma_wait3A = tpu.memref_slice %arg8[%mul3A_2] : memref<10240xf32, #tpu.memory_space<vmem_shared>> -> memref<640xf32, #tpu.memory_space<vmem_shared>>
      tpu.wait_dma2 semaphore(%run_scoped3A : memref<!tpu.dma_semaphore, #tpu.memory_space<semaphore_mem>>) src(%arg4 : memref<640xf32, #tpu.memory_space<hbm>>) dst(%dma_wait3A : memref<640xf32, #tpu.memory_space<vmem_shared>>)
      tpu.yield
    }) : () -> ()
    %barrier3A = arith.constant 0 : index
    tpu.barrier barrier_id(%barrier3A)
    %scan3A = arith.constant 0 : i32
    %scan3A_3 = arith.constant 0 : i32
    %scan3A_4 = arith.constant 40 : i32
    %scan3A_5 = arith.addi %scan3A_3, %scan3A_4 : i32
    %scan3A_6 = arith.constant 1 : i32
    scf.for %scan3A_13 = %scan3A_3 to %scan3A_5 step %scan3A_6  : i32 {
      "tpu.region"() ({
        %run_scoped3A = tpu.sem_alloc : memref<!tpu.dma_semaphore, #tpu.memory_space<semaphore_mem>>
        %dma_start3A = arith.constant 0 : i32
        %dma_start3A_14 = tpu.memref_slice %arg6[%scan3A_13, %dma_start3A] : memref<40x125xi32, #tpu.memory_space<vmem>> -> memref<1x125xi32, #tpu.memory_space<vmem>>
        %dma_start3A_15 = tpu.memref_squeeze %dma_start3A_14 : memref<1x125xi32, #tpu.memory_space<vmem>> -> memref<125xi32, #tpu.memory_space<vmem>>
        %dma_start3A_16 = arith.constant 0 : i32
        %dma_start3A_17 = tpu.memref_slice %arg8[%dma_start3A_16] : memref<10240xf32, #tpu.memory_space<vmem_shared>> -> memref<10240xf32, #tpu.memory_space<vmem_shared>>
        tpu.enqueue_indirect_dma source(%arg7 : memref<125xf32, #tpu.memory_space<vmem>>) target(%dma_start3A_17 : memref<10240xf32, #tpu.memory_space<vmem_shared>>) offsets(%dma_start3A_15 : memref<125xi32, #tpu.memory_space<vmem>>) semaphore(%run_scoped3A : memref<!tpu.dma_semaphore, #tpu.memory_space<semaphore_mem>>) {add = true}
        %dma_wait3A = arith.constant 0 : i32
        %dma_wait3A_18 = tpu.memref_slice %arg6[%scan3A_13, %dma_wait3A] : memref<40x125xi32, #tpu.memory_space<vmem>> -> memref<1x125xi32, #tpu.memory_space<vmem>>
        %dma_wait3A_19 = tpu.memref_squeeze %dma_wait3A_18 : memref<1x125xi32, #tpu.memory_space<vmem>> -> memref<125xi32, #tpu.memory_space<vmem>>
        %dma_wait3A_20 = arith.constant 0 : i32
        %dma_wait3A_21 = tpu.memref_slice %arg8[%dma_wait3A_20] : memref<10240xf32, #tpu.memory_space<vmem_shared>> -> memref<10240xf32, #tpu.memory_space<vmem_shared>>
        tpu.wait_indirect_dma semaphore(%run_scoped3A : memref<!tpu.dma_semaphore, #tpu.memory_space<semaphore_mem>>) src(%arg7 : memref<125xf32, #tpu.memory_space<vmem>>) dst(%dma_wait3A_21 : memref<10240xf32, #tpu.memory_space<vmem_shared>>)
        tpu.yield
      }) : () -> ()
    }
    %scan3A_7 = arith.constant 40 : i32
    %barrier3A_8 = arith.constant 0 : index
    tpu.barrier barrier_id(%barrier3A_8)
    %mul3A_9 = arith.constant 640 : i32
    %mul3A_10 = arith.muli %arg1, %mul3A_9 : i32
    %mul3A_11 = arith.constant 640 : i32
    %mul3A_12 = arith.muli %arg1, %mul3A_11 : i32
    "tpu.region"() ({
      %run_scoped3A = tpu.sem_alloc : memref<!tpu.dma_semaphore, #tpu.memory_space<semaphore_mem>>
      %dma_start3A = tpu.memref_slice %arg5[%arg0, %mul3A_12] : memref<2x10240xf32, #tpu.memory_space<hbm>> -> memref<1x640xf32, #tpu.memory_space<hbm>>
      %dma_start3A_13 = tpu.memref_squeeze %dma_start3A : memref<1x640xf32, #tpu.memory_space<hbm>> -> memref<640xf32, #tpu.memory_space<hbm>>
      %dma_start3A_14 = tpu.memref_slice %arg8[%mul3A_10] : memref<10240xf32, #tpu.memory_space<vmem_shared>> -> memref<640xf32, #tpu.memory_space<vmem_shared>>
      tpu.enqueue_dma source(%dma_start3A_14 : memref<640xf32, #tpu.memory_space<vmem_shared>>) target(%dma_start3A_13 : memref<640xf32, #tpu.memory_space<hbm>>) target_semaphore(%run_scoped3A : memref<!tpu.dma_semaphore, #tpu.memory_space<semaphore_mem>>)
      %dma_wait3A = tpu.memref_slice %arg5[%arg0, %mul3A_12] : memref<2x10240xf32, #tpu.memory_space<hbm>> -> memref<1x640xf32, #tpu.memory_space<hbm>>
      %dma_wait3A_15 = tpu.memref_squeeze %dma_wait3A : memref<1x640xf32, #tpu.memory_space<hbm>> -> memref<640xf32, #tpu.memory_space<hbm>>
      %dma_wait3A_16 = tpu.memref_slice %arg8[%mul3A_10] : memref<10240xf32, #tpu.memory_space<vmem_shared>> -> memref<640xf32, #tpu.memory_space<vmem_shared>>
      tpu.wait_dma2 semaphore(%run_scoped3A : memref<!tpu.dma_semaphore, #tpu.memory_space<semaphore_mem>>) src(%dma_wait3A_16 : memref<640xf32, #tpu.memory_space<vmem_shared>>) dst(%dma_wait3A_15 : memref<640xf32, #tpu.memory_space<hbm>>)
      tpu.yield
    }) : () -> ()
    return
  }
}

#map = affine_map<(d0, d1) -> (0, 0, 0)>
#map1 = affine_map<(d0, d1) -> (0, 0)>
#map2 = affine_map<(d0, d1) -> (0, 0, 0, 0)>
module attributes {stable_mosaic.version = 14 : i64} {
  func.func @_scat_body(%arg0: i32, %arg1: i32, %arg2: memref<4x10000x128xf32, #tpu.memory_space<hbm>>, %arg3: memref<32x40x125xi32, #tpu.memory_space<hbm>>, %arg4: memref<32x40x125xi32, #tpu.memory_space<hbm>>, %arg5: memref<640x128xf32, #tpu.memory_space<hbm>>, %arg6: memref<2x4x10240x128xf32, #tpu.memory_space<hbm>>, %arg7: memref<40x125xi32, #tpu.memory_space<vmem>>, %arg8: memref<40x125xi32, #tpu.memory_space<vmem>>, %arg9: memref<125x128xf32, #tpu.memory_space<vmem>>, %arg10: memref<125x128xf32, #tpu.memory_space<vmem>>, %arg11: memref<10240x128xf32, #tpu.memory_space<vmem_shared>>, %arg12: memref<!tpu.dma_semaphore, #tpu.memory_space<semaphore_mem>>, %arg13: memref<!tpu.dma_semaphore, #tpu.memory_space<semaphore_mem>>) attributes {dimension_semantics = [#tpu.dimension_semantics<core_parallel>, #tpu.dimension_semantics<subcore_parallel>], iteration_bounds = array<i64: 2, 16>, scalar_prefetch = 0 : i64, scratch_operands = 7 : i64, tpu.core_type = #tpu.core_type<sc_vector_subcore>, window_params = [{transform_indices = #map}, {transform_indices = #map}, {transform_indices = #map}, {transform_indices = #map1}, {transform_indices = #map2}]} {
    %mul3A = arith.constant 2 : i32
    %mul3A_0 = arith.muli %arg1, %mul3A : i32
    %add3A = arith.addi %mul3A_0, %arg0 : i32
    "tpu.region"() ({
      %run_scoped3A_109 = tpu.sem_alloc : memref<!tpu.dma_semaphore, #tpu.memory_space<semaphore_mem>>
      %dma_start3A_110 = arith.constant 0 : i32
      %dma_start3A_111 = arith.constant 0 : i32
      %dma_start3A_112 = tpu.memref_slice %arg3[%add3A, %dma_start3A_110, %dma_start3A_111] : memref<32x40x125xi32, #tpu.memory_space<hbm>> -> memref<1x40x125xi32, #tpu.memory_space<hbm>>
      %dma_start3A_113 = tpu.memref_squeeze %dma_start3A_112 : memref<1x40x125xi32, #tpu.memory_space<hbm>> -> memref<40x125xi32, #tpu.memory_space<hbm>>
      %dma_start3A_114 = arith.constant 0 : i32
      %dma_start3A_115 = arith.constant 0 : i32
      %dma_start3A_116 = tpu.memref_slice %arg3[%add3A, %dma_start3A_114, %dma_start3A_115] : memref<32x40x125xi32, #tpu.memory_space<hbm>> -> memref<1x40x125xi32, #tpu.memory_space<hbm>>
      %dma_start3A_117 = tpu.memref_squeeze %dma_start3A_116 : memref<1x40x125xi32, #tpu.memory_space<hbm>> -> memref<40x125xi32, #tpu.memory_space<hbm>>
      tpu.enqueue_dma source(%dma_start3A_117 : memref<40x125xi32, #tpu.memory_space<hbm>>) target(%arg7 : memref<40x125xi32, #tpu.memory_space<vmem>>) target_semaphore(%run_scoped3A_109 : memref<!tpu.dma_semaphore, #tpu.memory_space<semaphore_mem>>)
      %dma_wait3A = arith.constant 0 : i32
      %dma_wait3A_118 = arith.constant 0 : i32
      %dma_wait3A_119 = tpu.memref_slice %arg3[%add3A, %dma_wait3A, %dma_wait3A_118] : memref<32x40x125xi32, #tpu.memory_space<hbm>> -> memref<1x40x125xi32, #tpu.memory_space<hbm>>
      %dma_wait3A_120 = tpu.memref_squeeze %dma_wait3A_119 : memref<1x40x125xi32, #tpu.memory_space<hbm>> -> memref<40x125xi32, #tpu.memory_space<hbm>>
      %dma_wait3A_121 = arith.constant 0 : i32
      %dma_wait3A_122 = arith.constant 0 : i32
      %dma_wait3A_123 = tpu.memref_slice %arg3[%add3A, %dma_wait3A_121, %dma_wait3A_122] : memref<32x40x125xi32, #tpu.memory_space<hbm>> -> memref<1x40x125xi32, #tpu.memory_space<hbm>>
      %dma_wait3A_124 = tpu.memref_squeeze %dma_wait3A_123 : memref<1x40x125xi32, #tpu.memory_space<hbm>> -> memref<40x125xi32, #tpu.memory_space<hbm>>
      tpu.wait_dma2 semaphore(%run_scoped3A_109 : memref<!tpu.dma_semaphore, #tpu.memory_space<semaphore_mem>>) src(%dma_wait3A_124 : memref<40x125xi32, #tpu.memory_space<hbm>>) dst(%arg7 : memref<40x125xi32, #tpu.memory_space<vmem>>)
      tpu.yield
    }) : () -> ()
    "tpu.region"() ({
      %run_scoped3A_109 = tpu.sem_alloc : memref<!tpu.dma_semaphore, #tpu.memory_space<semaphore_mem>>
      %dma_start3A_110 = arith.constant 0 : i32
      %dma_start3A_111 = arith.constant 0 : i32
      %dma_start3A_112 = tpu.memref_slice %arg4[%add3A, %dma_start3A_110, %dma_start3A_111] : memref<32x40x125xi32, #tpu.memory_space<hbm>> -> memref<1x40x125xi32, #tpu.memory_space<hbm>>
      %dma_start3A_113 = tpu.memref_squeeze %dma_start3A_112 : memref<1x40x125xi32, #tpu.memory_space<hbm>> -> memref<40x125xi32, #tpu.memory_space<hbm>>
      %dma_start3A_114 = arith.constant 0 : i32
      %dma_start3A_115 = arith.constant 0 : i32
      %dma_start3A_116 = tpu.memref_slice %arg4[%add3A, %dma_start3A_114, %dma_start3A_115] : memref<32x40x125xi32, #tpu.memory_space<hbm>> -> memref<1x40x125xi32, #tpu.memory_space<hbm>>
      %dma_start3A_117 = tpu.memref_squeeze %dma_start3A_116 : memref<1x40x125xi32, #tpu.memory_space<hbm>> -> memref<40x125xi32, #tpu.memory_space<hbm>>
      tpu.enqueue_dma source(%dma_start3A_117 : memref<40x125xi32, #tpu.memory_space<hbm>>) target(%arg8 : memref<40x125xi32, #tpu.memory_space<vmem>>) target_semaphore(%run_scoped3A_109 : memref<!tpu.dma_semaphore, #tpu.memory_space<semaphore_mem>>)
      %dma_wait3A = arith.constant 0 : i32
      %dma_wait3A_118 = arith.constant 0 : i32
      %dma_wait3A_119 = tpu.memref_slice %arg4[%add3A, %dma_wait3A, %dma_wait3A_118] : memref<32x40x125xi32, #tpu.memory_space<hbm>> -> memref<1x40x125xi32, #tpu.memory_space<hbm>>
      %dma_wait3A_120 = tpu.memref_squeeze %dma_wait3A_119 : memref<1x40x125xi32, #tpu.memory_space<hbm>> -> memref<40x125xi32, #tpu.memory_space<hbm>>
      %dma_wait3A_121 = arith.constant 0 : i32
      %dma_wait3A_122 = arith.constant 0 : i32
      %dma_wait3A_123 = tpu.memref_slice %arg4[%add3A, %dma_wait3A_121, %dma_wait3A_122] : memref<32x40x125xi32, #tpu.memory_space<hbm>> -> memref<1x40x125xi32, #tpu.memory_space<hbm>>
      %dma_wait3A_124 = tpu.memref_squeeze %dma_wait3A_123 : memref<1x40x125xi32, #tpu.memory_space<hbm>> -> memref<40x125xi32, #tpu.memory_space<hbm>>
      tpu.wait_dma2 semaphore(%run_scoped3A_109 : memref<!tpu.dma_semaphore, #tpu.memory_space<semaphore_mem>>) src(%dma_wait3A_124 : memref<40x125xi32, #tpu.memory_space<hbm>>) dst(%arg8 : memref<40x125xi32, #tpu.memory_space<vmem>>)
      tpu.yield
    }) : () -> ()
    %mul3A_1 = arith.constant 640 : i32
    %mul3A_2 = arith.muli %arg1, %mul3A_1 : i32
    "tpu.region"() ({
      %run_scoped3A_109 = tpu.sem_alloc : memref<!tpu.dma_semaphore, #tpu.memory_space<semaphore_mem>>
      %dma_start3A_110 = arith.constant 0 : i32
      %dma_start3A_111 = tpu.memref_slice %arg11[%mul3A_2, %dma_start3A_110] : memref<10240x128xf32, #tpu.memory_space<vmem_shared>> -> memref<640x128xf32, #tpu.memory_space<vmem_shared>>
      tpu.enqueue_dma source(%arg5 : memref<640x128xf32, #tpu.memory_space<hbm>>) target(%dma_start3A_111 : memref<640x128xf32, #tpu.memory_space<vmem_shared>>) target_semaphore(%run_scoped3A_109 : memref<!tpu.dma_semaphore, #tpu.memory_space<semaphore_mem>>)
      %dma_wait3A = arith.constant 0 : i32
      %dma_wait3A_112 = tpu.memref_slice %arg11[%mul3A_2, %dma_wait3A] : memref<10240x128xf32, #tpu.memory_space<vmem_shared>> -> memref<640x128xf32, #tpu.memory_space<vmem_shared>>
      tpu.wait_dma2 semaphore(%run_scoped3A_109 : memref<!tpu.dma_semaphore, #tpu.memory_space<semaphore_mem>>) src(%arg5 : memref<640x128xf32, #tpu.memory_space<hbm>>) dst(%dma_wait3A_112 : memref<640x128xf32, #tpu.memory_space<vmem_shared>>)
      tpu.yield
    }) : () -> ()
    %barrier3A = arith.constant 0 : index
    tpu.barrier barrier_id(%barrier3A)
    %dma_start3A = arith.constant 0 : i32
    %dma_start3A_3 = arith.constant 0 : i32
    %dma_start3A_4 = arith.constant 0 : i32
    %dma_start3A_5 = tpu.memref_slice %arg7[%dma_start3A_3, %dma_start3A_4] : memref<40x125xi32, #tpu.memory_space<vmem>> -> memref<1x125xi32, #tpu.memory_space<vmem>>
    %dma_start3A_6 = tpu.memref_squeeze %dma_start3A_5 : memref<1x125xi32, #tpu.memory_space<vmem>> -> memref<125xi32, #tpu.memory_space<vmem>>
    %dma_start3A_7 = arith.constant 0 : i32
    %dma_start3A_8 = arith.constant 0 : i32
    %dma_start3A_9 = tpu.memref_slice %arg2[%dma_start3A, %dma_start3A_7, %dma_start3A_8] : memref<4x10000x128xf32, #tpu.memory_space<hbm>> -> memref<1x10000x128xf32, #tpu.memory_space<hbm>>
    %dma_start3A_10 = tpu.memref_squeeze %dma_start3A_9 : memref<1x10000x128xf32, #tpu.memory_space<hbm>> -> memref<10000x128xf32, #tpu.memory_space<hbm>>
    %dma_start3A_11 = arith.constant 0 : i32
    %dma_start3A_12 = arith.constant 0 : i32
    %dma_start3A_13 = tpu.memref_slice %dma_start3A_10[%dma_start3A_11, %dma_start3A_12] : memref<10000x128xf32, #tpu.memory_space<hbm>> -> memref<10000x128xf32, #tpu.memory_space<hbm>>
    tpu.enqueue_indirect_dma source(%dma_start3A_13 : memref<10000x128xf32, #tpu.memory_space<hbm>>) target(%arg9 : memref<125x128xf32, #tpu.memory_space<vmem>>) offsets(%dma_start3A_6 : memref<125xi32, #tpu.memory_space<vmem>>) semaphore(%arg12 : memref<!tpu.dma_semaphore, #tpu.memory_space<semaphore_mem>>)
    %scan3A = arith.constant 0 : i32
    %scan3A_14 = arith.constant 0 : i32
    %scan3A_15 = arith.constant 0 : i32
    %scan3A_16 = arith.constant 20 : i32
    %scan3A_17 = arith.addi %scan3A_15, %scan3A_16 : i32
    %scan3A_18 = arith.constant 1 : i32
    scf.for %scan3A_109 = %scan3A_15 to %scan3A_17 step %scan3A_18  : i32 {
      %mul3A_110 = arith.constant 2 : i32
      %mul3A_111 = arith.muli %mul3A_110, %scan3A_109 : i32
      %dma_wait3A = arith.constant 0 : i32
      %dma_wait3A_112 = tpu.memref_slice %arg7[%mul3A_111, %dma_wait3A] : memref<40x125xi32, #tpu.memory_space<vmem>> -> memref<1x125xi32, #tpu.memory_space<vmem>>
      %dma_wait3A_113 = tpu.memref_squeeze %dma_wait3A_112 : memref<1x125xi32, #tpu.memory_space<vmem>> -> memref<125xi32, #tpu.memory_space<vmem>>
      %dma_wait3A_114 = arith.constant 0 : i32
      %dma_wait3A_115 = arith.constant 0 : i32
      %dma_wait3A_116 = tpu.memref_slice %arg2[%scan3A_14, %dma_wait3A_114, %dma_wait3A_115] : memref<4x10000x128xf32, #tpu.memory_space<hbm>> -> memref<1x10000x128xf32, #tpu.memory_space<hbm>>
      %dma_wait3A_117 = tpu.memref_squeeze %dma_wait3A_116 : memref<1x10000x128xf32, #tpu.memory_space<hbm>> -> memref<10000x128xf32, #tpu.memory_space<hbm>>
      %dma_wait3A_118 = arith.constant 0 : i32
      %dma_wait3A_119 = arith.constant 0 : i32
      %dma_wait3A_120 = tpu.memref_slice %dma_wait3A_117[%dma_wait3A_118, %dma_wait3A_119] : memref<10000x128xf32, #tpu.memory_space<hbm>> -> memref<10000x128xf32, #tpu.memory_space<hbm>>
      tpu.wait_indirect_dma semaphore(%arg12 : memref<!tpu.dma_semaphore, #tpu.memory_space<semaphore_mem>>) src(%dma_wait3A_120 : memref<10000x128xf32, #tpu.memory_space<hbm>>) dst(%arg9 : memref<125x128xf32, #tpu.memory_space<vmem>>)
      %add3A_121 = arith.constant 1 : i32
      %add3A_122 = arith.addi %mul3A_111, %add3A_121 : i32
      %dma_start3A_123 = arith.constant 0 : i32
      %dma_start3A_124 = tpu.memref_slice %arg7[%add3A_122, %dma_start3A_123] : memref<40x125xi32, #tpu.memory_space<vmem>> -> memref<1x125xi32, #tpu.memory_space<vmem>>
      %dma_start3A_125 = tpu.memref_squeeze %dma_start3A_124 : memref<1x125xi32, #tpu.memory_space<vmem>> -> memref<125xi32, #tpu.memory_space<vmem>>
      %dma_start3A_126 = arith.constant 0 : i32
      %dma_start3A_127 = arith.constant 0 : i32
      %dma_start3A_128 = tpu.memref_slice %arg2[%scan3A_14, %dma_start3A_126, %dma_start3A_127] : memref<4x10000x128xf32, #tpu.memory_space<hbm>> -> memref<1x10000x128xf32, #tpu.memory_space<hbm>>
      %dma_start3A_129 = tpu.memref_squeeze %dma_start3A_128 : memref<1x10000x128xf32, #tpu.memory_space<hbm>> -> memref<10000x128xf32, #tpu.memory_space<hbm>>
      %dma_start3A_130 = arith.constant 0 : i32
      %dma_start3A_131 = arith.constant 0 : i32
      %dma_start3A_132 = tpu.memref_slice %dma_start3A_129[%dma_start3A_130, %dma_start3A_131] : memref<10000x128xf32, #tpu.memory_space<hbm>> -> memref<10000x128xf32, #tpu.memory_space<hbm>>
      tpu.enqueue_indirect_dma source(%dma_start3A_132 : memref<10000x128xf32, #tpu.memory_space<hbm>>) target(%arg10 : memref<125x128xf32, #tpu.memory_space<vmem>>) offsets(%dma_start3A_125 : memref<125xi32, #tpu.memory_space<vmem>>) semaphore(%arg13 : memref<!tpu.dma_semaphore, #tpu.memory_space<semaphore_mem>>)
      "tpu.region"() ({
        %run_scoped3A_151 = tpu.sem_alloc : memref<!tpu.dma_semaphore, #tpu.memory_space<semaphore_mem>>
        %dma_start3A_152 = arith.constant 0 : i32
        %dma_start3A_153 = tpu.memref_slice %arg8[%mul3A_111, %dma_start3A_152] : memref<40x125xi32, #tpu.memory_space<vmem>> -> memref<1x125xi32, #tpu.memory_space<vmem>>
        %dma_start3A_154 = tpu.memref_squeeze %dma_start3A_153 : memref<1x125xi32, #tpu.memory_space<vmem>> -> memref<125xi32, #tpu.memory_space<vmem>>
        %dma_start3A_155 = arith.constant 0 : i32
        %dma_start3A_156 = arith.constant 0 : i32
        %dma_start3A_157 = tpu.memref_slice %arg11[%dma_start3A_155, %dma_start3A_156] : memref<10240x128xf32, #tpu.memory_space<vmem_shared>> -> memref<10240x128xf32, #tpu.memory_space<vmem_shared>>
        tpu.enqueue_indirect_dma source(%arg9 : memref<125x128xf32, #tpu.memory_space<vmem>>) target(%dma_start3A_157 : memref<10240x128xf32, #tpu.memory_space<vmem_shared>>) offsets(%dma_start3A_154 : memref<125xi32, #tpu.memory_space<vmem>>) semaphore(%run_scoped3A_151 : memref<!tpu.dma_semaphore, #tpu.memory_space<semaphore_mem>>) {add = true}
        %dma_wait3A_158 = arith.constant 0 : i32
        %dma_wait3A_159 = tpu.memref_slice %arg8[%mul3A_111, %dma_wait3A_158] : memref<40x125xi32, #tpu.memory_space<vmem>> -> memref<1x125xi32, #tpu.memory_space<vmem>>
        %dma_wait3A_160 = tpu.memref_squeeze %dma_wait3A_159 : memref<1x125xi32, #tpu.memory_space<vmem>> -> memref<125xi32, #tpu.memory_space<vmem>>
        %dma_wait3A_161 = arith.constant 0 : i32
        %dma_wait3A_162 = arith.constant 0 : i32
        %dma_wait3A_163 = tpu.memref_slice %arg11[%dma_wait3A_161, %dma_wait3A_162] : memref<10240x128xf32, #tpu.memory_space<vmem_shared>> -> memref<10240x128xf32, #tpu.memory_space<vmem_shared>>
        tpu.wait_indirect_dma semaphore(%run_scoped3A_151 : memref<!tpu.dma_semaphore, #tpu.memory_space<semaphore_mem>>) src(%arg9 : memref<125x128xf32, #tpu.memory_space<vmem>>) dst(%dma_wait3A_163 : memref<10240x128xf32, #tpu.memory_space<vmem_shared>>)
        tpu.yield
      }) : () -> ()
      %add3A_133 = arith.constant 1 : i32
      %add3A_134 = arith.addi %mul3A_111, %add3A_133 : i32
      %dma_wait3A_135 = arith.constant 0 : i32
      %dma_wait3A_136 = tpu.memref_slice %arg7[%add3A_134, %dma_wait3A_135] : memref<40x125xi32, #tpu.memory_space<vmem>> -> memref<1x125xi32, #tpu.memory_space<vmem>>
      %dma_wait3A_137 = tpu.memref_squeeze %dma_wait3A_136 : memref<1x125xi32, #tpu.memory_space<vmem>> -> memref<125xi32, #tpu.memory_space<vmem>>
      %dma_wait3A_138 = arith.constant 0 : i32
      %dma_wait3A_139 = arith.constant 0 : i32
      %dma_wait3A_140 = tpu.memref_slice %arg2[%scan3A_14, %dma_wait3A_138, %dma_wait3A_139] : memref<4x10000x128xf32, #tpu.memory_space<hbm>> -> memref<1x10000x128xf32, #tpu.memory_space<hbm>>
      %dma_wait3A_141 = tpu.memref_squeeze %dma_wait3A_140 : memref<1x10000x128xf32, #tpu.memory_space<hbm>> -> memref<10000x128xf32, #tpu.memory_space<hbm>>
      %dma_wait3A_142 = arith.constant 0 : i32
      %dma_wait3A_143 = arith.constant 0 : i32
      %dma_wait3A_144 = tpu.memref_slice %dma_wait3A_141[%dma_wait3A_142, %dma_wait3A_143] : memref<10000x128xf32, #tpu.memory_space<hbm>> -> memref<10000x128xf32, #tpu.memory_space<hbm>>
      tpu.wait_indirect_dma semaphore(%arg13 : memref<!tpu.dma_semaphore, #tpu.memory_space<semaphore_mem>>) src(%dma_wait3A_144 : memref<10000x128xf32, #tpu.memory_space<hbm>>) dst(%arg10 : memref<125x128xf32, #tpu.memory_space<vmem>>)
      %add3A_145 = arith.constant 1 : i32
      %add3A_146 = arith.addi %scan3A_109, %add3A_145 : i32
      %lt3A = arith.constant 20 : i32
      %lt3A_147 = arith.cmpi slt, %add3A_146, %lt3A : i32
      %convert_element_type3A = arith.extui %lt3A_147 : i1 to i32
      %cond3A = arith.constant 0 : i32
      %cond3A_148 = arith.cmpi ne, %convert_element_type3A, %cond3A : i32
      scf.if %cond3A_148 {
        %add3A_151 = arith.constant 2 : i32
        %add3A_152 = arith.addi %mul3A_111, %add3A_151 : i32
        %dma_start3A_153 = arith.constant 0 : i32
        %dma_start3A_154 = tpu.memref_slice %arg7[%add3A_152, %dma_start3A_153] : memref<40x125xi32, #tpu.memory_space<vmem>> -> memref<1x125xi32, #tpu.memory_space<vmem>>
        %dma_start3A_155 = tpu.memref_squeeze %dma_start3A_154 : memref<1x125xi32, #tpu.memory_space<vmem>> -> memref<125xi32, #tpu.memory_space<vmem>>
        %dma_start3A_156 = arith.constant 0 : i32
        %dma_start3A_157 = arith.constant 0 : i32
        %dma_start3A_158 = tpu.memref_slice %arg2[%scan3A_14, %dma_start3A_156, %dma_start3A_157] : memref<4x10000x128xf32, #tpu.memory_space<hbm>> -> memref<1x10000x128xf32, #tpu.memory_space<hbm>>
        %dma_start3A_159 = tpu.memref_squeeze %dma_start3A_158 : memref<1x10000x128xf32, #tpu.memory_space<hbm>> -> memref<10000x128xf32, #tpu.memory_space<hbm>>
        %dma_start3A_160 = arith.constant 0 : i32
        %dma_start3A_161 = arith.constant 0 : i32
        %dma_start3A_162 = tpu.memref_slice %dma_start3A_159[%dma_start3A_160, %dma_start3A_161] : memref<10000x128xf32, #tpu.memory_space<hbm>> -> memref<10000x128xf32, #tpu.memory_space<hbm>>
        tpu.enqueue_indirect_dma source(%dma_start3A_162 : memref<10000x128xf32, #tpu.memory_space<hbm>>) target(%arg9 : memref<125x128xf32, #tpu.memory_space<vmem>>) offsets(%dma_start3A_155 : memref<125xi32, #tpu.memory_space<vmem>>) semaphore(%arg12 : memref<!tpu.dma_semaphore, #tpu.memory_space<semaphore_mem>>)
      } else {
      }
      %add3A_149 = arith.constant 1 : i32
      %add3A_150 = arith.addi %mul3A_111, %add3A_149 : i32
      "tpu.region"() ({
        %run_scoped3A_151 = tpu.sem_alloc : memref<!tpu.dma_semaphore, #tpu.memory_space<semaphore_mem>>
        %dma_start3A_152 = arith.constant 0 : i32
        %dma_start3A_153 = tpu.memref_slice %arg8[%add3A_150, %dma_start3A_152] : memref<40x125xi32, #tpu.memory_space<vmem>> -> memref<1x125xi32, #tpu.memory_space<vmem>>
        %dma_start3A_154 = tpu.memref_squeeze %dma_start3A_153 : memref<1x125xi32, #tpu.memory_space<vmem>> -> memref<125xi32, #tpu.memory_space<vmem>>
        %dma_start3A_155 = arith.constant 0 : i32
        %dma_start3A_156 = arith.constant 0 : i32
        %dma_start3A_157 = tpu.memref_slice %arg11[%dma_start3A_155, %dma_start3A_156] : memref<10240x128xf32, #tpu.memory_space<vmem_shared>> -> memref<10240x128xf32, #tpu.memory_space<vmem_shared>>
        tpu.enqueue_indirect_dma source(%arg10 : memref<125x128xf32, #tpu.memory_space<vmem>>) target(%dma_start3A_157 : memref<10240x128xf32, #tpu.memory_space<vmem_shared>>) offsets(%dma_start3A_154 : memref<125xi32, #tpu.memory_space<vmem>>) semaphore(%run_scoped3A_151 : memref<!tpu.dma_semaphore, #tpu.memory_space<semaphore_mem>>) {add = true}
        %dma_wait3A_158 = arith.constant 0 : i32
        %dma_wait3A_159 = tpu.memref_slice %arg8[%add3A_150, %dma_wait3A_158] : memref<40x125xi32, #tpu.memory_space<vmem>> -> memref<1x125xi32, #tpu.memory_space<vmem>>
        %dma_wait3A_160 = tpu.memref_squeeze %dma_wait3A_159 : memref<1x125xi32, #tpu.memory_space<vmem>> -> memref<125xi32, #tpu.memory_space<vmem>>
        %dma_wait3A_161 = arith.constant 0 : i32
        %dma_wait3A_162 = arith.constant 0 : i32
        %dma_wait3A_163 = tpu.memref_slice %arg11[%dma_wait3A_161, %dma_wait3A_162] : memref<10240x128xf32, #tpu.memory_space<vmem_shared>> -> memref<10240x128xf32, #tpu.memory_space<vmem_shared>>
        tpu.wait_indirect_dma semaphore(%run_scoped3A_151 : memref<!tpu.dma_semaphore, #tpu.memory_space<semaphore_mem>>) src(%arg10 : memref<125x128xf32, #tpu.memory_space<vmem>>) dst(%dma_wait3A_163 : memref<10240x128xf32, #tpu.memory_space<vmem_shared>>)
        tpu.yield
      }) : () -> ()
    }
    %scan3A_19 = arith.constant 20 : i32
    %barrier3A_20 = arith.constant 0 : index
    tpu.barrier barrier_id(%barrier3A_20)
    %mul3A_21 = arith.constant 640 : i32
    %mul3A_22 = arith.muli %arg1, %mul3A_21 : i32
    %mul3A_23 = arith.constant 640 : i32
    %mul3A_24 = arith.muli %arg1, %mul3A_23 : i32
    %run_scoped3A = arith.constant 0 : i32
    "tpu.region"() ({
      %run_scoped3A_109 = tpu.sem_alloc : memref<!tpu.dma_semaphore, #tpu.memory_space<semaphore_mem>>
      %dma_start3A_110 = arith.constant 0 : i32
      %dma_start3A_111 = tpu.memref_slice %arg6[%arg0, %run_scoped3A, %mul3A_24, %dma_start3A_110] : memref<2x4x10240x128xf32, #tpu.memory_space<hbm>> -> memref<1x1x640x128xf32, #tpu.memory_space<hbm>>
      %dma_start3A_112 = tpu.memref_squeeze %dma_start3A_111 : memref<1x1x640x128xf32, #tpu.memory_space<hbm>> -> memref<640x128xf32, #tpu.memory_space<hbm>>
      %dma_start3A_113 = arith.constant 0 : i32
      %dma_start3A_114 = tpu.memref_slice %arg11[%mul3A_22, %dma_start3A_113] : memref<10240x128xf32, #tpu.memory_space<vmem_shared>> -> memref<640x128xf32, #tpu.memory_space<vmem_shared>>
      tpu.enqueue_dma source(%dma_start3A_114 : memref<640x128xf32, #tpu.memory_space<vmem_shared>>) target(%dma_start3A_112 : memref<640x128xf32, #tpu.memory_space<hbm>>) target_semaphore(%run_scoped3A_109 : memref<!tpu.dma_semaphore, #tpu.memory_space<semaphore_mem>>)
      %dma_wait3A = arith.constant 0 : i32
      %dma_wait3A_115 = tpu.memref_slice %arg6[%arg0, %run_scoped3A, %mul3A_24, %dma_wait3A] : memref<2x4x10240x128xf32, #tpu.memory_space<hbm>> -> memref<1x1x640x128xf32, #tpu.memory_space<hbm>>
      %dma_wait3A_116 = tpu.memref_squeeze %dma_wait3A_115 : memref<1x1x640x128xf32, #tpu.memory_space<hbm>> -> memref<640x128xf32, #tpu.memory_space<hbm>>
      %dma_wait3A_117 = arith.constant 0 : i32
      %dma_wait3A_118 = tpu.memref_slice %arg11[%mul3A_22, %dma_wait3A_117] : memref<10240x128xf32, #tpu.memory_space<vmem_shared>> -> memref<640x128xf32, #tpu.memory_space<vmem_shared>>
      tpu.wait_dma2 semaphore(%run_scoped3A_109 : memref<!tpu.dma_semaphore, #tpu.memory_space<semaphore_mem>>) src(%dma_wait3A_118 : memref<640x128xf32, #tpu.memory_space<vmem_shared>>) dst(%dma_wait3A_116 : memref<640x128xf32, #tpu.memory_space<hbm>>)
      tpu.yield
    }) : () -> ()
    %mul3A_25 = arith.constant 640 : i32
    %mul3A_26 = arith.muli %arg1, %mul3A_25 : i32
    "tpu.region"() ({
      %run_scoped3A_109 = tpu.sem_alloc : memref<!tpu.dma_semaphore, #tpu.memory_space<semaphore_mem>>
      %dma_start3A_110 = arith.constant 0 : i32
      %dma_start3A_111 = tpu.memref_slice %arg11[%mul3A_26, %dma_start3A_110] : memref<10240x128xf32, #tpu.memory_space<vmem_shared>> -> memref<640x128xf32, #tpu.memory_space<vmem_shared>>
      tpu.enqueue_dma source(%arg5 : memref<640x128xf32, #tpu.memory_space<hbm>>) target(%dma_start3A_111 : memref<640x128xf32, #tpu.memory_space<vmem_shared>>) target_semaphore(%run_scoped3A_109 : memref<!tpu.dma_semaphore, #tpu.memory_space<semaphore_mem>>)
      %dma_wait3A = arith.constant 0 : i32
      %dma_wait3A_112 = tpu.memref_slice %arg11[%mul3A_26, %dma_wait3A] : memref<10240x128xf32, #tpu.memory_space<vmem_shared>> -> memref<640x128xf32, #tpu.memory_space<vmem_shared>>
      tpu.wait_dma2 semaphore(%run_scoped3A_109 : memref<!tpu.dma_semaphore, #tpu.memory_space<semaphore_mem>>) src(%arg5 : memref<640x128xf32, #tpu.memory_space<hbm>>) dst(%dma_wait3A_112 : memref<640x128xf32, #tpu.memory_space<vmem_shared>>)
      tpu.yield
    }) : () -> ()
    %barrier3A_27 = arith.constant 0 : index
    tpu.barrier barrier_id(%barrier3A_27)
    %dma_start3A_28 = arith.constant 1 : i32
    %dma_start3A_29 = arith.constant 0 : i32
    %dma_start3A_30 = arith.constant 0 : i32
    %dma_start3A_31 = tpu.memref_slice %arg7[%dma_start3A_29, %dma_start3A_30] : memref<40x125xi32, #tpu.memory_space<vmem>> -> memref<1x125xi32, #tpu.memory_space<vmem>>
    %dma_start3A_32 = tpu.memref_squeeze %dma_start3A_31 : memref<1x125xi32, #tpu.memory_space<vmem>> -> memref<125xi32, #tpu.memory_space<vmem>>
    %dma_start3A_33 = arith.constant 0 : i32
    %dma_start3A_34 = arith.constant 0 : i32
    %dma_start3A_35 = tpu.memref_slice %arg2[%dma_start3A_28, %dma_start3A_33, %dma_start3A_34] : memref<4x10000x128xf32, #tpu.memory_space<hbm>> -> memref<1x10000x128xf32, #tpu.memory_space<hbm>>
    %dma_start3A_36 = tpu.memref_squeeze %dma_start3A_35 : memref<1x10000x128xf32, #tpu.memory_space<hbm>> -> memref<10000x128xf32, #tpu.memory_space<hbm>>
    %dma_start3A_37 = arith.constant 0 : i32
    %dma_start3A_38 = arith.constant 0 : i32
    %dma_start3A_39 = tpu.memref_slice %dma_start3A_36[%dma_start3A_37, %dma_start3A_38] : memref<10000x128xf32, #tpu.memory_space<hbm>> -> memref<10000x128xf32, #tpu.memory_space<hbm>>
    tpu.enqueue_indirect_dma source(%dma_start3A_39 : memref<10000x128xf32, #tpu.memory_space<hbm>>) target(%arg9 : memref<125x128xf32, #tpu.memory_space<vmem>>) offsets(%dma_start3A_32 : memref<125xi32, #tpu.memory_space<vmem>>) semaphore(%arg12 : memref<!tpu.dma_semaphore, #tpu.memory_space<semaphore_mem>>)
    %scan3A_40 = arith.constant 0 : i32
    %scan3A_41 = arith.constant 1 : i32
    %scan3A_42 = arith.constant 0 : i32
    %scan3A_43 = arith.constant 20 : i32
    %scan3A_44 = arith.addi %scan3A_42, %scan3A_43 : i32
    %scan3A_45 = arith.constant 1 : i32
    scf.for %scan3A_109 = %scan3A_42 to %scan3A_44 step %scan3A_45  : i32 {
      %mul3A_110 = arith.constant 2 : i32
      %mul3A_111 = arith.muli %mul3A_110, %scan3A_109 : i32
      %dma_wait3A = arith.constant 0 : i32
      %dma_wait3A_112 = tpu.memref_slice %arg7[%mul3A_111, %dma_wait3A] : memref<40x125xi32, #tpu.memory_space<vmem>> -> memref<1x125xi32, #tpu.memory_space<vmem>>
      %dma_wait3A_113 = tpu.memref_squeeze %dma_wait3A_112 : memref<1x125xi32, #tpu.memory_space<vmem>> -> memref<125xi32, #tpu.memory_space<vmem>>
      %dma_wait3A_114 = arith.constant 0 : i32
      %dma_wait3A_115 = arith.constant 0 : i32
      %dma_wait3A_116 = tpu.memref_slice %arg2[%scan3A_41, %dma_wait3A_114, %dma_wait3A_115] : memref<4x10000x128xf32, #tpu.memory_space<hbm>> -> memref<1x10000x128xf32, #tpu.memory_space<hbm>>
      %dma_wait3A_117 = tpu.memref_squeeze %dma_wait3A_116 : memref<1x10000x128xf32, #tpu.memory_space<hbm>> -> memref<10000x128xf32, #tpu.memory_space<hbm>>
      %dma_wait3A_118 = arith.constant 0 : i32
      %dma_wait3A_119 = arith.constant 0 : i32
      %dma_wait3A_120 = tpu.memref_slice %dma_wait3A_117[%dma_wait3A_118, %dma_wait3A_119] : memref<10000x128xf32, #tpu.memory_space<hbm>> -> memref<10000x128xf32, #tpu.memory_space<hbm>>
      tpu.wait_indirect_dma semaphore(%arg12 : memref<!tpu.dma_semaphore, #tpu.memory_space<semaphore_mem>>) src(%dma_wait3A_120 : memref<10000x128xf32, #tpu.memory_space<hbm>>) dst(%arg9 : memref<125x128xf32, #tpu.memory_space<vmem>>)
      %add3A_121 = arith.constant 1 : i32
      %add3A_122 = arith.addi %mul3A_111, %add3A_121 : i32
      %dma_start3A_123 = arith.constant 0 : i32
      %dma_start3A_124 = tpu.memref_slice %arg7[%add3A_122, %dma_start3A_123] : memref<40x125xi32, #tpu.memory_space<vmem>> -> memref<1x125xi32, #tpu.memory_space<vmem>>
      %dma_start3A_125 = tpu.memref_squeeze %dma_start3A_124 : memref<1x125xi32, #tpu.memory_space<vmem>> -> memref<125xi32, #tpu.memory_space<vmem>>
      %dma_start3A_126 = arith.constant 0 : i32
      %dma_start3A_127 = arith.constant 0 : i32
      %dma_start3A_128 = tpu.memref_slice %arg2[%scan3A_41, %dma_start3A_126, %dma_start3A_127] : memref<4x10000x128xf32, #tpu.memory_space<hbm>> -> memref<1x10000x128xf32, #tpu.memory_space<hbm>>
      %dma_start3A_129 = tpu.memref_squeeze %dma_start3A_128 : memref<1x10000x128xf32, #tpu.memory_space<hbm>> -> memref<10000x128xf32, #tpu.memory_space<hbm>>
      %dma_start3A_130 = arith.constant 0 : i32
      %dma_start3A_131 = arith.constant 0 : i32
      %dma_start3A_132 = tpu.memref_slice %dma_start3A_129[%dma_start3A_130, %dma_start3A_131] : memref<10000x128xf32, #tpu.memory_space<hbm>> -> memref<10000x128xf32, #tpu.memory_space<hbm>>
      tpu.enqueue_indirect_dma source(%dma_start3A_132 : memref<10000x128xf32, #tpu.memory_space<hbm>>) target(%arg10 : memref<125x128xf32, #tpu.memory_space<vmem>>) offsets(%dma_start3A_125 : memref<125xi32, #tpu.memory_space<vmem>>) semaphore(%arg13 : memref<!tpu.dma_semaphore, #tpu.memory_space<semaphore_mem>>)
      "tpu.region"() ({
        %run_scoped3A_151 = tpu.sem_alloc : memref<!tpu.dma_semaphore, #tpu.memory_space<semaphore_mem>>
        %dma_start3A_152 = arith.constant 0 : i32
        %dma_start3A_153 = tpu.memref_slice %arg8[%mul3A_111, %dma_start3A_152] : memref<40x125xi32, #tpu.memory_space<vmem>> -> memref<1x125xi32, #tpu.memory_space<vmem>>
        %dma_start3A_154 = tpu.memref_squeeze %dma_start3A_153 : memref<1x125xi32, #tpu.memory_space<vmem>> -> memref<125xi32, #tpu.memory_space<vmem>>
        %dma_start3A_155 = arith.constant 0 : i32
        %dma_start3A_156 = arith.constant 0 : i32
        %dma_start3A_157 = tpu.memref_slice %arg11[%dma_start3A_155, %dma_start3A_156] : memref<10240x128xf32, #tpu.memory_space<vmem_shared>> -> memref<10240x128xf32, #tpu.memory_space<vmem_shared>>
        tpu.enqueue_indirect_dma source(%arg9 : memref<125x128xf32, #tpu.memory_space<vmem>>) target(%dma_start3A_157 : memref<10240x128xf32, #tpu.memory_space<vmem_shared>>) offsets(%dma_start3A_154 : memref<125xi32, #tpu.memory_space<vmem>>) semaphore(%run_scoped3A_151 : memref<!tpu.dma_semaphore, #tpu.memory_space<semaphore_mem>>) {add = true}
        %dma_wait3A_158 = arith.constant 0 : i32
        %dma_wait3A_159 = tpu.memref_slice %arg8[%mul3A_111, %dma_wait3A_158] : memref<40x125xi32, #tpu.memory_space<vmem>> -> memref<1x125xi32, #tpu.memory_space<vmem>>
        %dma_wait3A_160 = tpu.memref_squeeze %dma_wait3A_159 : memref<1x125xi32, #tpu.memory_space<vmem>> -> memref<125xi32, #tpu.memory_space<vmem>>
        %dma_wait3A_161 = arith.constant 0 : i32
        %dma_wait3A_162 = arith.constant 0 : i32
        %dma_wait3A_163 = tpu.memref_slice %arg11[%dma_wait3A_161, %dma_wait3A_162] : memref<10240x128xf32, #tpu.memory_space<vmem_shared>> -> memref<10240x128xf32, #tpu.memory_space<vmem_shared>>
        tpu.wait_indirect_dma semaphore(%run_scoped3A_151 : memref<!tpu.dma_semaphore, #tpu.memory_space<semaphore_mem>>) src(%arg9 : memref<125x128xf32, #tpu.memory_space<vmem>>) dst(%dma_wait3A_163 : memref<10240x128xf32, #tpu.memory_space<vmem_shared>>)
        tpu.yield
      }) : () -> ()
      %add3A_133 = arith.constant 1 : i32
      %add3A_134 = arith.addi %mul3A_111, %add3A_133 : i32
      %dma_wait3A_135 = arith.constant 0 : i32
      %dma_wait3A_136 = tpu.memref_slice %arg7[%add3A_134, %dma_wait3A_135] : memref<40x125xi32, #tpu.memory_space<vmem>> -> memref<1x125xi32, #tpu.memory_space<vmem>>
      %dma_wait3A_137 = tpu.memref_squeeze %dma_wait3A_136 : memref<1x125xi32, #tpu.memory_space<vmem>> -> memref<125xi32, #tpu.memory_space<vmem>>
      %dma_wait3A_138 = arith.constant 0 : i32
      %dma_wait3A_139 = arith.constant 0 : i32
      %dma_wait3A_140 = tpu.memref_slice %arg2[%scan3A_41, %dma_wait3A_138, %dma_wait3A_139] : memref<4x10000x128xf32, #tpu.memory_space<hbm>> -> memref<1x10000x128xf32, #tpu.memory_space<hbm>>
      %dma_wait3A_141 = tpu.memref_squeeze %dma_wait3A_140 : memref<1x10000x128xf32, #tpu.memory_space<hbm>> -> memref<10000x128xf32, #tpu.memory_space<hbm>>
      %dma_wait3A_142 = arith.constant 0 : i32
      %dma_wait3A_143 = arith.constant 0 : i32
      %dma_wait3A_144 = tpu.memref_slice %dma_wait3A_141[%dma_wait3A_142, %dma_wait3A_143] : memref<10000x128xf32, #tpu.memory_space<hbm>> -> memref<10000x128xf32, #tpu.memory_space<hbm>>
      tpu.wait_indirect_dma semaphore(%arg13 : memref<!tpu.dma_semaphore, #tpu.memory_space<semaphore_mem>>) src(%dma_wait3A_144 : memref<10000x128xf32, #tpu.memory_space<hbm>>) dst(%arg10 : memref<125x128xf32, #tpu.memory_space<vmem>>)
      %add3A_145 = arith.constant 1 : i32
      %add3A_146 = arith.addi %scan3A_109, %add3A_145 : i32
      %lt3A = arith.constant 20 : i32
      %lt3A_147 = arith.cmpi slt, %add3A_146, %lt3A : i32
      %convert_element_type3A = arith.extui %lt3A_147 : i1 to i32
      %cond3A = arith.constant 0 : i32
      %cond3A_148 = arith.cmpi ne, %convert_element_type3A, %cond3A : i32
      scf.if %cond3A_148 {
        %add3A_151 = arith.constant 2 : i32
        %add3A_152 = arith.addi %mul3A_111, %add3A_151 : i32
        %dma_start3A_153 = arith.constant 0 : i32
        %dma_start3A_154 = tpu.memref_slice %arg7[%add3A_152, %dma_start3A_153] : memref<40x125xi32, #tpu.memory_space<vmem>> -> memref<1x125xi32, #tpu.memory_space<vmem>>
        %dma_start3A_155 = tpu.memref_squeeze %dma_start3A_154 : memref<1x125xi32, #tpu.memory_space<vmem>> -> memref<125xi32, #tpu.memory_space<vmem>>
        %dma_start3A_156 = arith.constant 0 : i32
        %dma_start3A_157 = arith.constant 0 : i32
        %dma_start3A_158 = tpu.memref_slice %arg2[%scan3A_41, %dma_start3A_156, %dma_start3A_157] : memref<4x10000x128xf32, #tpu.memory_space<hbm>> -> memref<1x10000x128xf32, #tpu.memory_space<hbm>>
        %dma_start3A_159 = tpu.memref_squeeze %dma_start3A_158 : memref<1x10000x128xf32, #tpu.memory_space<hbm>> -> memref<10000x128xf32, #tpu.memory_space<hbm>>
        %dma_start3A_160 = arith.constant 0 : i32
        %dma_start3A_161 = arith.constant 0 : i32
        %dma_start3A_162 = tpu.memref_slice %dma_start3A_159[%dma_start3A_160, %dma_start3A_161] : memref<10000x128xf32, #tpu.memory_space<hbm>> -> memref<10000x128xf32, #tpu.memory_space<hbm>>
        tpu.enqueue_indirect_dma source(%dma_start3A_162 : memref<10000x128xf32, #tpu.memory_space<hbm>>) target(%arg9 : memref<125x128xf32, #tpu.memory_space<vmem>>) offsets(%dma_start3A_155 : memref<125xi32, #tpu.memory_space<vmem>>) semaphore(%arg12 : memref<!tpu.dma_semaphore, #tpu.memory_space<semaphore_mem>>)
      } else {
      }
      %add3A_149 = arith.constant 1 : i32
      %add3A_150 = arith.addi %mul3A_111, %add3A_149 : i32
      "tpu.region"() ({
        %run_scoped3A_151 = tpu.sem_alloc : memref<!tpu.dma_semaphore, #tpu.memory_space<semaphore_mem>>
        %dma_start3A_152 = arith.constant 0 : i32
        %dma_start3A_153 = tpu.memref_slice %arg8[%add3A_150, %dma_start3A_152] : memref<40x125xi32, #tpu.memory_space<vmem>> -> memref<1x125xi32, #tpu.memory_space<vmem>>
        %dma_start3A_154 = tpu.memref_squeeze %dma_start3A_153 : memref<1x125xi32, #tpu.memory_space<vmem>> -> memref<125xi32, #tpu.memory_space<vmem>>
        %dma_start3A_155 = arith.constant 0 : i32
        %dma_start3A_156 = arith.constant 0 : i32
        %dma_start3A_157 = tpu.memref_slice %arg11[%dma_start3A_155, %dma_start3A_156] : memref<10240x128xf32, #tpu.memory_space<vmem_shared>> -> memref<10240x128xf32, #tpu.memory_space<vmem_shared>>
        tpu.enqueue_indirect_dma source(%arg10 : memref<125x128xf32, #tpu.memory_space<vmem>>) target(%dma_start3A_157 : memref<10240x128xf32, #tpu.memory_space<vmem_shared>>) offsets(%dma_start3A_154 : memref<125xi32, #tpu.memory_space<vmem>>) semaphore(%run_scoped3A_151 : memref<!tpu.dma_semaphore, #tpu.memory_space<semaphore_mem>>) {add = true}
        %dma_wait3A_158 = arith.constant 0 : i32
        %dma_wait3A_159 = tpu.memref_slice %arg8[%add3A_150, %dma_wait3A_158] : memref<40x125xi32, #tpu.memory_space<vmem>> -> memref<1x125xi32, #tpu.memory_space<vmem>>
        %dma_wait3A_160 = tpu.memref_squeeze %dma_wait3A_159 : memref<1x125xi32, #tpu.memory_space<vmem>> -> memref<125xi32, #tpu.memory_space<vmem>>
        %dma_wait3A_161 = arith.constant 0 : i32
        %dma_wait3A_162 = arith.constant 0 : i32
        %dma_wait3A_163 = tpu.memref_slice %arg11[%dma_wait3A_161, %dma_wait3A_162] : memref<10240x128xf32, #tpu.memory_space<vmem_shared>> -> memref<10240x128xf32, #tpu.memory_space<vmem_shared>>
        tpu.wait_indirect_dma semaphore(%run_scoped3A_151 : memref<!tpu.dma_semaphore, #tpu.memory_space<semaphore_mem>>) src(%arg10 : memref<125x128xf32, #tpu.memory_space<vmem>>) dst(%dma_wait3A_163 : memref<10240x128xf32, #tpu.memory_space<vmem_shared>>)
        tpu.yield
      }) : () -> ()
    }
    %scan3A_46 = arith.constant 20 : i32
    %barrier3A_47 = arith.constant 0 : index
    tpu.barrier barrier_id(%barrier3A_47)
    %mul3A_48 = arith.constant 640 : i32
    %mul3A_49 = arith.muli %arg1, %mul3A_48 : i32
    %mul3A_50 = arith.constant 640 : i32
    %mul3A_51 = arith.muli %arg1, %mul3A_50 : i32
    %run_scoped3A_52 = arith.constant 1 : i32
    "tpu.region"() ({
      %run_scoped3A_109 = tpu.sem_alloc : memref<!tpu.dma_semaphore, #tpu.memory_space<semaphore_mem>>
      %dma_start3A_110 = arith.constant 0 : i32
      %dma_start3A_111 = tpu.memref_slice %arg6[%arg0, %run_scoped3A_52, %mul3A_51, %dma_start3A_110] : memref<2x4x10240x128xf32, #tpu.memory_space<hbm>> -> memref<1x1x640x128xf32, #tpu.memory_space<hbm>>
      %dma_start3A_112 = tpu.memref_squeeze %dma_start3A_111 : memref<1x1x640x128xf32, #tpu.memory_space<hbm>> -> memref<640x128xf32, #tpu.memory_space<hbm>>
      %dma_start3A_113 = arith.constant 0 : i32
      %dma_start3A_114 = tpu.memref_slice %arg11[%mul3A_49, %dma_start3A_113] : memref<10240x128xf32, #tpu.memory_space<vmem_shared>> -> memref<640x128xf32, #tpu.memory_space<vmem_shared>>
      tpu.enqueue_dma source(%dma_start3A_114 : memref<640x128xf32, #tpu.memory_space<vmem_shared>>) target(%dma_start3A_112 : memref<640x128xf32, #tpu.memory_space<hbm>>) target_semaphore(%run_scoped3A_109 : memref<!tpu.dma_semaphore, #tpu.memory_space<semaphore_mem>>)
      %dma_wait3A = arith.constant 0 : i32
      %dma_wait3A_115 = tpu.memref_slice %arg6[%arg0, %run_scoped3A_52, %mul3A_51, %dma_wait3A] : memref<2x4x10240x128xf32, #tpu.memory_space<hbm>> -> memref<1x1x640x128xf32, #tpu.memory_space<hbm>>
      %dma_wait3A_116 = tpu.memref_squeeze %dma_wait3A_115 : memref<1x1x640x128xf32, #tpu.memory_space<hbm>> -> memref<640x128xf32, #tpu.memory_space<hbm>>
      %dma_wait3A_117 = arith.constant 0 : i32
      %dma_wait3A_118 = tpu.memref_slice %arg11[%mul3A_49, %dma_wait3A_117] : memref<10240x128xf32, #tpu.memory_space<vmem_shared>> -> memref<640x128xf32, #tpu.memory_space<vmem_shared>>
      tpu.wait_dma2 semaphore(%run_scoped3A_109 : memref<!tpu.dma_semaphore, #tpu.memory_space<semaphore_mem>>) src(%dma_wait3A_118 : memref<640x128xf32, #tpu.memory_space<vmem_shared>>) dst(%dma_wait3A_116 : memref<640x128xf32, #tpu.memory_space<hbm>>)
      tpu.yield
    }) : () -> ()
    %mul3A_53 = arith.constant 640 : i32
    %mul3A_54 = arith.muli %arg1, %mul3A_53 : i32
    "tpu.region"() ({
      %run_scoped3A_109 = tpu.sem_alloc : memref<!tpu.dma_semaphore, #tpu.memory_space<semaphore_mem>>
      %dma_start3A_110 = arith.constant 0 : i32
      %dma_start3A_111 = tpu.memref_slice %arg11[%mul3A_54, %dma_start3A_110] : memref<10240x128xf32, #tpu.memory_space<vmem_shared>> -> memref<640x128xf32, #tpu.memory_space<vmem_shared>>
      tpu.enqueue_dma source(%arg5 : memref<640x128xf32, #tpu.memory_space<hbm>>) target(%dma_start3A_111 : memref<640x128xf32, #tpu.memory_space<vmem_shared>>) target_semaphore(%run_scoped3A_109 : memref<!tpu.dma_semaphore, #tpu.memory_space<semaphore_mem>>)
      %dma_wait3A = arith.constant 0 : i32
      %dma_wait3A_112 = tpu.memref_slice %arg11[%mul3A_54, %dma_wait3A] : memref<10240x128xf32, #tpu.memory_space<vmem_shared>> -> memref<640x128xf32, #tpu.memory_space<vmem_shared>>
      tpu.wait_dma2 semaphore(%run_scoped3A_109 : memref<!tpu.dma_semaphore, #tpu.memory_space<semaphore_mem>>) src(%arg5 : memref<640x128xf32, #tpu.memory_space<hbm>>) dst(%dma_wait3A_112 : memref<640x128xf32, #tpu.memory_space<vmem_shared>>)
      tpu.yield
    }) : () -> ()
    %barrier3A_55 = arith.constant 0 : index
    tpu.barrier barrier_id(%barrier3A_55)
    %dma_start3A_56 = arith.constant 2 : i32
    %dma_start3A_57 = arith.constant 0 : i32
    %dma_start3A_58 = arith.constant 0 : i32
    %dma_start3A_59 = tpu.memref_slice %arg7[%dma_start3A_57, %dma_start3A_58] : memref<40x125xi32, #tpu.memory_space<vmem>> -> memref<1x125xi32, #tpu.memory_space<vmem>>
    %dma_start3A_60 = tpu.memref_squeeze %dma_start3A_59 : memref<1x125xi32, #tpu.memory_space<vmem>> -> memref<125xi32, #tpu.memory_space<vmem>>
    %dma_start3A_61 = arith.constant 0 : i32
    %dma_start3A_62 = arith.constant 0 : i32
    %dma_start3A_63 = tpu.memref_slice %arg2[%dma_start3A_56, %dma_start3A_61, %dma_start3A_62] : memref<4x10000x128xf32, #tpu.memory_space<hbm>> -> memref<1x10000x128xf32, #tpu.memory_space<hbm>>
    %dma_start3A_64 = tpu.memref_squeeze %dma_start3A_63 : memref<1x10000x128xf32, #tpu.memory_space<hbm>> -> memref<10000x128xf32, #tpu.memory_space<hbm>>
    %dma_start3A_65 = arith.constant 0 : i32
    %dma_start3A_66 = arith.constant 0 : i32
    %dma_start3A_67 = tpu.memref_slice %dma_start3A_64[%dma_start3A_65, %dma_start3A_66] : memref<10000x128xf32, #tpu.memory_space<hbm>> -> memref<10000x128xf32, #tpu.memory_space<hbm>>
    tpu.enqueue_indirect_dma source(%dma_start3A_67 : memref<10000x128xf32, #tpu.memory_space<hbm>>) target(%arg9 : memref<125x128xf32, #tpu.memory_space<vmem>>) offsets(%dma_start3A_60 : memref<125xi32, #tpu.memory_space<vmem>>) semaphore(%arg12 : memref<!tpu.dma_semaphore, #tpu.memory_space<semaphore_mem>>)
    %scan3A_68 = arith.constant 0 : i32
    %scan3A_69 = arith.constant 2 : i32
    %scan3A_70 = arith.constant 0 : i32
    %scan3A_71 = arith.constant 20 : i32
    %scan3A_72 = arith.addi %scan3A_70, %scan3A_71 : i32
    %scan3A_73 = arith.constant 1 : i32
    scf.for %scan3A_109 = %scan3A_70 to %scan3A_72 step %scan3A_73  : i32 {
      %mul3A_110 = arith.constant 2 : i32
      %mul3A_111 = arith.muli %mul3A_110, %scan3A_109 : i32
      %dma_wait3A = arith.constant 0 : i32
      %dma_wait3A_112 = tpu.memref_slice %arg7[%mul3A_111, %dma_wait3A] : memref<40x125xi32, #tpu.memory_space<vmem>> -> memref<1x125xi32, #tpu.memory_space<vmem>>
      %dma_wait3A_113 = tpu.memref_squeeze %dma_wait3A_112 : memref<1x125xi32, #tpu.memory_space<vmem>> -> memref<125xi32, #tpu.memory_space<vmem>>
      %dma_wait3A_114 = arith.constant 0 : i32
      %dma_wait3A_115 = arith.constant 0 : i32
      %dma_wait3A_116 = tpu.memref_slice %arg2[%scan3A_69, %dma_wait3A_114, %dma_wait3A_115] : memref<4x10000x128xf32, #tpu.memory_space<hbm>> -> memref<1x10000x128xf32, #tpu.memory_space<hbm>>
      %dma_wait3A_117 = tpu.memref_squeeze %dma_wait3A_116 : memref<1x10000x128xf32, #tpu.memory_space<hbm>> -> memref<10000x128xf32, #tpu.memory_space<hbm>>
      %dma_wait3A_118 = arith.constant 0 : i32
      %dma_wait3A_119 = arith.constant 0 : i32
      %dma_wait3A_120 = tpu.memref_slice %dma_wait3A_117[%dma_wait3A_118, %dma_wait3A_119] : memref<10000x128xf32, #tpu.memory_space<hbm>> -> memref<10000x128xf32, #tpu.memory_space<hbm>>
      tpu.wait_indirect_dma semaphore(%arg12 : memref<!tpu.dma_semaphore, #tpu.memory_space<semaphore_mem>>) src(%dma_wait3A_120 : memref<10000x128xf32, #tpu.memory_space<hbm>>) dst(%arg9 : memref<125x128xf32, #tpu.memory_space<vmem>>)
      %add3A_121 = arith.constant 1 : i32
      %add3A_122 = arith.addi %mul3A_111, %add3A_121 : i32
      %dma_start3A_123 = arith.constant 0 : i32
      %dma_start3A_124 = tpu.memref_slice %arg7[%add3A_122, %dma_start3A_123] : memref<40x125xi32, #tpu.memory_space<vmem>> -> memref<1x125xi32, #tpu.memory_space<vmem>>
      %dma_start3A_125 = tpu.memref_squeeze %dma_start3A_124 : memref<1x125xi32, #tpu.memory_space<vmem>> -> memref<125xi32, #tpu.memory_space<vmem>>
      %dma_start3A_126 = arith.constant 0 : i32
      %dma_start3A_127 = arith.constant 0 : i32
      %dma_start3A_128 = tpu.memref_slice %arg2[%scan3A_69, %dma_start3A_126, %dma_start3A_127] : memref<4x10000x128xf32, #tpu.memory_space<hbm>> -> memref<1x10000x128xf32, #tpu.memory_space<hbm>>
      %dma_start3A_129 = tpu.memref_squeeze %dma_start3A_128 : memref<1x10000x128xf32, #tpu.memory_space<hbm>> -> memref<10000x128xf32, #tpu.memory_space<hbm>>
      %dma_start3A_130 = arith.constant 0 : i32
      %dma_start3A_131 = arith.constant 0 : i32
      %dma_start3A_132 = tpu.memref_slice %dma_start3A_129[%dma_start3A_130, %dma_start3A_131] : memref<10000x128xf32, #tpu.memory_space<hbm>> -> memref<10000x128xf32, #tpu.memory_space<hbm>>
      tpu.enqueue_indirect_dma source(%dma_start3A_132 : memref<10000x128xf32, #tpu.memory_space<hbm>>) target(%arg10 : memref<125x128xf32, #tpu.memory_space<vmem>>) offsets(%dma_start3A_125 : memref<125xi32, #tpu.memory_space<vmem>>) semaphore(%arg13 : memref<!tpu.dma_semaphore, #tpu.memory_space<semaphore_mem>>)
      "tpu.region"() ({
        %run_scoped3A_151 = tpu.sem_alloc : memref<!tpu.dma_semaphore, #tpu.memory_space<semaphore_mem>>
        %dma_start3A_152 = arith.constant 0 : i32
        %dma_start3A_153 = tpu.memref_slice %arg8[%mul3A_111, %dma_start3A_152] : memref<40x125xi32, #tpu.memory_space<vmem>> -> memref<1x125xi32, #tpu.memory_space<vmem>>
        %dma_start3A_154 = tpu.memref_squeeze %dma_start3A_153 : memref<1x125xi32, #tpu.memory_space<vmem>> -> memref<125xi32, #tpu.memory_space<vmem>>
        %dma_start3A_155 = arith.constant 0 : i32
        %dma_start3A_156 = arith.constant 0 : i32
        %dma_start3A_157 = tpu.memref_slice %arg11[%dma_start3A_155, %dma_start3A_156] : memref<10240x128xf32, #tpu.memory_space<vmem_shared>> -> memref<10240x128xf32, #tpu.memory_space<vmem_shared>>
        tpu.enqueue_indirect_dma source(%arg9 : memref<125x128xf32, #tpu.memory_space<vmem>>) target(%dma_start3A_157 : memref<10240x128xf32, #tpu.memory_space<vmem_shared>>) offsets(%dma_start3A_154 : memref<125xi32, #tpu.memory_space<vmem>>) semaphore(%run_scoped3A_151 : memref<!tpu.dma_semaphore, #tpu.memory_space<semaphore_mem>>) {add = true}
        %dma_wait3A_158 = arith.constant 0 : i32
        %dma_wait3A_159 = tpu.memref_slice %arg8[%mul3A_111, %dma_wait3A_158] : memref<40x125xi32, #tpu.memory_space<vmem>> -> memref<1x125xi32, #tpu.memory_space<vmem>>
        %dma_wait3A_160 = tpu.memref_squeeze %dma_wait3A_159 : memref<1x125xi32, #tpu.memory_space<vmem>> -> memref<125xi32, #tpu.memory_space<vmem>>
        %dma_wait3A_161 = arith.constant 0 : i32
        %dma_wait3A_162 = arith.constant 0 : i32
        %dma_wait3A_163 = tpu.memref_slice %arg11[%dma_wait3A_161, %dma_wait3A_162] : memref<10240x128xf32, #tpu.memory_space<vmem_shared>> -> memref<10240x128xf32, #tpu.memory_space<vmem_shared>>
        tpu.wait_indirect_dma semaphore(%run_scoped3A_151 : memref<!tpu.dma_semaphore, #tpu.memory_space<semaphore_mem>>) src(%arg9 : memref<125x128xf32, #tpu.memory_space<vmem>>) dst(%dma_wait3A_163 : memref<10240x128xf32, #tpu.memory_space<vmem_shared>>)
        tpu.yield
      }) : () -> ()
      %add3A_133 = arith.constant 1 : i32
      %add3A_134 = arith.addi %mul3A_111, %add3A_133 : i32
      %dma_wait3A_135 = arith.constant 0 : i32
      %dma_wait3A_136 = tpu.memref_slice %arg7[%add3A_134, %dma_wait3A_135] : memref<40x125xi32, #tpu.memory_space<vmem>> -> memref<1x125xi32, #tpu.memory_space<vmem>>
      %dma_wait3A_137 = tpu.memref_squeeze %dma_wait3A_136 : memref<1x125xi32, #tpu.memory_space<vmem>> -> memref<125xi32, #tpu.memory_space<vmem>>
      %dma_wait3A_138 = arith.constant 0 : i32
      %dma_wait3A_139 = arith.constant 0 : i32
      %dma_wait3A_140 = tpu.memref_slice %arg2[%scan3A_69, %dma_wait3A_138, %dma_wait3A_139] : memref<4x10000x128xf32, #tpu.memory_space<hbm>> -> memref<1x10000x128xf32, #tpu.memory_space<hbm>>
      %dma_wait3A_141 = tpu.memref_squeeze %dma_wait3A_140 : memref<1x10000x128xf32, #tpu.memory_space<hbm>> -> memref<10000x128xf32, #tpu.memory_space<hbm>>
      %dma_wait3A_142 = arith.constant 0 : i32
      %dma_wait3A_143 = arith.constant 0 : i32
      %dma_wait3A_144 = tpu.memref_slice %dma_wait3A_141[%dma_wait3A_142, %dma_wait3A_143] : memref<10000x128xf32, #tpu.memory_space<hbm>> -> memref<10000x128xf32, #tpu.memory_space<hbm>>
      tpu.wait_indirect_dma semaphore(%arg13 : memref<!tpu.dma_semaphore, #tpu.memory_space<semaphore_mem>>) src(%dma_wait3A_144 : memref<10000x128xf32, #tpu.memory_space<hbm>>) dst(%arg10 : memref<125x128xf32, #tpu.memory_space<vmem>>)
      %add3A_145 = arith.constant 1 : i32
      %add3A_146 = arith.addi %scan3A_109, %add3A_145 : i32
      %lt3A = arith.constant 20 : i32
      %lt3A_147 = arith.cmpi slt, %add3A_146, %lt3A : i32
      %convert_element_type3A = arith.extui %lt3A_147 : i1 to i32
      %cond3A = arith.constant 0 : i32
      %cond3A_148 = arith.cmpi ne, %convert_element_type3A, %cond3A : i32
      scf.if %cond3A_148 {
        %add3A_151 = arith.constant 2 : i32
        %add3A_152 = arith.addi %mul3A_111, %add3A_151 : i32
        %dma_start3A_153 = arith.constant 0 : i32
        %dma_start3A_154 = tpu.memref_slice %arg7[%add3A_152, %dma_start3A_153] : memref<40x125xi32, #tpu.memory_space<vmem>> -> memref<1x125xi32, #tpu.memory_space<vmem>>
        %dma_start3A_155 = tpu.memref_squeeze %dma_start3A_154 : memref<1x125xi32, #tpu.memory_space<vmem>> -> memref<125xi32, #tpu.memory_space<vmem>>
        %dma_start3A_156 = arith.constant 0 : i32
        %dma_start3A_157 = arith.constant 0 : i32
        %dma_start3A_158 = tpu.memref_slice %arg2[%scan3A_69, %dma_start3A_156, %dma_start3A_157] : memref<4x10000x128xf32, #tpu.memory_space<hbm>> -> memref<1x10000x128xf32, #tpu.memory_space<hbm>>
        %dma_start3A_159 = tpu.memref_squeeze %dma_start3A_158 : memref<1x10000x128xf32, #tpu.memory_space<hbm>> -> memref<10000x128xf32, #tpu.memory_space<hbm>>
        %dma_start3A_160 = arith.constant 0 : i32
        %dma_start3A_161 = arith.constant 0 : i32
        %dma_start3A_162 = tpu.memref_slice %dma_start3A_159[%dma_start3A_160, %dma_start3A_161] : memref<10000x128xf32, #tpu.memory_space<hbm>> -> memref<10000x128xf32, #tpu.memory_space<hbm>>
        tpu.enqueue_indirect_dma source(%dma_start3A_162 : memref<10000x128xf32, #tpu.memory_space<hbm>>) target(%arg9 : memref<125x128xf32, #tpu.memory_space<vmem>>) offsets(%dma_start3A_155 : memref<125xi32, #tpu.memory_space<vmem>>) semaphore(%arg12 : memref<!tpu.dma_semaphore, #tpu.memory_space<semaphore_mem>>)
      } else {
      }
      %add3A_149 = arith.constant 1 : i32
      %add3A_150 = arith.addi %mul3A_111, %add3A_149 : i32
      "tpu.region"() ({
        %run_scoped3A_151 = tpu.sem_alloc : memref<!tpu.dma_semaphore, #tpu.memory_space<semaphore_mem>>
        %dma_start3A_152 = arith.constant 0 : i32
        %dma_start3A_153 = tpu.memref_slice %arg8[%add3A_150, %dma_start3A_152] : memref<40x125xi32, #tpu.memory_space<vmem>> -> memref<1x125xi32, #tpu.memory_space<vmem>>
        %dma_start3A_154 = tpu.memref_squeeze %dma_start3A_153 : memref<1x125xi32, #tpu.memory_space<vmem>> -> memref<125xi32, #tpu.memory_space<vmem>>
        %dma_start3A_155 = arith.constant 0 : i32
        %dma_start3A_156 = arith.constant 0 : i32
        %dma_start3A_157 = tpu.memref_slice %arg11[%dma_start3A_155, %dma_start3A_156] : memref<10240x128xf32, #tpu.memory_space<vmem_shared>> -> memref<10240x128xf32, #tpu.memory_space<vmem_shared>>
        tpu.enqueue_indirect_dma source(%arg10 : memref<125x128xf32, #tpu.memory_space<vmem>>) target(%dma_start3A_157 : memref<10240x128xf32, #tpu.memory_space<vmem_shared>>) offsets(%dma_start3A_154 : memref<125xi32, #tpu.memory_space<vmem>>) semaphore(%run_scoped3A_151 : memref<!tpu.dma_semaphore, #tpu.memory_space<semaphore_mem>>) {add = true}
        %dma_wait3A_158 = arith.constant 0 : i32
        %dma_wait3A_159 = tpu.memref_slice %arg8[%add3A_150, %dma_wait3A_158] : memref<40x125xi32, #tpu.memory_space<vmem>> -> memref<1x125xi32, #tpu.memory_space<vmem>>
        %dma_wait3A_160 = tpu.memref_squeeze %dma_wait3A_159 : memref<1x125xi32, #tpu.memory_space<vmem>> -> memref<125xi32, #tpu.memory_space<vmem>>
        %dma_wait3A_161 = arith.constant 0 : i32
        %dma_wait3A_162 = arith.constant 0 : i32
        %dma_wait3A_163 = tpu.memref_slice %arg11[%dma_wait3A_161, %dma_wait3A_162] : memref<10240x128xf32, #tpu.memory_space<vmem_shared>> -> memref<10240x128xf32, #tpu.memory_space<vmem_shared>>
        tpu.wait_indirect_dma semaphore(%run_scoped3A_151 : memref<!tpu.dma_semaphore, #tpu.memory_space<semaphore_mem>>) src(%arg10 : memref<125x128xf32, #tpu.memory_space<vmem>>) dst(%dma_wait3A_163 : memref<10240x128xf32, #tpu.memory_space<vmem_shared>>)
        tpu.yield
      }) : () -> ()
    }
    %scan3A_74 = arith.constant 20 : i32
    %barrier3A_75 = arith.constant 0 : index
    tpu.barrier barrier_id(%barrier3A_75)
    %mul3A_76 = arith.constant 640 : i32
    %mul3A_77 = arith.muli %arg1, %mul3A_76 : i32
    %mul3A_78 = arith.constant 640 : i32
    %mul3A_79 = arith.muli %arg1, %mul3A_78 : i32
    %run_scoped3A_80 = arith.constant 2 : i32
    "tpu.region"() ({
      %run_scoped3A_109 = tpu.sem_alloc : memref<!tpu.dma_semaphore, #tpu.memory_space<semaphore_mem>>
      %dma_start3A_110 = arith.constant 0 : i32
      %dma_start3A_111 = tpu.memref_slice %arg6[%arg0, %run_scoped3A_80, %mul3A_79, %dma_start3A_110] : memref<2x4x10240x128xf32, #tpu.memory_space<hbm>> -> memref<1x1x640x128xf32, #tpu.memory_space<hbm>>
      %dma_start3A_112 = tpu.memref_squeeze %dma_start3A_111 : memref<1x1x640x128xf32, #tpu.memory_space<hbm>> -> memref<640x128xf32, #tpu.memory_space<hbm>>
      %dma_start3A_113 = arith.constant 0 : i32
      %dma_start3A_114 = tpu.memref_slice %arg11[%mul3A_77, %dma_start3A_113] : memref<10240x128xf32, #tpu.memory_space<vmem_shared>> -> memref<640x128xf32, #tpu.memory_space<vmem_shared>>
      tpu.enqueue_dma source(%dma_start3A_114 : memref<640x128xf32, #tpu.memory_space<vmem_shared>>) target(%dma_start3A_112 : memref<640x128xf32, #tpu.memory_space<hbm>>) target_semaphore(%run_scoped3A_109 : memref<!tpu.dma_semaphore, #tpu.memory_space<semaphore_mem>>)
      %dma_wait3A = arith.constant 0 : i32
      %dma_wait3A_115 = tpu.memref_slice %arg6[%arg0, %run_scoped3A_80, %mul3A_79, %dma_wait3A] : memref<2x4x10240x128xf32, #tpu.memory_space<hbm>> -> memref<1x1x640x128xf32, #tpu.memory_space<hbm>>
      %dma_wait3A_116 = tpu.memref_squeeze %dma_wait3A_115 : memref<1x1x640x128xf32, #tpu.memory_space<hbm>> -> memref<640x128xf32, #tpu.memory_space<hbm>>
      %dma_wait3A_117 = arith.constant 0 : i32
      %dma_wait3A_118 = tpu.memref_slice %arg11[%mul3A_77, %dma_wait3A_117] : memref<10240x128xf32, #tpu.memory_space<vmem_shared>> -> memref<640x128xf32, #tpu.memory_space<vmem_shared>>
      tpu.wait_dma2 semaphore(%run_scoped3A_109 : memref<!tpu.dma_semaphore, #tpu.memory_space<semaphore_mem>>) src(%dma_wait3A_118 : memref<640x128xf32, #tpu.memory_space<vmem_shared>>) dst(%dma_wait3A_116 : memref<640x128xf32, #tpu.memory_space<hbm>>)
      tpu.yield
    }) : () -> ()
    %mul3A_81 = arith.constant 640 : i32
    %mul3A_82 = arith.muli %arg1, %mul3A_81 : i32
    "tpu.region"() ({
      %run_scoped3A_109 = tpu.sem_alloc : memref<!tpu.dma_semaphore, #tpu.memory_space<semaphore_mem>>
      %dma_start3A_110 = arith.constant 0 : i32
      %dma_start3A_111 = tpu.memref_slice %arg11[%mul3A_82, %dma_start3A_110] : memref<10240x128xf32, #tpu.memory_space<vmem_shared>> -> memref<640x128xf32, #tpu.memory_space<vmem_shared>>
      tpu.enqueue_dma source(%arg5 : memref<640x128xf32, #tpu.memory_space<hbm>>) target(%dma_start3A_111 : memref<640x128xf32, #tpu.memory_space<vmem_shared>>) target_semaphore(%run_scoped3A_109 : memref<!tpu.dma_semaphore, #tpu.memory_space<semaphore_mem>>)
      %dma_wait3A = arith.constant 0 : i32
      %dma_wait3A_112 = tpu.memref_slice %arg11[%mul3A_82, %dma_wait3A] : memref<10240x128xf32, #tpu.memory_space<vmem_shared>> -> memref<640x128xf32, #tpu.memory_space<vmem_shared>>
      tpu.wait_dma2 semaphore(%run_scoped3A_109 : memref<!tpu.dma_semaphore, #tpu.memory_space<semaphore_mem>>) src(%arg5 : memref<640x128xf32, #tpu.memory_space<hbm>>) dst(%dma_wait3A_112 : memref<640x128xf32, #tpu.memory_space<vmem_shared>>)
      tpu.yield
    }) : () -> ()
    %barrier3A_83 = arith.constant 0 : index
    tpu.barrier barrier_id(%barrier3A_83)
    %dma_start3A_84 = arith.constant 3 : i32
    %dma_start3A_85 = arith.constant 0 : i32
    %dma_start3A_86 = arith.constant 0 : i32
    %dma_start3A_87 = tpu.memref_slice %arg7[%dma_start3A_85, %dma_start3A_86] : memref<40x125xi32, #tpu.memory_space<vmem>> -> memref<1x125xi32, #tpu.memory_space<vmem>>
    %dma_start3A_88 = tpu.memref_squeeze %dma_start3A_87 : memref<1x125xi32, #tpu.memory_space<vmem>> -> memref<125xi32, #tpu.memory_space<vmem>>
    %dma_start3A_89 = arith.constant 0 : i32
    %dma_start3A_90 = arith.constant 0 : i32
    %dma_start3A_91 = tpu.memref_slice %arg2[%dma_start3A_84, %dma_start3A_89, %dma_start3A_90] : memref<4x10000x128xf32, #tpu.memory_space<hbm>> -> memref<1x10000x128xf32, #tpu.memory_space<hbm>>
    %dma_start3A_92 = tpu.memref_squeeze %dma_start3A_91 : memref<1x10000x128xf32, #tpu.memory_space<hbm>> -> memref<10000x128xf32, #tpu.memory_space<hbm>>
    %dma_start3A_93 = arith.constant 0 : i32
    %dma_start3A_94 = arith.constant 0 : i32
    %dma_start3A_95 = tpu.memref_slice %dma_start3A_92[%dma_start3A_93, %dma_start3A_94] : memref<10000x128xf32, #tpu.memory_space<hbm>> -> memref<10000x128xf32, #tpu.memory_space<hbm>>
    tpu.enqueue_indirect_dma source(%dma_start3A_95 : memref<10000x128xf32, #tpu.memory_space<hbm>>) target(%arg9 : memref<125x128xf32, #tpu.memory_space<vmem>>) offsets(%dma_start3A_88 : memref<125xi32, #tpu.memory_space<vmem>>) semaphore(%arg12 : memref<!tpu.dma_semaphore, #tpu.memory_space<semaphore_mem>>)
    %scan3A_96 = arith.constant 0 : i32
    %scan3A_97 = arith.constant 3 : i32
    %scan3A_98 = arith.constant 0 : i32
    %scan3A_99 = arith.constant 20 : i32
    %scan3A_100 = arith.addi %scan3A_98, %scan3A_99 : i32
    %scan3A_101 = arith.constant 1 : i32
    scf.for %scan3A_109 = %scan3A_98 to %scan3A_100 step %scan3A_101  : i32 {
      %mul3A_110 = arith.constant 2 : i32
      %mul3A_111 = arith.muli %mul3A_110, %scan3A_109 : i32
      %dma_wait3A = arith.constant 0 : i32
      %dma_wait3A_112 = tpu.memref_slice %arg7[%mul3A_111, %dma_wait3A] : memref<40x125xi32, #tpu.memory_space<vmem>> -> memref<1x125xi32, #tpu.memory_space<vmem>>
      %dma_wait3A_113 = tpu.memref_squeeze %dma_wait3A_112 : memref<1x125xi32, #tpu.memory_space<vmem>> -> memref<125xi32, #tpu.memory_space<vmem>>
      %dma_wait3A_114 = arith.constant 0 : i32
      %dma_wait3A_115 = arith.constant 0 : i32
      %dma_wait3A_116 = tpu.memref_slice %arg2[%scan3A_97, %dma_wait3A_114, %dma_wait3A_115] : memref<4x10000x128xf32, #tpu.memory_space<hbm>> -> memref<1x10000x128xf32, #tpu.memory_space<hbm>>
      %dma_wait3A_117 = tpu.memref_squeeze %dma_wait3A_116 : memref<1x10000x128xf32, #tpu.memory_space<hbm>> -> memref<10000x128xf32, #tpu.memory_space<hbm>>
      %dma_wait3A_118 = arith.constant 0 : i32
      %dma_wait3A_119 = arith.constant 0 : i32
      %dma_wait3A_120 = tpu.memref_slice %dma_wait3A_117[%dma_wait3A_118, %dma_wait3A_119] : memref<10000x128xf32, #tpu.memory_space<hbm>> -> memref<10000x128xf32, #tpu.memory_space<hbm>>
      tpu.wait_indirect_dma semaphore(%arg12 : memref<!tpu.dma_semaphore, #tpu.memory_space<semaphore_mem>>) src(%dma_wait3A_120 : memref<10000x128xf32, #tpu.memory_space<hbm>>) dst(%arg9 : memref<125x128xf32, #tpu.memory_space<vmem>>)
      %add3A_121 = arith.constant 1 : i32
      %add3A_122 = arith.addi %mul3A_111, %add3A_121 : i32
      %dma_start3A_123 = arith.constant 0 : i32
      %dma_start3A_124 = tpu.memref_slice %arg7[%add3A_122, %dma_start3A_123] : memref<40x125xi32, #tpu.memory_space<vmem>> -> memref<1x125xi32, #tpu.memory_space<vmem>>
      %dma_start3A_125 = tpu.memref_squeeze %dma_start3A_124 : memref<1x125xi32, #tpu.memory_space<vmem>> -> memref<125xi32, #tpu.memory_space<vmem>>
      %dma_start3A_126 = arith.constant 0 : i32
      %dma_start3A_127 = arith.constant 0 : i32
      %dma_start3A_128 = tpu.memref_slice %arg2[%scan3A_97, %dma_start3A_126, %dma_start3A_127] : memref<4x10000x128xf32, #tpu.memory_space<hbm>> -> memref<1x10000x128xf32, #tpu.memory_space<hbm>>
      %dma_start3A_129 = tpu.memref_squeeze %dma_start3A_128 : memref<1x10000x128xf32, #tpu.memory_space<hbm>> -> memref<10000x128xf32, #tpu.memory_space<hbm>>
      %dma_start3A_130 = arith.constant 0 : i32
      %dma_start3A_131 = arith.constant 0 : i32
      %dma_start3A_132 = tpu.memref_slice %dma_start3A_129[%dma_start3A_130, %dma_start3A_131] : memref<10000x128xf32, #tpu.memory_space<hbm>> -> memref<10000x128xf32, #tpu.memory_space<hbm>>
      tpu.enqueue_indirect_dma source(%dma_start3A_132 : memref<10000x128xf32, #tpu.memory_space<hbm>>) target(%arg10 : memref<125x128xf32, #tpu.memory_space<vmem>>) offsets(%dma_start3A_125 : memref<125xi32, #tpu.memory_space<vmem>>) semaphore(%arg13 : memref<!tpu.dma_semaphore, #tpu.memory_space<semaphore_mem>>)
      "tpu.region"() ({
        %run_scoped3A_151 = tpu.sem_alloc : memref<!tpu.dma_semaphore, #tpu.memory_space<semaphore_mem>>
        %dma_start3A_152 = arith.constant 0 : i32
        %dma_start3A_153 = tpu.memref_slice %arg8[%mul3A_111, %dma_start3A_152] : memref<40x125xi32, #tpu.memory_space<vmem>> -> memref<1x125xi32, #tpu.memory_space<vmem>>
        %dma_start3A_154 = tpu.memref_squeeze %dma_start3A_153 : memref<1x125xi32, #tpu.memory_space<vmem>> -> memref<125xi32, #tpu.memory_space<vmem>>
        %dma_start3A_155 = arith.constant 0 : i32
        %dma_start3A_156 = arith.constant 0 : i32
        %dma_start3A_157 = tpu.memref_slice %arg11[%dma_start3A_155, %dma_start3A_156] : memref<10240x128xf32, #tpu.memory_space<vmem_shared>> -> memref<10240x128xf32, #tpu.memory_space<vmem_shared>>
        tpu.enqueue_indirect_dma source(%arg9 : memref<125x128xf32, #tpu.memory_space<vmem>>) target(%dma_start3A_157 : memref<10240x128xf32, #tpu.memory_space<vmem_shared>>) offsets(%dma_start3A_154 : memref<125xi32, #tpu.memory_space<vmem>>) semaphore(%run_scoped3A_151 : memref<!tpu.dma_semaphore, #tpu.memory_space<semaphore_mem>>) {add = true}
        %dma_wait3A_158 = arith.constant 0 : i32
        %dma_wait3A_159 = tpu.memref_slice %arg8[%mul3A_111, %dma_wait3A_158] : memref<40x125xi32, #tpu.memory_space<vmem>> -> memref<1x125xi32, #tpu.memory_space<vmem>>
        %dma_wait3A_160 = tpu.memref_squeeze %dma_wait3A_159 : memref<1x125xi32, #tpu.memory_space<vmem>> -> memref<125xi32, #tpu.memory_space<vmem>>
        %dma_wait3A_161 = arith.constant 0 : i32
        %dma_wait3A_162 = arith.constant 0 : i32
        %dma_wait3A_163 = tpu.memref_slice %arg11[%dma_wait3A_161, %dma_wait3A_162] : memref<10240x128xf32, #tpu.memory_space<vmem_shared>> -> memref<10240x128xf32, #tpu.memory_space<vmem_shared>>
        tpu.wait_indirect_dma semaphore(%run_scoped3A_151 : memref<!tpu.dma_semaphore, #tpu.memory_space<semaphore_mem>>) src(%arg9 : memref<125x128xf32, #tpu.memory_space<vmem>>) dst(%dma_wait3A_163 : memref<10240x128xf32, #tpu.memory_space<vmem_shared>>)
        tpu.yield
      }) : () -> ()
      %add3A_133 = arith.constant 1 : i32
      %add3A_134 = arith.addi %mul3A_111, %add3A_133 : i32
      %dma_wait3A_135 = arith.constant 0 : i32
      %dma_wait3A_136 = tpu.memref_slice %arg7[%add3A_134, %dma_wait3A_135] : memref<40x125xi32, #tpu.memory_space<vmem>> -> memref<1x125xi32, #tpu.memory_space<vmem>>
      %dma_wait3A_137 = tpu.memref_squeeze %dma_wait3A_136 : memref<1x125xi32, #tpu.memory_space<vmem>> -> memref<125xi32, #tpu.memory_space<vmem>>
      %dma_wait3A_138 = arith.constant 0 : i32
      %dma_wait3A_139 = arith.constant 0 : i32
      %dma_wait3A_140 = tpu.memref_slice %arg2[%scan3A_97, %dma_wait3A_138, %dma_wait3A_139] : memref<4x10000x128xf32, #tpu.memory_space<hbm>> -> memref<1x10000x128xf32, #tpu.memory_space<hbm>>
      %dma_wait3A_141 = tpu.memref_squeeze %dma_wait3A_140 : memref<1x10000x128xf32, #tpu.memory_space<hbm>> -> memref<10000x128xf32, #tpu.memory_space<hbm>>
      %dma_wait3A_142 = arith.constant 0 : i32
      %dma_wait3A_143 = arith.constant 0 : i32
      %dma_wait3A_144 = tpu.memref_slice %dma_wait3A_141[%dma_wait3A_142, %dma_wait3A_143] : memref<10000x128xf32, #tpu.memory_space<hbm>> -> memref<10000x128xf32, #tpu.memory_space<hbm>>
      tpu.wait_indirect_dma semaphore(%arg13 : memref<!tpu.dma_semaphore, #tpu.memory_space<semaphore_mem>>) src(%dma_wait3A_144 : memref<10000x128xf32, #tpu.memory_space<hbm>>) dst(%arg10 : memref<125x128xf32, #tpu.memory_space<vmem>>)
      %add3A_145 = arith.constant 1 : i32
      %add3A_146 = arith.addi %scan3A_109, %add3A_145 : i32
      %lt3A = arith.constant 20 : i32
      %lt3A_147 = arith.cmpi slt, %add3A_146, %lt3A : i32
      %convert_element_type3A = arith.extui %lt3A_147 : i1 to i32
      %cond3A = arith.constant 0 : i32
      %cond3A_148 = arith.cmpi ne, %convert_element_type3A, %cond3A : i32
      scf.if %cond3A_148 {
        %add3A_151 = arith.constant 2 : i32
        %add3A_152 = arith.addi %mul3A_111, %add3A_151 : i32
        %dma_start3A_153 = arith.constant 0 : i32
        %dma_start3A_154 = tpu.memref_slice %arg7[%add3A_152, %dma_start3A_153] : memref<40x125xi32, #tpu.memory_space<vmem>> -> memref<1x125xi32, #tpu.memory_space<vmem>>
        %dma_start3A_155 = tpu.memref_squeeze %dma_start3A_154 : memref<1x125xi32, #tpu.memory_space<vmem>> -> memref<125xi32, #tpu.memory_space<vmem>>
        %dma_start3A_156 = arith.constant 0 : i32
        %dma_start3A_157 = arith.constant 0 : i32
        %dma_start3A_158 = tpu.memref_slice %arg2[%scan3A_97, %dma_start3A_156, %dma_start3A_157] : memref<4x10000x128xf32, #tpu.memory_space<hbm>> -> memref<1x10000x128xf32, #tpu.memory_space<hbm>>
        %dma_start3A_159 = tpu.memref_squeeze %dma_start3A_158 : memref<1x10000x128xf32, #tpu.memory_space<hbm>> -> memref<10000x128xf32, #tpu.memory_space<hbm>>
        %dma_start3A_160 = arith.constant 0 : i32
        %dma_start3A_161 = arith.constant 0 : i32
        %dma_start3A_162 = tpu.memref_slice %dma_start3A_159[%dma_start3A_160, %dma_start3A_161] : memref<10000x128xf32, #tpu.memory_space<hbm>> -> memref<10000x128xf32, #tpu.memory_space<hbm>>
        tpu.enqueue_indirect_dma source(%dma_start3A_162 : memref<10000x128xf32, #tpu.memory_space<hbm>>) target(%arg9 : memref<125x128xf32, #tpu.memory_space<vmem>>) offsets(%dma_start3A_155 : memref<125xi32, #tpu.memory_space<vmem>>) semaphore(%arg12 : memref<!tpu.dma_semaphore, #tpu.memory_space<semaphore_mem>>)
      } else {
      }
      %add3A_149 = arith.constant 1 : i32
      %add3A_150 = arith.addi %mul3A_111, %add3A_149 : i32
      "tpu.region"() ({
        %run_scoped3A_151 = tpu.sem_alloc : memref<!tpu.dma_semaphore, #tpu.memory_space<semaphore_mem>>
        %dma_start3A_152 = arith.constant 0 : i32
        %dma_start3A_153 = tpu.memref_slice %arg8[%add3A_150, %dma_start3A_152] : memref<40x125xi32, #tpu.memory_space<vmem>> -> memref<1x125xi32, #tpu.memory_space<vmem>>
        %dma_start3A_154 = tpu.memref_squeeze %dma_start3A_153 : memref<1x125xi32, #tpu.memory_space<vmem>> -> memref<125xi32, #tpu.memory_space<vmem>>
        %dma_start3A_155 = arith.constant 0 : i32
        %dma_start3A_156 = arith.constant 0 : i32
        %dma_start3A_157 = tpu.memref_slice %arg11[%dma_start3A_155, %dma_start3A_156] : memref<10240x128xf32, #tpu.memory_space<vmem_shared>> -> memref<10240x128xf32, #tpu.memory_space<vmem_shared>>
        tpu.enqueue_indirect_dma source(%arg10 : memref<125x128xf32, #tpu.memory_space<vmem>>) target(%dma_start3A_157 : memref<10240x128xf32, #tpu.memory_space<vmem_shared>>) offsets(%dma_start3A_154 : memref<125xi32, #tpu.memory_space<vmem>>) semaphore(%run_scoped3A_151 : memref<!tpu.dma_semaphore, #tpu.memory_space<semaphore_mem>>) {add = true}
        %dma_wait3A_158 = arith.constant 0 : i32
        %dma_wait3A_159 = tpu.memref_slice %arg8[%add3A_150, %dma_wait3A_158] : memref<40x125xi32, #tpu.memory_space<vmem>> -> memref<1x125xi32, #tpu.memory_space<vmem>>
        %dma_wait3A_160 = tpu.memref_squeeze %dma_wait3A_159 : memref<1x125xi32, #tpu.memory_space<vmem>> -> memref<125xi32, #tpu.memory_space<vmem>>
        %dma_wait3A_161 = arith.constant 0 : i32
        %dma_wait3A_162 = arith.constant 0 : i32
        %dma_wait3A_163 = tpu.memref_slice %arg11[%dma_wait3A_161, %dma_wait3A_162] : memref<10240x128xf32, #tpu.memory_space<vmem_shared>> -> memref<10240x128xf32, #tpu.memory_space<vmem_shared>>
        tpu.wait_indirect_dma semaphore(%run_scoped3A_151 : memref<!tpu.dma_semaphore, #tpu.memory_space<semaphore_mem>>) src(%arg10 : memref<125x128xf32, #tpu.memory_space<vmem>>) dst(%dma_wait3A_163 : memref<10240x128xf32, #tpu.memory_space<vmem_shared>>)
        tpu.yield
      }) : () -> ()
    }
    %scan3A_102 = arith.constant 20 : i32
    %barrier3A_103 = arith.constant 0 : index
    tpu.barrier barrier_id(%barrier3A_103)
    %mul3A_104 = arith.constant 640 : i32
    %mul3A_105 = arith.muli %arg1, %mul3A_104 : i32
    %mul3A_106 = arith.constant 640 : i32
    %mul3A_107 = arith.muli %arg1, %mul3A_106 : i32
    %run_scoped3A_108 = arith.constant 3 : i32
    "tpu.region"() ({
      %run_scoped3A_109 = tpu.sem_alloc : memref<!tpu.dma_semaphore, #tpu.memory_space<semaphore_mem>>
      %dma_start3A_110 = arith.constant 0 : i32
      %dma_start3A_111 = tpu.memref_slice %arg6[%arg0, %run_scoped3A_108, %mul3A_107, %dma_start3A_110] : memref<2x4x10240x128xf32, #tpu.memory_space<hbm>> -> memref<1x1x640x128xf32, #tpu.memory_space<hbm>>
      %dma_start3A_112 = tpu.memref_squeeze %dma_start3A_111 : memref<1x1x640x128xf32, #tpu.memory_space<hbm>> -> memref<640x128xf32, #tpu.memory_space<hbm>>
      %dma_start3A_113 = arith.constant 0 : i32
      %dma_start3A_114 = tpu.memref_slice %arg11[%mul3A_105, %dma_start3A_113] : memref<10240x128xf32, #tpu.memory_space<vmem_shared>> -> memref<640x128xf32, #tpu.memory_space<vmem_shared>>
      tpu.enqueue_dma source(%dma_start3A_114 : memref<640x128xf32, #tpu.memory_space<vmem_shared>>) target(%dma_start3A_112 : memref<640x128xf32, #tpu.memory_space<hbm>>) target_semaphore(%run_scoped3A_109 : memref<!tpu.dma_semaphore, #tpu.memory_space<semaphore_mem>>)
      %dma_wait3A = arith.constant 0 : i32
      %dma_wait3A_115 = tpu.memref_slice %arg6[%arg0, %run_scoped3A_108, %mul3A_107, %dma_wait3A] : memref<2x4x10240x128xf32, #tpu.memory_space<hbm>> -> memref<1x1x640x128xf32, #tpu.memory_space<hbm>>
      %dma_wait3A_116 = tpu.memref_squeeze %dma_wait3A_115 : memref<1x1x640x128xf32, #tpu.memory_space<hbm>> -> memref<640x128xf32, #tpu.memory_space<hbm>>
      %dma_wait3A_117 = arith.constant 0 : i32
      %dma_wait3A_118 = tpu.memref_slice %arg11[%mul3A_105, %dma_wait3A_117] : memref<10240x128xf32, #tpu.memory_space<vmem_shared>> -> memref<640x128xf32, #tpu.memory_space<vmem_shared>>
      tpu.wait_dma2 semaphore(%run_scoped3A_109 : memref<!tpu.dma_semaphore, #tpu.memory_space<semaphore_mem>>) src(%dma_wait3A_118 : memref<640x128xf32, #tpu.memory_space<vmem_shared>>) dst(%dma_wait3A_116 : memref<640x128xf32, #tpu.memory_space<hbm>>)
      tpu.yield
    }) : () -> ()
    return
  }
}

#map = affine_map<(d0, d1) -> (0, 0, 0)>
#map1 = affine_map<(d0, d1) -> (0, 0)>
#map2 = affine_map<(d0, d1) -> (0, 0, 0, 0)>
module attributes {stable_mosaic.version = 14 : i64} {
  func.func @_scat_body(%arg0: i32, %arg1: i32, %arg2: memref<4x10000x128xf32, #tpu.memory_space<hbm>>, %arg3: memref<32x40x125xi32, #tpu.memory_space<hbm>>, %arg4: memref<32x40x125xi32, #tpu.memory_space<hbm>>, %arg5: memref<640x128xf32, #tpu.memory_space<hbm>>, %arg6: memref<2x4x10240x128xf32, #tpu.memory_space<hbm>>, %arg7: memref<40x125xi32, #tpu.memory_space<vmem>>, %arg8: memref<40x125xi32, #tpu.memory_space<vmem>>, %arg9: memref<125x128xf32, #tpu.memory_space<vmem>>, %arg10: memref<125x128xf32, #tpu.memory_space<vmem>>, %arg11: memref<10240x128xf32, #tpu.memory_space<vmem_shared>>, %arg12: memref<!tpu.dma_semaphore, #tpu.memory_space<semaphore_mem>>, %arg13: memref<!tpu.dma_semaphore, #tpu.memory_space<semaphore_mem>>) attributes {dimension_semantics = [#tpu.dimension_semantics<core_parallel>, #tpu.dimension_semantics<subcore_parallel>], iteration_bounds = array<i64: 2, 16>, scalar_prefetch = 0 : i64, scratch_operands = 7 : i64, tpu.core_type = #tpu.core_type<sc_vector_subcore>, window_params = [{transform_indices = #map}, {transform_indices = #map}, {transform_indices = #map}, {transform_indices = #map1}, {transform_indices = #map2}]} {
    %mul3A = arith.constant 2 : i32
    %mul3A_0 = arith.muli %arg1, %mul3A : i32
    %add3A = arith.addi %mul3A_0, %arg0 : i32
    "tpu.region"() ({
      %run_scoped3A_109 = tpu.sem_alloc : memref<!tpu.dma_semaphore, #tpu.memory_space<semaphore_mem>>
      %dma_start3A_110 = arith.constant 0 : i32
      %dma_start3A_111 = arith.constant 0 : i32
      %dma_start3A_112 = tpu.memref_slice %arg3[%add3A, %dma_start3A_110, %dma_start3A_111] : memref<32x40x125xi32, #tpu.memory_space<hbm>> -> memref<1x40x125xi32, #tpu.memory_space<hbm>>
      %dma_start3A_113 = tpu.memref_squeeze %dma_start3A_112 : memref<1x40x125xi32, #tpu.memory_space<hbm>> -> memref<40x125xi32, #tpu.memory_space<hbm>>
      %dma_start3A_114 = arith.constant 0 : i32
      %dma_start3A_115 = arith.constant 0 : i32
      %dma_start3A_116 = tpu.memref_slice %arg3[%add3A, %dma_start3A_114, %dma_start3A_115] : memref<32x40x125xi32, #tpu.memory_space<hbm>> -> memref<1x40x125xi32, #tpu.memory_space<hbm>>
      %dma_start3A_117 = tpu.memref_squeeze %dma_start3A_116 : memref<1x40x125xi32, #tpu.memory_space<hbm>> -> memref<40x125xi32, #tpu.memory_space<hbm>>
      tpu.enqueue_dma source(%dma_start3A_117 : memref<40x125xi32, #tpu.memory_space<hbm>>) target(%arg7 : memref<40x125xi32, #tpu.memory_space<vmem>>) target_semaphore(%run_scoped3A_109 : memref<!tpu.dma_semaphore, #tpu.memory_space<semaphore_mem>>)
      %dma_wait3A = arith.constant 0 : i32
      %dma_wait3A_118 = arith.constant 0 : i32
      %dma_wait3A_119 = tpu.memref_slice %arg3[%add3A, %dma_wait3A, %dma_wait3A_118] : memref<32x40x125xi32, #tpu.memory_space<hbm>> -> memref<1x40x125xi32, #tpu.memory_space<hbm>>
      %dma_wait3A_120 = tpu.memref_squeeze %dma_wait3A_119 : memref<1x40x125xi32, #tpu.memory_space<hbm>> -> memref<40x125xi32, #tpu.memory_space<hbm>>
      %dma_wait3A_121 = arith.constant 0 : i32
      %dma_wait3A_122 = arith.constant 0 : i32
      %dma_wait3A_123 = tpu.memref_slice %arg3[%add3A, %dma_wait3A_121, %dma_wait3A_122] : memref<32x40x125xi32, #tpu.memory_space<hbm>> -> memref<1x40x125xi32, #tpu.memory_space<hbm>>
      %dma_wait3A_124 = tpu.memref_squeeze %dma_wait3A_123 : memref<1x40x125xi32, #tpu.memory_space<hbm>> -> memref<40x125xi32, #tpu.memory_space<hbm>>
      tpu.wait_dma2 semaphore(%run_scoped3A_109 : memref<!tpu.dma_semaphore, #tpu.memory_space<semaphore_mem>>) src(%dma_wait3A_124 : memref<40x125xi32, #tpu.memory_space<hbm>>) dst(%arg7 : memref<40x125xi32, #tpu.memory_space<vmem>>)
      tpu.yield
    }) : () -> ()
    "tpu.region"() ({
      %run_scoped3A_109 = tpu.sem_alloc : memref<!tpu.dma_semaphore, #tpu.memory_space<semaphore_mem>>
      %dma_start3A_110 = arith.constant 0 : i32
      %dma_start3A_111 = arith.constant 0 : i32
      %dma_start3A_112 = tpu.memref_slice %arg4[%add3A, %dma_start3A_110, %dma_start3A_111] : memref<32x40x125xi32, #tpu.memory_space<hbm>> -> memref<1x40x125xi32, #tpu.memory_space<hbm>>
      %dma_start3A_113 = tpu.memref_squeeze %dma_start3A_112 : memref<1x40x125xi32, #tpu.memory_space<hbm>> -> memref<40x125xi32, #tpu.memory_space<hbm>>
      %dma_start3A_114 = arith.constant 0 : i32
      %dma_start3A_115 = arith.constant 0 : i32
      %dma_start3A_116 = tpu.memref_slice %arg4[%add3A, %dma_start3A_114, %dma_start3A_115] : memref<32x40x125xi32, #tpu.memory_space<hbm>> -> memref<1x40x125xi32, #tpu.memory_space<hbm>>
      %dma_start3A_117 = tpu.memref_squeeze %dma_start3A_116 : memref<1x40x125xi32, #tpu.memory_space<hbm>> -> memref<40x125xi32, #tpu.memory_space<hbm>>
      tpu.enqueue_dma source(%dma_start3A_117 : memref<40x125xi32, #tpu.memory_space<hbm>>) target(%arg8 : memref<40x125xi32, #tpu.memory_space<vmem>>) target_semaphore(%run_scoped3A_109 : memref<!tpu.dma_semaphore, #tpu.memory_space<semaphore_mem>>)
      %dma_wait3A = arith.constant 0 : i32
      %dma_wait3A_118 = arith.constant 0 : i32
      %dma_wait3A_119 = tpu.memref_slice %arg4[%add3A, %dma_wait3A, %dma_wait3A_118] : memref<32x40x125xi32, #tpu.memory_space<hbm>> -> memref<1x40x125xi32, #tpu.memory_space<hbm>>
      %dma_wait3A_120 = tpu.memref_squeeze %dma_wait3A_119 : memref<1x40x125xi32, #tpu.memory_space<hbm>> -> memref<40x125xi32, #tpu.memory_space<hbm>>
      %dma_wait3A_121 = arith.constant 0 : i32
      %dma_wait3A_122 = arith.constant 0 : i32
      %dma_wait3A_123 = tpu.memref_slice %arg4[%add3A, %dma_wait3A_121, %dma_wait3A_122] : memref<32x40x125xi32, #tpu.memory_space<hbm>> -> memref<1x40x125xi32, #tpu.memory_space<hbm>>
      %dma_wait3A_124 = tpu.memref_squeeze %dma_wait3A_123 : memref<1x40x125xi32, #tpu.memory_space<hbm>> -> memref<40x125xi32, #tpu.memory_space<hbm>>
      tpu.wait_dma2 semaphore(%run_scoped3A_109 : memref<!tpu.dma_semaphore, #tpu.memory_space<semaphore_mem>>) src(%dma_wait3A_124 : memref<40x125xi32, #tpu.memory_space<hbm>>) dst(%arg8 : memref<40x125xi32, #tpu.memory_space<vmem>>)
      tpu.yield
    }) : () -> ()
    %mul3A_1 = arith.constant 640 : i32
    %mul3A_2 = arith.muli %arg1, %mul3A_1 : i32
    "tpu.region"() ({
      %run_scoped3A_109 = tpu.sem_alloc : memref<!tpu.dma_semaphore, #tpu.memory_space<semaphore_mem>>
      %dma_start3A_110 = arith.constant 0 : i32
      %dma_start3A_111 = tpu.memref_slice %arg11[%mul3A_2, %dma_start3A_110] : memref<10240x128xf32, #tpu.memory_space<vmem_shared>> -> memref<640x128xf32, #tpu.memory_space<vmem_shared>>
      tpu.enqueue_dma source(%arg5 : memref<640x128xf32, #tpu.memory_space<hbm>>) target(%dma_start3A_111 : memref<640x128xf32, #tpu.memory_space<vmem_shared>>) target_semaphore(%run_scoped3A_109 : memref<!tpu.dma_semaphore, #tpu.memory_space<semaphore_mem>>)
      %dma_wait3A = arith.constant 0 : i32
      %dma_wait3A_112 = tpu.memref_slice %arg11[%mul3A_2, %dma_wait3A] : memref<10240x128xf32, #tpu.memory_space<vmem_shared>> -> memref<640x128xf32, #tpu.memory_space<vmem_shared>>
      tpu.wait_dma2 semaphore(%run_scoped3A_109 : memref<!tpu.dma_semaphore, #tpu.memory_space<semaphore_mem>>) src(%arg5 : memref<640x128xf32, #tpu.memory_space<hbm>>) dst(%dma_wait3A_112 : memref<640x128xf32, #tpu.memory_space<vmem_shared>>)
      tpu.yield
    }) : () -> ()
    %barrier3A = arith.constant 0 : index
    tpu.barrier barrier_id(%barrier3A)
    %dma_start3A = arith.constant 0 : i32
    %dma_start3A_3 = arith.constant 0 : i32
    %dma_start3A_4 = arith.constant 0 : i32
    %dma_start3A_5 = tpu.memref_slice %arg7[%dma_start3A_3, %dma_start3A_4] : memref<40x125xi32, #tpu.memory_space<vmem>> -> memref<1x125xi32, #tpu.memory_space<vmem>>
    %dma_start3A_6 = tpu.memref_squeeze %dma_start3A_5 : memref<1x125xi32, #tpu.memory_space<vmem>> -> memref<125xi32, #tpu.memory_space<vmem>>
    %dma_start3A_7 = arith.constant 0 : i32
    %dma_start3A_8 = arith.constant 0 : i32
    %dma_start3A_9 = tpu.memref_slice %arg2[%dma_start3A, %dma_start3A_7, %dma_start3A_8] : memref<4x10000x128xf32, #tpu.memory_space<hbm>> -> memref<1x10000x128xf32, #tpu.memory_space<hbm>>
    %dma_start3A_10 = tpu.memref_squeeze %dma_start3A_9 : memref<1x10000x128xf32, #tpu.memory_space<hbm>> -> memref<10000x128xf32, #tpu.memory_space<hbm>>
    %dma_start3A_11 = arith.constant 0 : i32
    %dma_start3A_12 = arith.constant 0 : i32
    %dma_start3A_13 = tpu.memref_slice %dma_start3A_10[%dma_start3A_11, %dma_start3A_12] : memref<10000x128xf32, #tpu.memory_space<hbm>> -> memref<10000x128xf32, #tpu.memory_space<hbm>>
    tpu.enqueue_indirect_dma source(%dma_start3A_13 : memref<10000x128xf32, #tpu.memory_space<hbm>>) target(%arg9 : memref<125x128xf32, #tpu.memory_space<vmem>>) offsets(%dma_start3A_6 : memref<125xi32, #tpu.memory_space<vmem>>) semaphore(%arg12 : memref<!tpu.dma_semaphore, #tpu.memory_space<semaphore_mem>>)
    %scan3A = arith.constant 0 : i32
    %scan3A_14 = arith.constant 0 : i32
    %scan3A_15 = arith.constant 0 : i32
    %scan3A_16 = arith.constant 20 : i32
    %scan3A_17 = arith.addi %scan3A_15, %scan3A_16 : i32
    %scan3A_18 = arith.constant 1 : i32
    scf.for %scan3A_109 = %scan3A_15 to %scan3A_17 step %scan3A_18  : i32 {
      %mul3A_110 = arith.constant 2 : i32
      %mul3A_111 = arith.muli %mul3A_110, %scan3A_109 : i32
      %dma_wait3A = arith.constant 0 : i32
      %dma_wait3A_112 = tpu.memref_slice %arg7[%mul3A_111, %dma_wait3A] : memref<40x125xi32, #tpu.memory_space<vmem>> -> memref<1x125xi32, #tpu.memory_space<vmem>>
      %dma_wait3A_113 = tpu.memref_squeeze %dma_wait3A_112 : memref<1x125xi32, #tpu.memory_space<vmem>> -> memref<125xi32, #tpu.memory_space<vmem>>
      %dma_wait3A_114 = arith.constant 0 : i32
      %dma_wait3A_115 = arith.constant 0 : i32
      %dma_wait3A_116 = tpu.memref_slice %arg2[%scan3A_14, %dma_wait3A_114, %dma_wait3A_115] : memref<4x10000x128xf32, #tpu.memory_space<hbm>> -> memref<1x10000x128xf32, #tpu.memory_space<hbm>>
      %dma_wait3A_117 = tpu.memref_squeeze %dma_wait3A_116 : memref<1x10000x128xf32, #tpu.memory_space<hbm>> -> memref<10000x128xf32, #tpu.memory_space<hbm>>
      %dma_wait3A_118 = arith.constant 0 : i32
      %dma_wait3A_119 = arith.constant 0 : i32
      %dma_wait3A_120 = tpu.memref_slice %dma_wait3A_117[%dma_wait3A_118, %dma_wait3A_119] : memref<10000x128xf32, #tpu.memory_space<hbm>> -> memref<10000x128xf32, #tpu.memory_space<hbm>>
      tpu.wait_indirect_dma semaphore(%arg12 : memref<!tpu.dma_semaphore, #tpu.memory_space<semaphore_mem>>) src(%dma_wait3A_120 : memref<10000x128xf32, #tpu.memory_space<hbm>>) dst(%arg9 : memref<125x128xf32, #tpu.memory_space<vmem>>)
      %add3A_121 = arith.constant 1 : i32
      %add3A_122 = arith.addi %mul3A_111, %add3A_121 : i32
      %dma_start3A_123 = arith.constant 0 : i32
      %dma_start3A_124 = tpu.memref_slice %arg7[%add3A_122, %dma_start3A_123] : memref<40x125xi32, #tpu.memory_space<vmem>> -> memref<1x125xi32, #tpu.memory_space<vmem>>
      %dma_start3A_125 = tpu.memref_squeeze %dma_start3A_124 : memref<1x125xi32, #tpu.memory_space<vmem>> -> memref<125xi32, #tpu.memory_space<vmem>>
      %dma_start3A_126 = arith.constant 0 : i32
      %dma_start3A_127 = arith.constant 0 : i32
      %dma_start3A_128 = tpu.memref_slice %arg2[%scan3A_14, %dma_start3A_126, %dma_start3A_127] : memref<4x10000x128xf32, #tpu.memory_space<hbm>> -> memref<1x10000x128xf32, #tpu.memory_space<hbm>>
      %dma_start3A_129 = tpu.memref_squeeze %dma_start3A_128 : memref<1x10000x128xf32, #tpu.memory_space<hbm>> -> memref<10000x128xf32, #tpu.memory_space<hbm>>
      %dma_start3A_130 = arith.constant 0 : i32
      %dma_start3A_131 = arith.constant 0 : i32
      %dma_start3A_132 = tpu.memref_slice %dma_start3A_129[%dma_start3A_130, %dma_start3A_131] : memref<10000x128xf32, #tpu.memory_space<hbm>> -> memref<10000x128xf32, #tpu.memory_space<hbm>>
      tpu.enqueue_indirect_dma source(%dma_start3A_132 : memref<10000x128xf32, #tpu.memory_space<hbm>>) target(%arg10 : memref<125x128xf32, #tpu.memory_space<vmem>>) offsets(%dma_start3A_125 : memref<125xi32, #tpu.memory_space<vmem>>) semaphore(%arg13 : memref<!tpu.dma_semaphore, #tpu.memory_space<semaphore_mem>>)
      "tpu.region"() ({
        %run_scoped3A_151 = tpu.sem_alloc : memref<!tpu.dma_semaphore, #tpu.memory_space<semaphore_mem>>
        %dma_start3A_152 = arith.constant 0 : i32
        %dma_start3A_153 = tpu.memref_slice %arg8[%mul3A_111, %dma_start3A_152] : memref<40x125xi32, #tpu.memory_space<vmem>> -> memref<1x125xi32, #tpu.memory_space<vmem>>
        %dma_start3A_154 = tpu.memref_squeeze %dma_start3A_153 : memref<1x125xi32, #tpu.memory_space<vmem>> -> memref<125xi32, #tpu.memory_space<vmem>>
        %dma_start3A_155 = arith.constant 0 : i32
        %dma_start3A_156 = arith.constant 0 : i32
        %dma_start3A_157 = tpu.memref_slice %arg11[%dma_start3A_155, %dma_start3A_156] : memref<10240x128xf32, #tpu.memory_space<vmem_shared>> -> memref<10240x128xf32, #tpu.memory_space<vmem_shared>>
        tpu.enqueue_indirect_dma source(%arg9 : memref<125x128xf32, #tpu.memory_space<vmem>>) target(%dma_start3A_157 : memref<10240x128xf32, #tpu.memory_space<vmem_shared>>) offsets(%dma_start3A_154 : memref<125xi32, #tpu.memory_space<vmem>>) semaphore(%run_scoped3A_151 : memref<!tpu.dma_semaphore, #tpu.memory_space<semaphore_mem>>) {add = true}
        %dma_wait3A_158 = arith.constant 0 : i32
        %dma_wait3A_159 = tpu.memref_slice %arg8[%mul3A_111, %dma_wait3A_158] : memref<40x125xi32, #tpu.memory_space<vmem>> -> memref<1x125xi32, #tpu.memory_space<vmem>>
        %dma_wait3A_160 = tpu.memref_squeeze %dma_wait3A_159 : memref<1x125xi32, #tpu.memory_space<vmem>> -> memref<125xi32, #tpu.memory_space<vmem>>
        %dma_wait3A_161 = arith.constant 0 : i32
        %dma_wait3A_162 = arith.constant 0 : i32
        %dma_wait3A_163 = tpu.memref_slice %arg11[%dma_wait3A_161, %dma_wait3A_162] : memref<10240x128xf32, #tpu.memory_space<vmem_shared>> -> memref<10240x128xf32, #tpu.memory_space<vmem_shared>>
        tpu.wait_indirect_dma semaphore(%run_scoped3A_151 : memref<!tpu.dma_semaphore, #tpu.memory_space<semaphore_mem>>) src(%arg9 : memref<125x128xf32, #tpu.memory_space<vmem>>) dst(%dma_wait3A_163 : memref<10240x128xf32, #tpu.memory_space<vmem_shared>>)
        tpu.yield
      }) : () -> ()
      %add3A_133 = arith.constant 1 : i32
      %add3A_134 = arith.addi %mul3A_111, %add3A_133 : i32
      %dma_wait3A_135 = arith.constant 0 : i32
      %dma_wait3A_136 = tpu.memref_slice %arg7[%add3A_134, %dma_wait3A_135] : memref<40x125xi32, #tpu.memory_space<vmem>> -> memref<1x125xi32, #tpu.memory_space<vmem>>
      %dma_wait3A_137 = tpu.memref_squeeze %dma_wait3A_136 : memref<1x125xi32, #tpu.memory_space<vmem>> -> memref<125xi32, #tpu.memory_space<vmem>>
      %dma_wait3A_138 = arith.constant 0 : i32
      %dma_wait3A_139 = arith.constant 0 : i32
      %dma_wait3A_140 = tpu.memref_slice %arg2[%scan3A_14, %dma_wait3A_138, %dma_wait3A_139] : memref<4x10000x128xf32, #tpu.memory_space<hbm>> -> memref<1x10000x128xf32, #tpu.memory_space<hbm>>
      %dma_wait3A_141 = tpu.memref_squeeze %dma_wait3A_140 : memref<1x10000x128xf32, #tpu.memory_space<hbm>> -> memref<10000x128xf32, #tpu.memory_space<hbm>>
      %dma_wait3A_142 = arith.constant 0 : i32
      %dma_wait3A_143 = arith.constant 0 : i32
      %dma_wait3A_144 = tpu.memref_slice %dma_wait3A_141[%dma_wait3A_142, %dma_wait3A_143] : memref<10000x128xf32, #tpu.memory_space<hbm>> -> memref<10000x128xf32, #tpu.memory_space<hbm>>
      tpu.wait_indirect_dma semaphore(%arg13 : memref<!tpu.dma_semaphore, #tpu.memory_space<semaphore_mem>>) src(%dma_wait3A_144 : memref<10000x128xf32, #tpu.memory_space<hbm>>) dst(%arg10 : memref<125x128xf32, #tpu.memory_space<vmem>>)
      %add3A_145 = arith.constant 1 : i32
      %add3A_146 = arith.addi %scan3A_109, %add3A_145 : i32
      %lt3A = arith.constant 20 : i32
      %lt3A_147 = arith.cmpi slt, %add3A_146, %lt3A : i32
      %convert_element_type3A = arith.extui %lt3A_147 : i1 to i32
      %cond3A = arith.constant 0 : i32
      %cond3A_148 = arith.cmpi ne, %convert_element_type3A, %cond3A : i32
      scf.if %cond3A_148 {
        %add3A_151 = arith.constant 2 : i32
        %add3A_152 = arith.addi %mul3A_111, %add3A_151 : i32
        %dma_start3A_153 = arith.constant 0 : i32
        %dma_start3A_154 = tpu.memref_slice %arg7[%add3A_152, %dma_start3A_153] : memref<40x125xi32, #tpu.memory_space<vmem>> -> memref<1x125xi32, #tpu.memory_space<vmem>>
        %dma_start3A_155 = tpu.memref_squeeze %dma_start3A_154 : memref<1x125xi32, #tpu.memory_space<vmem>> -> memref<125xi32, #tpu.memory_space<vmem>>
        %dma_start3A_156 = arith.constant 0 : i32
        %dma_start3A_157 = arith.constant 0 : i32
        %dma_start3A_158 = tpu.memref_slice %arg2[%scan3A_14, %dma_start3A_156, %dma_start3A_157] : memref<4x10000x128xf32, #tpu.memory_space<hbm>> -> memref<1x10000x128xf32, #tpu.memory_space<hbm>>
        %dma_start3A_159 = tpu.memref_squeeze %dma_start3A_158 : memref<1x10000x128xf32, #tpu.memory_space<hbm>> -> memref<10000x128xf32, #tpu.memory_space<hbm>>
        %dma_start3A_160 = arith.constant 0 : i32
        %dma_start3A_161 = arith.constant 0 : i32
        %dma_start3A_162 = tpu.memref_slice %dma_start3A_159[%dma_start3A_160, %dma_start3A_161] : memref<10000x128xf32, #tpu.memory_space<hbm>> -> memref<10000x128xf32, #tpu.memory_space<hbm>>
        tpu.enqueue_indirect_dma source(%dma_start3A_162 : memref<10000x128xf32, #tpu.memory_space<hbm>>) target(%arg9 : memref<125x128xf32, #tpu.memory_space<vmem>>) offsets(%dma_start3A_155 : memref<125xi32, #tpu.memory_space<vmem>>) semaphore(%arg12 : memref<!tpu.dma_semaphore, #tpu.memory_space<semaphore_mem>>)
      } else {
      }
      %add3A_149 = arith.constant 1 : i32
      %add3A_150 = arith.addi %mul3A_111, %add3A_149 : i32
      "tpu.region"() ({
        %run_scoped3A_151 = tpu.sem_alloc : memref<!tpu.dma_semaphore, #tpu.memory_space<semaphore_mem>>
        %dma_start3A_152 = arith.constant 0 : i32
        %dma_start3A_153 = tpu.memref_slice %arg8[%add3A_150, %dma_start3A_152] : memref<40x125xi32, #tpu.memory_space<vmem>> -> memref<1x125xi32, #tpu.memory_space<vmem>>
        %dma_start3A_154 = tpu.memref_squeeze %dma_start3A_153 : memref<1x125xi32, #tpu.memory_space<vmem>> -> memref<125xi32, #tpu.memory_space<vmem>>
        %dma_start3A_155 = arith.constant 0 : i32
        %dma_start3A_156 = arith.constant 0 : i32
        %dma_start3A_157 = tpu.memref_slice %arg11[%dma_start3A_155, %dma_start3A_156] : memref<10240x128xf32, #tpu.memory_space<vmem_shared>> -> memref<10240x128xf32, #tpu.memory_space<vmem_shared>>
        tpu.enqueue_indirect_dma source(%arg10 : memref<125x128xf32, #tpu.memory_space<vmem>>) target(%dma_start3A_157 : memref<10240x128xf32, #tpu.memory_space<vmem_shared>>) offsets(%dma_start3A_154 : memref<125xi32, #tpu.memory_space<vmem>>) semaphore(%run_scoped3A_151 : memref<!tpu.dma_semaphore, #tpu.memory_space<semaphore_mem>>) {add = true}
        %dma_wait3A_158 = arith.constant 0 : i32
        %dma_wait3A_159 = tpu.memref_slice %arg8[%add3A_150, %dma_wait3A_158] : memref<40x125xi32, #tpu.memory_space<vmem>> -> memref<1x125xi32, #tpu.memory_space<vmem>>
        %dma_wait3A_160 = tpu.memref_squeeze %dma_wait3A_159 : memref<1x125xi32, #tpu.memory_space<vmem>> -> memref<125xi32, #tpu.memory_space<vmem>>
        %dma_wait3A_161 = arith.constant 0 : i32
        %dma_wait3A_162 = arith.constant 0 : i32
        %dma_wait3A_163 = tpu.memref_slice %arg11[%dma_wait3A_161, %dma_wait3A_162] : memref<10240x128xf32, #tpu.memory_space<vmem_shared>> -> memref<10240x128xf32, #tpu.memory_space<vmem_shared>>
        tpu.wait_indirect_dma semaphore(%run_scoped3A_151 : memref<!tpu.dma_semaphore, #tpu.memory_space<semaphore_mem>>) src(%arg10 : memref<125x128xf32, #tpu.memory_space<vmem>>) dst(%dma_wait3A_163 : memref<10240x128xf32, #tpu.memory_space<vmem_shared>>)
        tpu.yield
      }) : () -> ()
    }
    %scan3A_19 = arith.constant 20 : i32
    %barrier3A_20 = arith.constant 0 : index
    tpu.barrier barrier_id(%barrier3A_20)
    %mul3A_21 = arith.constant 640 : i32
    %mul3A_22 = arith.muli %arg1, %mul3A_21 : i32
    %mul3A_23 = arith.constant 640 : i32
    %mul3A_24 = arith.muli %arg1, %mul3A_23 : i32
    %run_scoped3A = arith.constant 0 : i32
    "tpu.region"() ({
      %run_scoped3A_109 = tpu.sem_alloc : memref<!tpu.dma_semaphore, #tpu.memory_space<semaphore_mem>>
      %dma_start3A_110 = arith.constant 0 : i32
      %dma_start3A_111 = tpu.memref_slice %arg6[%arg0, %run_scoped3A, %mul3A_24, %dma_start3A_110] : memref<2x4x10240x128xf32, #tpu.memory_space<hbm>> -> memref<1x1x640x128xf32, #tpu.memory_space<hbm>>
      %dma_start3A_112 = tpu.memref_squeeze %dma_start3A_111 : memref<1x1x640x128xf32, #tpu.memory_space<hbm>> -> memref<640x128xf32, #tpu.memory_space<hbm>>
      %dma_start3A_113 = arith.constant 0 : i32
      %dma_start3A_114 = tpu.memref_slice %arg11[%mul3A_22, %dma_start3A_113] : memref<10240x128xf32, #tpu.memory_space<vmem_shared>> -> memref<640x128xf32, #tpu.memory_space<vmem_shared>>
      tpu.enqueue_dma source(%dma_start3A_114 : memref<640x128xf32, #tpu.memory_space<vmem_shared>>) target(%dma_start3A_112 : memref<640x128xf32, #tpu.memory_space<hbm>>) target_semaphore(%run_scoped3A_109 : memref<!tpu.dma_semaphore, #tpu.memory_space<semaphore_mem>>)
      %dma_wait3A = arith.constant 0 : i32
      %dma_wait3A_115 = tpu.memref_slice %arg6[%arg0, %run_scoped3A, %mul3A_24, %dma_wait3A] : memref<2x4x10240x128xf32, #tpu.memory_space<hbm>> -> memref<1x1x640x128xf32, #tpu.memory_space<hbm>>
      %dma_wait3A_116 = tpu.memref_squeeze %dma_wait3A_115 : memref<1x1x640x128xf32, #tpu.memory_space<hbm>> -> memref<640x128xf32, #tpu.memory_space<hbm>>
      %dma_wait3A_117 = arith.constant 0 : i32
      %dma_wait3A_118 = tpu.memref_slice %arg11[%mul3A_22, %dma_wait3A_117] : memref<10240x128xf32, #tpu.memory_space<vmem_shared>> -> memref<640x128xf32, #tpu.memory_space<vmem_shared>>
      tpu.wait_dma2 semaphore(%run_scoped3A_109 : memref<!tpu.dma_semaphore, #tpu.memory_space<semaphore_mem>>) src(%dma_wait3A_118 : memref<640x128xf32, #tpu.memory_space<vmem_shared>>) dst(%dma_wait3A_116 : memref<640x128xf32, #tpu.memory_space<hbm>>)
      tpu.yield
    }) : () -> ()
    %mul3A_25 = arith.constant 640 : i32
    %mul3A_26 = arith.muli %arg1, %mul3A_25 : i32
    "tpu.region"() ({
      %run_scoped3A_109 = tpu.sem_alloc : memref<!tpu.dma_semaphore, #tpu.memory_space<semaphore_mem>>
      %dma_start3A_110 = arith.constant 0 : i32
      %dma_start3A_111 = tpu.memref_slice %arg11[%mul3A_26, %dma_start3A_110] : memref<10240x128xf32, #tpu.memory_space<vmem_shared>> -> memref<640x128xf32, #tpu.memory_space<vmem_shared>>
      tpu.enqueue_dma source(%arg5 : memref<640x128xf32, #tpu.memory_space<hbm>>) target(%dma_start3A_111 : memref<640x128xf32, #tpu.memory_space<vmem_shared>>) target_semaphore(%run_scoped3A_109 : memref<!tpu.dma_semaphore, #tpu.memory_space<semaphore_mem>>)
      %dma_wait3A = arith.constant 0 : i32
      %dma_wait3A_112 = tpu.memref_slice %arg11[%mul3A_26, %dma_wait3A] : memref<10240x128xf32, #tpu.memory_space<vmem_shared>> -> memref<640x128xf32, #tpu.memory_space<vmem_shared>>
      tpu.wait_dma2 semaphore(%run_scoped3A_109 : memref<!tpu.dma_semaphore, #tpu.memory_space<semaphore_mem>>) src(%arg5 : memref<640x128xf32, #tpu.memory_space<hbm>>) dst(%dma_wait3A_112 : memref<640x128xf32, #tpu.memory_space<vmem_shared>>)
      tpu.yield
    }) : () -> ()
    %barrier3A_27 = arith.constant 0 : index
    tpu.barrier barrier_id(%barrier3A_27)
    %dma_start3A_28 = arith.constant 1 : i32
    %dma_start3A_29 = arith.constant 0 : i32
    %dma_start3A_30 = arith.constant 0 : i32
    %dma_start3A_31 = tpu.memref_slice %arg7[%dma_start3A_29, %dma_start3A_30] : memref<40x125xi32, #tpu.memory_space<vmem>> -> memref<1x125xi32, #tpu.memory_space<vmem>>
    %dma_start3A_32 = tpu.memref_squeeze %dma_start3A_31 : memref<1x125xi32, #tpu.memory_space<vmem>> -> memref<125xi32, #tpu.memory_space<vmem>>
    %dma_start3A_33 = arith.constant 0 : i32
    %dma_start3A_34 = arith.constant 0 : i32
    %dma_start3A_35 = tpu.memref_slice %arg2[%dma_start3A_28, %dma_start3A_33, %dma_start3A_34] : memref<4x10000x128xf32, #tpu.memory_space<hbm>> -> memref<1x10000x128xf32, #tpu.memory_space<hbm>>
    %dma_start3A_36 = tpu.memref_squeeze %dma_start3A_35 : memref<1x10000x128xf32, #tpu.memory_space<hbm>> -> memref<10000x128xf32, #tpu.memory_space<hbm>>
    %dma_start3A_37 = arith.constant 0 : i32
    %dma_start3A_38 = arith.constant 0 : i32
    %dma_start3A_39 = tpu.memref_slice %dma_start3A_36[%dma_start3A_37, %dma_start3A_38] : memref<10000x128xf32, #tpu.memory_space<hbm>> -> memref<10000x128xf32, #tpu.memory_space<hbm>>
    tpu.enqueue_indirect_dma source(%dma_start3A_39 : memref<10000x128xf32, #tpu.memory_space<hbm>>) target(%arg9 : memref<125x128xf32, #tpu.memory_space<vmem>>) offsets(%dma_start3A_32 : memref<125xi32, #tpu.memory_space<vmem>>) semaphore(%arg12 : memref<!tpu.dma_semaphore, #tpu.memory_space<semaphore_mem>>)
    %scan3A_40 = arith.constant 0 : i32
    %scan3A_41 = arith.constant 1 : i32
    %scan3A_42 = arith.constant 0 : i32
    %scan3A_43 = arith.constant 20 : i32
    %scan3A_44 = arith.addi %scan3A_42, %scan3A_43 : i32
    %scan3A_45 = arith.constant 1 : i32
    scf.for %scan3A_109 = %scan3A_42 to %scan3A_44 step %scan3A_45  : i32 {
      %mul3A_110 = arith.constant 2 : i32
      %mul3A_111 = arith.muli %mul3A_110, %scan3A_109 : i32
      %dma_wait3A = arith.constant 0 : i32
      %dma_wait3A_112 = tpu.memref_slice %arg7[%mul3A_111, %dma_wait3A] : memref<40x125xi32, #tpu.memory_space<vmem>> -> memref<1x125xi32, #tpu.memory_space<vmem>>
      %dma_wait3A_113 = tpu.memref_squeeze %dma_wait3A_112 : memref<1x125xi32, #tpu.memory_space<vmem>> -> memref<125xi32, #tpu.memory_space<vmem>>
      %dma_wait3A_114 = arith.constant 0 : i32
      %dma_wait3A_115 = arith.constant 0 : i32
      %dma_wait3A_116 = tpu.memref_slice %arg2[%scan3A_41, %dma_wait3A_114, %dma_wait3A_115] : memref<4x10000x128xf32, #tpu.memory_space<hbm>> -> memref<1x10000x128xf32, #tpu.memory_space<hbm>>
      %dma_wait3A_117 = tpu.memref_squeeze %dma_wait3A_116 : memref<1x10000x128xf32, #tpu.memory_space<hbm>> -> memref<10000x128xf32, #tpu.memory_space<hbm>>
      %dma_wait3A_118 = arith.constant 0 : i32
      %dma_wait3A_119 = arith.constant 0 : i32
      %dma_wait3A_120 = tpu.memref_slice %dma_wait3A_117[%dma_wait3A_118, %dma_wait3A_119] : memref<10000x128xf32, #tpu.memory_space<hbm>> -> memref<10000x128xf32, #tpu.memory_space<hbm>>
      tpu.wait_indirect_dma semaphore(%arg12 : memref<!tpu.dma_semaphore, #tpu.memory_space<semaphore_mem>>) src(%dma_wait3A_120 : memref<10000x128xf32, #tpu.memory_space<hbm>>) dst(%arg9 : memref<125x128xf32, #tpu.memory_space<vmem>>)
      %add3A_121 = arith.constant 1 : i32
      %add3A_122 = arith.addi %mul3A_111, %add3A_121 : i32
      %dma_start3A_123 = arith.constant 0 : i32
      %dma_start3A_124 = tpu.memref_slice %arg7[%add3A_122, %dma_start3A_123] : memref<40x125xi32, #tpu.memory_space<vmem>> -> memref<1x125xi32, #tpu.memory_space<vmem>>
      %dma_start3A_125 = tpu.memref_squeeze %dma_start3A_124 : memref<1x125xi32, #tpu.memory_space<vmem>> -> memref<125xi32, #tpu.memory_space<vmem>>
      %dma_start3A_126 = arith.constant 0 : i32
      %dma_start3A_127 = arith.constant 0 : i32
      %dma_start3A_128 = tpu.memref_slice %arg2[%scan3A_41, %dma_start3A_126, %dma_start3A_127] : memref<4x10000x128xf32, #tpu.memory_space<hbm>> -> memref<1x10000x128xf32, #tpu.memory_space<hbm>>
      %dma_start3A_129 = tpu.memref_squeeze %dma_start3A_128 : memref<1x10000x128xf32, #tpu.memory_space<hbm>> -> memref<10000x128xf32, #tpu.memory_space<hbm>>
      %dma_start3A_130 = arith.constant 0 : i32
      %dma_start3A_131 = arith.constant 0 : i32
      %dma_start3A_132 = tpu.memref_slice %dma_start3A_129[%dma_start3A_130, %dma_start3A_131] : memref<10000x128xf32, #tpu.memory_space<hbm>> -> memref<10000x128xf32, #tpu.memory_space<hbm>>
      tpu.enqueue_indirect_dma source(%dma_start3A_132 : memref<10000x128xf32, #tpu.memory_space<hbm>>) target(%arg10 : memref<125x128xf32, #tpu.memory_space<vmem>>) offsets(%dma_start3A_125 : memref<125xi32, #tpu.memory_space<vmem>>) semaphore(%arg13 : memref<!tpu.dma_semaphore, #tpu.memory_space<semaphore_mem>>)
      "tpu.region"() ({
        %run_scoped3A_151 = tpu.sem_alloc : memref<!tpu.dma_semaphore, #tpu.memory_space<semaphore_mem>>
        %dma_start3A_152 = arith.constant 0 : i32
        %dma_start3A_153 = tpu.memref_slice %arg8[%mul3A_111, %dma_start3A_152] : memref<40x125xi32, #tpu.memory_space<vmem>> -> memref<1x125xi32, #tpu.memory_space<vmem>>
        %dma_start3A_154 = tpu.memref_squeeze %dma_start3A_153 : memref<1x125xi32, #tpu.memory_space<vmem>> -> memref<125xi32, #tpu.memory_space<vmem>>
        %dma_start3A_155 = arith.constant 0 : i32
        %dma_start3A_156 = arith.constant 0 : i32
        %dma_start3A_157 = tpu.memref_slice %arg11[%dma_start3A_155, %dma_start3A_156] : memref<10240x128xf32, #tpu.memory_space<vmem_shared>> -> memref<10240x128xf32, #tpu.memory_space<vmem_shared>>
        tpu.enqueue_indirect_dma source(%arg9 : memref<125x128xf32, #tpu.memory_space<vmem>>) target(%dma_start3A_157 : memref<10240x128xf32, #tpu.memory_space<vmem_shared>>) offsets(%dma_start3A_154 : memref<125xi32, #tpu.memory_space<vmem>>) semaphore(%run_scoped3A_151 : memref<!tpu.dma_semaphore, #tpu.memory_space<semaphore_mem>>) {add = true}
        %dma_wait3A_158 = arith.constant 0 : i32
        %dma_wait3A_159 = tpu.memref_slice %arg8[%mul3A_111, %dma_wait3A_158] : memref<40x125xi32, #tpu.memory_space<vmem>> -> memref<1x125xi32, #tpu.memory_space<vmem>>
        %dma_wait3A_160 = tpu.memref_squeeze %dma_wait3A_159 : memref<1x125xi32, #tpu.memory_space<vmem>> -> memref<125xi32, #tpu.memory_space<vmem>>
        %dma_wait3A_161 = arith.constant 0 : i32
        %dma_wait3A_162 = arith.constant 0 : i32
        %dma_wait3A_163 = tpu.memref_slice %arg11[%dma_wait3A_161, %dma_wait3A_162] : memref<10240x128xf32, #tpu.memory_space<vmem_shared>> -> memref<10240x128xf32, #tpu.memory_space<vmem_shared>>
        tpu.wait_indirect_dma semaphore(%run_scoped3A_151 : memref<!tpu.dma_semaphore, #tpu.memory_space<semaphore_mem>>) src(%arg9 : memref<125x128xf32, #tpu.memory_space<vmem>>) dst(%dma_wait3A_163 : memref<10240x128xf32, #tpu.memory_space<vmem_shared>>)
        tpu.yield
      }) : () -> ()
      %add3A_133 = arith.constant 1 : i32
      %add3A_134 = arith.addi %mul3A_111, %add3A_133 : i32
      %dma_wait3A_135 = arith.constant 0 : i32
      %dma_wait3A_136 = tpu.memref_slice %arg7[%add3A_134, %dma_wait3A_135] : memref<40x125xi32, #tpu.memory_space<vmem>> -> memref<1x125xi32, #tpu.memory_space<vmem>>
      %dma_wait3A_137 = tpu.memref_squeeze %dma_wait3A_136 : memref<1x125xi32, #tpu.memory_space<vmem>> -> memref<125xi32, #tpu.memory_space<vmem>>
      %dma_wait3A_138 = arith.constant 0 : i32
      %dma_wait3A_139 = arith.constant 0 : i32
      %dma_wait3A_140 = tpu.memref_slice %arg2[%scan3A_41, %dma_wait3A_138, %dma_wait3A_139] : memref<4x10000x128xf32, #tpu.memory_space<hbm>> -> memref<1x10000x128xf32, #tpu.memory_space<hbm>>
      %dma_wait3A_141 = tpu.memref_squeeze %dma_wait3A_140 : memref<1x10000x128xf32, #tpu.memory_space<hbm>> -> memref<10000x128xf32, #tpu.memory_space<hbm>>
      %dma_wait3A_142 = arith.constant 0 : i32
      %dma_wait3A_143 = arith.constant 0 : i32
      %dma_wait3A_144 = tpu.memref_slice %dma_wait3A_141[%dma_wait3A_142, %dma_wait3A_143] : memref<10000x128xf32, #tpu.memory_space<hbm>> -> memref<10000x128xf32, #tpu.memory_space<hbm>>
      tpu.wait_indirect_dma semaphore(%arg13 : memref<!tpu.dma_semaphore, #tpu.memory_space<semaphore_mem>>) src(%dma_wait3A_144 : memref<10000x128xf32, #tpu.memory_space<hbm>>) dst(%arg10 : memref<125x128xf32, #tpu.memory_space<vmem>>)
      %add3A_145 = arith.constant 1 : i32
      %add3A_146 = arith.addi %scan3A_109, %add3A_145 : i32
      %lt3A = arith.constant 20 : i32
      %lt3A_147 = arith.cmpi slt, %add3A_146, %lt3A : i32
      %convert_element_type3A = arith.extui %lt3A_147 : i1 to i32
      %cond3A = arith.constant 0 : i32
      %cond3A_148 = arith.cmpi ne, %convert_element_type3A, %cond3A : i32
      scf.if %cond3A_148 {
        %add3A_151 = arith.constant 2 : i32
        %add3A_152 = arith.addi %mul3A_111, %add3A_151 : i32
        %dma_start3A_153 = arith.constant 0 : i32
        %dma_start3A_154 = tpu.memref_slice %arg7[%add3A_152, %dma_start3A_153] : memref<40x125xi32, #tpu.memory_space<vmem>> -> memref<1x125xi32, #tpu.memory_space<vmem>>
        %dma_start3A_155 = tpu.memref_squeeze %dma_start3A_154 : memref<1x125xi32, #tpu.memory_space<vmem>> -> memref<125xi32, #tpu.memory_space<vmem>>
        %dma_start3A_156 = arith.constant 0 : i32
        %dma_start3A_157 = arith.constant 0 : i32
        %dma_start3A_158 = tpu.memref_slice %arg2[%scan3A_41, %dma_start3A_156, %dma_start3A_157] : memref<4x10000x128xf32, #tpu.memory_space<hbm>> -> memref<1x10000x128xf32, #tpu.memory_space<hbm>>
        %dma_start3A_159 = tpu.memref_squeeze %dma_start3A_158 : memref<1x10000x128xf32, #tpu.memory_space<hbm>> -> memref<10000x128xf32, #tpu.memory_space<hbm>>
        %dma_start3A_160 = arith.constant 0 : i32
        %dma_start3A_161 = arith.constant 0 : i32
        %dma_start3A_162 = tpu.memref_slice %dma_start3A_159[%dma_start3A_160, %dma_start3A_161] : memref<10000x128xf32, #tpu.memory_space<hbm>> -> memref<10000x128xf32, #tpu.memory_space<hbm>>
        tpu.enqueue_indirect_dma source(%dma_start3A_162 : memref<10000x128xf32, #tpu.memory_space<hbm>>) target(%arg9 : memref<125x128xf32, #tpu.memory_space<vmem>>) offsets(%dma_start3A_155 : memref<125xi32, #tpu.memory_space<vmem>>) semaphore(%arg12 : memref<!tpu.dma_semaphore, #tpu.memory_space<semaphore_mem>>)
      } else {
      }
      %add3A_149 = arith.constant 1 : i32
      %add3A_150 = arith.addi %mul3A_111, %add3A_149 : i32
      "tpu.region"() ({
        %run_scoped3A_151 = tpu.sem_alloc : memref<!tpu.dma_semaphore, #tpu.memory_space<semaphore_mem>>
        %dma_start3A_152 = arith.constant 0 : i32
        %dma_start3A_153 = tpu.memref_slice %arg8[%add3A_150, %dma_start3A_152] : memref<40x125xi32, #tpu.memory_space<vmem>> -> memref<1x125xi32, #tpu.memory_space<vmem>>
        %dma_start3A_154 = tpu.memref_squeeze %dma_start3A_153 : memref<1x125xi32, #tpu.memory_space<vmem>> -> memref<125xi32, #tpu.memory_space<vmem>>
        %dma_start3A_155 = arith.constant 0 : i32
        %dma_start3A_156 = arith.constant 0 : i32
        %dma_start3A_157 = tpu.memref_slice %arg11[%dma_start3A_155, %dma_start3A_156] : memref<10240x128xf32, #tpu.memory_space<vmem_shared>> -> memref<10240x128xf32, #tpu.memory_space<vmem_shared>>
        tpu.enqueue_indirect_dma source(%arg10 : memref<125x128xf32, #tpu.memory_space<vmem>>) target(%dma_start3A_157 : memref<10240x128xf32, #tpu.memory_space<vmem_shared>>) offsets(%dma_start3A_154 : memref<125xi32, #tpu.memory_space<vmem>>) semaphore(%run_scoped3A_151 : memref<!tpu.dma_semaphore, #tpu.memory_space<semaphore_mem>>) {add = true}
        %dma_wait3A_158 = arith.constant 0 : i32
        %dma_wait3A_159 = tpu.memref_slice %arg8[%add3A_150, %dma_wait3A_158] : memref<40x125xi32, #tpu.memory_space<vmem>> -> memref<1x125xi32, #tpu.memory_space<vmem>>
        %dma_wait3A_160 = tpu.memref_squeeze %dma_wait3A_159 : memref<1x125xi32, #tpu.memory_space<vmem>> -> memref<125xi32, #tpu.memory_space<vmem>>
        %dma_wait3A_161 = arith.constant 0 : i32
        %dma_wait3A_162 = arith.constant 0 : i32
        %dma_wait3A_163 = tpu.memref_slice %arg11[%dma_wait3A_161, %dma_wait3A_162] : memref<10240x128xf32, #tpu.memory_space<vmem_shared>> -> memref<10240x128xf32, #tpu.memory_space<vmem_shared>>
        tpu.wait_indirect_dma semaphore(%run_scoped3A_151 : memref<!tpu.dma_semaphore, #tpu.memory_space<semaphore_mem>>) src(%arg10 : memref<125x128xf32, #tpu.memory_space<vmem>>) dst(%dma_wait3A_163 : memref<10240x128xf32, #tpu.memory_space<vmem_shared>>)
        tpu.yield
      }) : () -> ()
    }
    %scan3A_46 = arith.constant 20 : i32
    %barrier3A_47 = arith.constant 0 : index
    tpu.barrier barrier_id(%barrier3A_47)
    %mul3A_48 = arith.constant 640 : i32
    %mul3A_49 = arith.muli %arg1, %mul3A_48 : i32
    %mul3A_50 = arith.constant 640 : i32
    %mul3A_51 = arith.muli %arg1, %mul3A_50 : i32
    %run_scoped3A_52 = arith.constant 1 : i32
    "tpu.region"() ({
      %run_scoped3A_109 = tpu.sem_alloc : memref<!tpu.dma_semaphore, #tpu.memory_space<semaphore_mem>>
      %dma_start3A_110 = arith.constant 0 : i32
      %dma_start3A_111 = tpu.memref_slice %arg6[%arg0, %run_scoped3A_52, %mul3A_51, %dma_start3A_110] : memref<2x4x10240x128xf32, #tpu.memory_space<hbm>> -> memref<1x1x640x128xf32, #tpu.memory_space<hbm>>
      %dma_start3A_112 = tpu.memref_squeeze %dma_start3A_111 : memref<1x1x640x128xf32, #tpu.memory_space<hbm>> -> memref<640x128xf32, #tpu.memory_space<hbm>>
      %dma_start3A_113 = arith.constant 0 : i32
      %dma_start3A_114 = tpu.memref_slice %arg11[%mul3A_49, %dma_start3A_113] : memref<10240x128xf32, #tpu.memory_space<vmem_shared>> -> memref<640x128xf32, #tpu.memory_space<vmem_shared>>
      tpu.enqueue_dma source(%dma_start3A_114 : memref<640x128xf32, #tpu.memory_space<vmem_shared>>) target(%dma_start3A_112 : memref<640x128xf32, #tpu.memory_space<hbm>>) target_semaphore(%run_scoped3A_109 : memref<!tpu.dma_semaphore, #tpu.memory_space<semaphore_mem>>)
      %dma_wait3A = arith.constant 0 : i32
      %dma_wait3A_115 = tpu.memref_slice %arg6[%arg0, %run_scoped3A_52, %mul3A_51, %dma_wait3A] : memref<2x4x10240x128xf32, #tpu.memory_space<hbm>> -> memref<1x1x640x128xf32, #tpu.memory_space<hbm>>
      %dma_wait3A_116 = tpu.memref_squeeze %dma_wait3A_115 : memref<1x1x640x128xf32, #tpu.memory_space<hbm>> -> memref<640x128xf32, #tpu.memory_space<hbm>>
      %dma_wait3A_117 = arith.constant 0 : i32
      %dma_wait3A_118 = tpu.memref_slice %arg11[%mul3A_49, %dma_wait3A_117] : memref<10240x128xf32, #tpu.memory_space<vmem_shared>> -> memref<640x128xf32, #tpu.memory_space<vmem_shared>>
      tpu.wait_dma2 semaphore(%run_scoped3A_109 : memref<!tpu.dma_semaphore, #tpu.memory_space<semaphore_mem>>) src(%dma_wait3A_118 : memref<640x128xf32, #tpu.memory_space<vmem_shared>>) dst(%dma_wait3A_116 : memref<640x128xf32, #tpu.memory_space<hbm>>)
      tpu.yield
    }) : () -> ()
    %mul3A_53 = arith.constant 640 : i32
    %mul3A_54 = arith.muli %arg1, %mul3A_53 : i32
    "tpu.region"() ({
      %run_scoped3A_109 = tpu.sem_alloc : memref<!tpu.dma_semaphore, #tpu.memory_space<semaphore_mem>>
      %dma_start3A_110 = arith.constant 0 : i32
      %dma_start3A_111 = tpu.memref_slice %arg11[%mul3A_54, %dma_start3A_110] : memref<10240x128xf32, #tpu.memory_space<vmem_shared>> -> memref<640x128xf32, #tpu.memory_space<vmem_shared>>
      tpu.enqueue_dma source(%arg5 : memref<640x128xf32, #tpu.memory_space<hbm>>) target(%dma_start3A_111 : memref<640x128xf32, #tpu.memory_space<vmem_shared>>) target_semaphore(%run_scoped3A_109 : memref<!tpu.dma_semaphore, #tpu.memory_space<semaphore_mem>>)
      %dma_wait3A = arith.constant 0 : i32
      %dma_wait3A_112 = tpu.memref_slice %arg11[%mul3A_54, %dma_wait3A] : memref<10240x128xf32, #tpu.memory_space<vmem_shared>> -> memref<640x128xf32, #tpu.memory_space<vmem_shared>>
      tpu.wait_dma2 semaphore(%run_scoped3A_109 : memref<!tpu.dma_semaphore, #tpu.memory_space<semaphore_mem>>) src(%arg5 : memref<640x128xf32, #tpu.memory_space<hbm>>) dst(%dma_wait3A_112 : memref<640x128xf32, #tpu.memory_space<vmem_shared>>)
      tpu.yield
    }) : () -> ()
    %barrier3A_55 = arith.constant 0 : index
    tpu.barrier barrier_id(%barrier3A_55)
    %dma_start3A_56 = arith.constant 2 : i32
    %dma_start3A_57 = arith.constant 0 : i32
    %dma_start3A_58 = arith.constant 0 : i32
    %dma_start3A_59 = tpu.memref_slice %arg7[%dma_start3A_57, %dma_start3A_58] : memref<40x125xi32, #tpu.memory_space<vmem>> -> memref<1x125xi32, #tpu.memory_space<vmem>>
    %dma_start3A_60 = tpu.memref_squeeze %dma_start3A_59 : memref<1x125xi32, #tpu.memory_space<vmem>> -> memref<125xi32, #tpu.memory_space<vmem>>
    %dma_start3A_61 = arith.constant 0 : i32
    %dma_start3A_62 = arith.constant 0 : i32
    %dma_start3A_63 = tpu.memref_slice %arg2[%dma_start3A_56, %dma_start3A_61, %dma_start3A_62] : memref<4x10000x128xf32, #tpu.memory_space<hbm>> -> memref<1x10000x128xf32, #tpu.memory_space<hbm>>
    %dma_start3A_64 = tpu.memref_squeeze %dma_start3A_63 : memref<1x10000x128xf32, #tpu.memory_space<hbm>> -> memref<10000x128xf32, #tpu.memory_space<hbm>>
    %dma_start3A_65 = arith.constant 0 : i32
    %dma_start3A_66 = arith.constant 0 : i32
    %dma_start3A_67 = tpu.memref_slice %dma_start3A_64[%dma_start3A_65, %dma_start3A_66] : memref<10000x128xf32, #tpu.memory_space<hbm>> -> memref<10000x128xf32, #tpu.memory_space<hbm>>
    tpu.enqueue_indirect_dma source(%dma_start3A_67 : memref<10000x128xf32, #tpu.memory_space<hbm>>) target(%arg9 : memref<125x128xf32, #tpu.memory_space<vmem>>) offsets(%dma_start3A_60 : memref<125xi32, #tpu.memory_space<vmem>>) semaphore(%arg12 : memref<!tpu.dma_semaphore, #tpu.memory_space<semaphore_mem>>)
    %scan3A_68 = arith.constant 0 : i32
    %scan3A_69 = arith.constant 2 : i32
    %scan3A_70 = arith.constant 0 : i32
    %scan3A_71 = arith.constant 20 : i32
    %scan3A_72 = arith.addi %scan3A_70, %scan3A_71 : i32
    %scan3A_73 = arith.constant 1 : i32
    scf.for %scan3A_109 = %scan3A_70 to %scan3A_72 step %scan3A_73  : i32 {
      %mul3A_110 = arith.constant 2 : i32
      %mul3A_111 = arith.muli %mul3A_110, %scan3A_109 : i32
      %dma_wait3A = arith.constant 0 : i32
      %dma_wait3A_112 = tpu.memref_slice %arg7[%mul3A_111, %dma_wait3A] : memref<40x125xi32, #tpu.memory_space<vmem>> -> memref<1x125xi32, #tpu.memory_space<vmem>>
      %dma_wait3A_113 = tpu.memref_squeeze %dma_wait3A_112 : memref<1x125xi32, #tpu.memory_space<vmem>> -> memref<125xi32, #tpu.memory_space<vmem>>
      %dma_wait3A_114 = arith.constant 0 : i32
      %dma_wait3A_115 = arith.constant 0 : i32
      %dma_wait3A_116 = tpu.memref_slice %arg2[%scan3A_69, %dma_wait3A_114, %dma_wait3A_115] : memref<4x10000x128xf32, #tpu.memory_space<hbm>> -> memref<1x10000x128xf32, #tpu.memory_space<hbm>>
      %dma_wait3A_117 = tpu.memref_squeeze %dma_wait3A_116 : memref<1x10000x128xf32, #tpu.memory_space<hbm>> -> memref<10000x128xf32, #tpu.memory_space<hbm>>
      %dma_wait3A_118 = arith.constant 0 : i32
      %dma_wait3A_119 = arith.constant 0 : i32
      %dma_wait3A_120 = tpu.memref_slice %dma_wait3A_117[%dma_wait3A_118, %dma_wait3A_119] : memref<10000x128xf32, #tpu.memory_space<hbm>> -> memref<10000x128xf32, #tpu.memory_space<hbm>>
      tpu.wait_indirect_dma semaphore(%arg12 : memref<!tpu.dma_semaphore, #tpu.memory_space<semaphore_mem>>) src(%dma_wait3A_120 : memref<10000x128xf32, #tpu.memory_space<hbm>>) dst(%arg9 : memref<125x128xf32, #tpu.memory_space<vmem>>)
      %add3A_121 = arith.constant 1 : i32
      %add3A_122 = arith.addi %mul3A_111, %add3A_121 : i32
      %dma_start3A_123 = arith.constant 0 : i32
      %dma_start3A_124 = tpu.memref_slice %arg7[%add3A_122, %dma_start3A_123] : memref<40x125xi32, #tpu.memory_space<vmem>> -> memref<1x125xi32, #tpu.memory_space<vmem>>
      %dma_start3A_125 = tpu.memref_squeeze %dma_start3A_124 : memref<1x125xi32, #tpu.memory_space<vmem>> -> memref<125xi32, #tpu.memory_space<vmem>>
      %dma_start3A_126 = arith.constant 0 : i32
      %dma_start3A_127 = arith.constant 0 : i32
      %dma_start3A_128 = tpu.memref_slice %arg2[%scan3A_69, %dma_start3A_126, %dma_start3A_127] : memref<4x10000x128xf32, #tpu.memory_space<hbm>> -> memref<1x10000x128xf32, #tpu.memory_space<hbm>>
      %dma_start3A_129 = tpu.memref_squeeze %dma_start3A_128 : memref<1x10000x128xf32, #tpu.memory_space<hbm>> -> memref<10000x128xf32, #tpu.memory_space<hbm>>
      %dma_start3A_130 = arith.constant 0 : i32
      %dma_start3A_131 = arith.constant 0 : i32
      %dma_start3A_132 = tpu.memref_slice %dma_start3A_129[%dma_start3A_130, %dma_start3A_131] : memref<10000x128xf32, #tpu.memory_space<hbm>> -> memref<10000x128xf32, #tpu.memory_space<hbm>>
      tpu.enqueue_indirect_dma source(%dma_start3A_132 : memref<10000x128xf32, #tpu.memory_space<hbm>>) target(%arg10 : memref<125x128xf32, #tpu.memory_space<vmem>>) offsets(%dma_start3A_125 : memref<125xi32, #tpu.memory_space<vmem>>) semaphore(%arg13 : memref<!tpu.dma_semaphore, #tpu.memory_space<semaphore_mem>>)
      "tpu.region"() ({
        %run_scoped3A_151 = tpu.sem_alloc : memref<!tpu.dma_semaphore, #tpu.memory_space<semaphore_mem>>
        %dma_start3A_152 = arith.constant 0 : i32
        %dma_start3A_153 = tpu.memref_slice %arg8[%mul3A_111, %dma_start3A_152] : memref<40x125xi32, #tpu.memory_space<vmem>> -> memref<1x125xi32, #tpu.memory_space<vmem>>
        %dma_start3A_154 = tpu.memref_squeeze %dma_start3A_153 : memref<1x125xi32, #tpu.memory_space<vmem>> -> memref<125xi32, #tpu.memory_space<vmem>>
        %dma_start3A_155 = arith.constant 0 : i32
        %dma_start3A_156 = arith.constant 0 : i32
        %dma_start3A_157 = tpu.memref_slice %arg11[%dma_start3A_155, %dma_start3A_156] : memref<10240x128xf32, #tpu.memory_space<vmem_shared>> -> memref<10240x128xf32, #tpu.memory_space<vmem_shared>>
        tpu.enqueue_indirect_dma source(%arg9 : memref<125x128xf32, #tpu.memory_space<vmem>>) target(%dma_start3A_157 : memref<10240x128xf32, #tpu.memory_space<vmem_shared>>) offsets(%dma_start3A_154 : memref<125xi32, #tpu.memory_space<vmem>>) semaphore(%run_scoped3A_151 : memref<!tpu.dma_semaphore, #tpu.memory_space<semaphore_mem>>) {add = true}
        %dma_wait3A_158 = arith.constant 0 : i32
        %dma_wait3A_159 = tpu.memref_slice %arg8[%mul3A_111, %dma_wait3A_158] : memref<40x125xi32, #tpu.memory_space<vmem>> -> memref<1x125xi32, #tpu.memory_space<vmem>>
        %dma_wait3A_160 = tpu.memref_squeeze %dma_wait3A_159 : memref<1x125xi32, #tpu.memory_space<vmem>> -> memref<125xi32, #tpu.memory_space<vmem>>
        %dma_wait3A_161 = arith.constant 0 : i32
        %dma_wait3A_162 = arith.constant 0 : i32
        %dma_wait3A_163 = tpu.memref_slice %arg11[%dma_wait3A_161, %dma_wait3A_162] : memref<10240x128xf32, #tpu.memory_space<vmem_shared>> -> memref<10240x128xf32, #tpu.memory_space<vmem_shared>>
        tpu.wait_indirect_dma semaphore(%run_scoped3A_151 : memref<!tpu.dma_semaphore, #tpu.memory_space<semaphore_mem>>) src(%arg9 : memref<125x128xf32, #tpu.memory_space<vmem>>) dst(%dma_wait3A_163 : memref<10240x128xf32, #tpu.memory_space<vmem_shared>>)
        tpu.yield
      }) : () -> ()
      %add3A_133 = arith.constant 1 : i32
      %add3A_134 = arith.addi %mul3A_111, %add3A_133 : i32
      %dma_wait3A_135 = arith.constant 0 : i32
      %dma_wait3A_136 = tpu.memref_slice %arg7[%add3A_134, %dma_wait3A_135] : memref<40x125xi32, #tpu.memory_space<vmem>> -> memref<1x125xi32, #tpu.memory_space<vmem>>
      %dma_wait3A_137 = tpu.memref_squeeze %dma_wait3A_136 : memref<1x125xi32, #tpu.memory_space<vmem>> -> memref<125xi32, #tpu.memory_space<vmem>>
      %dma_wait3A_138 = arith.constant 0 : i32
      %dma_wait3A_139 = arith.constant 0 : i32
      %dma_wait3A_140 = tpu.memref_slice %arg2[%scan3A_69, %dma_wait3A_138, %dma_wait3A_139] : memref<4x10000x128xf32, #tpu.memory_space<hbm>> -> memref<1x10000x128xf32, #tpu.memory_space<hbm>>
      %dma_wait3A_141 = tpu.memref_squeeze %dma_wait3A_140 : memref<1x10000x128xf32, #tpu.memory_space<hbm>> -> memref<10000x128xf32, #tpu.memory_space<hbm>>
      %dma_wait3A_142 = arith.constant 0 : i32
      %dma_wait3A_143 = arith.constant 0 : i32
      %dma_wait3A_144 = tpu.memref_slice %dma_wait3A_141[%dma_wait3A_142, %dma_wait3A_143] : memref<10000x128xf32, #tpu.memory_space<hbm>> -> memref<10000x128xf32, #tpu.memory_space<hbm>>
      tpu.wait_indirect_dma semaphore(%arg13 : memref<!tpu.dma_semaphore, #tpu.memory_space<semaphore_mem>>) src(%dma_wait3A_144 : memref<10000x128xf32, #tpu.memory_space<hbm>>) dst(%arg10 : memref<125x128xf32, #tpu.memory_space<vmem>>)
      %add3A_145 = arith.constant 1 : i32
      %add3A_146 = arith.addi %scan3A_109, %add3A_145 : i32
      %lt3A = arith.constant 20 : i32
      %lt3A_147 = arith.cmpi slt, %add3A_146, %lt3A : i32
      %convert_element_type3A = arith.extui %lt3A_147 : i1 to i32
      %cond3A = arith.constant 0 : i32
      %cond3A_148 = arith.cmpi ne, %convert_element_type3A, %cond3A : i32
      scf.if %cond3A_148 {
        %add3A_151 = arith.constant 2 : i32
        %add3A_152 = arith.addi %mul3A_111, %add3A_151 : i32
        %dma_start3A_153 = arith.constant 0 : i32
        %dma_start3A_154 = tpu.memref_slice %arg7[%add3A_152, %dma_start3A_153] : memref<40x125xi32, #tpu.memory_space<vmem>> -> memref<1x125xi32, #tpu.memory_space<vmem>>
        %dma_start3A_155 = tpu.memref_squeeze %dma_start3A_154 : memref<1x125xi32, #tpu.memory_space<vmem>> -> memref<125xi32, #tpu.memory_space<vmem>>
        %dma_start3A_156 = arith.constant 0 : i32
        %dma_start3A_157 = arith.constant 0 : i32
        %dma_start3A_158 = tpu.memref_slice %arg2[%scan3A_69, %dma_start3A_156, %dma_start3A_157] : memref<4x10000x128xf32, #tpu.memory_space<hbm>> -> memref<1x10000x128xf32, #tpu.memory_space<hbm>>
        %dma_start3A_159 = tpu.memref_squeeze %dma_start3A_158 : memref<1x10000x128xf32, #tpu.memory_space<hbm>> -> memref<10000x128xf32, #tpu.memory_space<hbm>>
        %dma_start3A_160 = arith.constant 0 : i32
        %dma_start3A_161 = arith.constant 0 : i32
        %dma_start3A_162 = tpu.memref_slice %dma_start3A_159[%dma_start3A_160, %dma_start3A_161] : memref<10000x128xf32, #tpu.memory_space<hbm>> -> memref<10000x128xf32, #tpu.memory_space<hbm>>
        tpu.enqueue_indirect_dma source(%dma_start3A_162 : memref<10000x128xf32, #tpu.memory_space<hbm>>) target(%arg9 : memref<125x128xf32, #tpu.memory_space<vmem>>) offsets(%dma_start3A_155 : memref<125xi32, #tpu.memory_space<vmem>>) semaphore(%arg12 : memref<!tpu.dma_semaphore, #tpu.memory_space<semaphore_mem>>)
      } else {
      }
      %add3A_149 = arith.constant 1 : i32
      %add3A_150 = arith.addi %mul3A_111, %add3A_149 : i32
      "tpu.region"() ({
        %run_scoped3A_151 = tpu.sem_alloc : memref<!tpu.dma_semaphore, #tpu.memory_space<semaphore_mem>>
        %dma_start3A_152 = arith.constant 0 : i32
        %dma_start3A_153 = tpu.memref_slice %arg8[%add3A_150, %dma_start3A_152] : memref<40x125xi32, #tpu.memory_space<vmem>> -> memref<1x125xi32, #tpu.memory_space<vmem>>
        %dma_start3A_154 = tpu.memref_squeeze %dma_start3A_153 : memref<1x125xi32, #tpu.memory_space<vmem>> -> memref<125xi32, #tpu.memory_space<vmem>>
        %dma_start3A_155 = arith.constant 0 : i32
        %dma_start3A_156 = arith.constant 0 : i32
        %dma_start3A_157 = tpu.memref_slice %arg11[%dma_start3A_155, %dma_start3A_156] : memref<10240x128xf32, #tpu.memory_space<vmem_shared>> -> memref<10240x128xf32, #tpu.memory_space<vmem_shared>>
        tpu.enqueue_indirect_dma source(%arg10 : memref<125x128xf32, #tpu.memory_space<vmem>>) target(%dma_start3A_157 : memref<10240x128xf32, #tpu.memory_space<vmem_shared>>) offsets(%dma_start3A_154 : memref<125xi32, #tpu.memory_space<vmem>>) semaphore(%run_scoped3A_151 : memref<!tpu.dma_semaphore, #tpu.memory_space<semaphore_mem>>) {add = true}
        %dma_wait3A_158 = arith.constant 0 : i32
        %dma_wait3A_159 = tpu.memref_slice %arg8[%add3A_150, %dma_wait3A_158] : memref<40x125xi32, #tpu.memory_space<vmem>> -> memref<1x125xi32, #tpu.memory_space<vmem>>
        %dma_wait3A_160 = tpu.memref_squeeze %dma_wait3A_159 : memref<1x125xi32, #tpu.memory_space<vmem>> -> memref<125xi32, #tpu.memory_space<vmem>>
        %dma_wait3A_161 = arith.constant 0 : i32
        %dma_wait3A_162 = arith.constant 0 : i32
        %dma_wait3A_163 = tpu.memref_slice %arg11[%dma_wait3A_161, %dma_wait3A_162] : memref<10240x128xf32, #tpu.memory_space<vmem_shared>> -> memref<10240x128xf32, #tpu.memory_space<vmem_shared>>
        tpu.wait_indirect_dma semaphore(%run_scoped3A_151 : memref<!tpu.dma_semaphore, #tpu.memory_space<semaphore_mem>>) src(%arg10 : memref<125x128xf32, #tpu.memory_space<vmem>>) dst(%dma_wait3A_163 : memref<10240x128xf32, #tpu.memory_space<vmem_shared>>)
        tpu.yield
      }) : () -> ()
    }
    %scan3A_74 = arith.constant 20 : i32
    %barrier3A_75 = arith.constant 0 : index
    tpu.barrier barrier_id(%barrier3A_75)
    %mul3A_76 = arith.constant 640 : i32
    %mul3A_77 = arith.muli %arg1, %mul3A_76 : i32
    %mul3A_78 = arith.constant 640 : i32
    %mul3A_79 = arith.muli %arg1, %mul3A_78 : i32
    %run_scoped3A_80 = arith.constant 2 : i32
    "tpu.region"() ({
      %run_scoped3A_109 = tpu.sem_alloc : memref<!tpu.dma_semaphore, #tpu.memory_space<semaphore_mem>>
      %dma_start3A_110 = arith.constant 0 : i32
      %dma_start3A_111 = tpu.memref_slice %arg6[%arg0, %run_scoped3A_80, %mul3A_79, %dma_start3A_110] : memref<2x4x10240x128xf32, #tpu.memory_space<hbm>> -> memref<1x1x640x128xf32, #tpu.memory_space<hbm>>
      %dma_start3A_112 = tpu.memref_squeeze %dma_start3A_111 : memref<1x1x640x128xf32, #tpu.memory_space<hbm>> -> memref<640x128xf32, #tpu.memory_space<hbm>>
      %dma_start3A_113 = arith.constant 0 : i32
      %dma_start3A_114 = tpu.memref_slice %arg11[%mul3A_77, %dma_start3A_113] : memref<10240x128xf32, #tpu.memory_space<vmem_shared>> -> memref<640x128xf32, #tpu.memory_space<vmem_shared>>
      tpu.enqueue_dma source(%dma_start3A_114 : memref<640x128xf32, #tpu.memory_space<vmem_shared>>) target(%dma_start3A_112 : memref<640x128xf32, #tpu.memory_space<hbm>>) target_semaphore(%run_scoped3A_109 : memref<!tpu.dma_semaphore, #tpu.memory_space<semaphore_mem>>)
      %dma_wait3A = arith.constant 0 : i32
      %dma_wait3A_115 = tpu.memref_slice %arg6[%arg0, %run_scoped3A_80, %mul3A_79, %dma_wait3A] : memref<2x4x10240x128xf32, #tpu.memory_space<hbm>> -> memref<1x1x640x128xf32, #tpu.memory_space<hbm>>
      %dma_wait3A_116 = tpu.memref_squeeze %dma_wait3A_115 : memref<1x1x640x128xf32, #tpu.memory_space<hbm>> -> memref<640x128xf32, #tpu.memory_space<hbm>>
      %dma_wait3A_117 = arith.constant 0 : i32
      %dma_wait3A_118 = tpu.memref_slice %arg11[%mul3A_77, %dma_wait3A_117] : memref<10240x128xf32, #tpu.memory_space<vmem_shared>> -> memref<640x128xf32, #tpu.memory_space<vmem_shared>>
      tpu.wait_dma2 semaphore(%run_scoped3A_109 : memref<!tpu.dma_semaphore, #tpu.memory_space<semaphore_mem>>) src(%dma_wait3A_118 : memref<640x128xf32, #tpu.memory_space<vmem_shared>>) dst(%dma_wait3A_116 : memref<640x128xf32, #tpu.memory_space<hbm>>)
      tpu.yield
    }) : () -> ()
    %mul3A_81 = arith.constant 640 : i32
    %mul3A_82 = arith.muli %arg1, %mul3A_81 : i32
    "tpu.region"() ({
      %run_scoped3A_109 = tpu.sem_alloc : memref<!tpu.dma_semaphore, #tpu.memory_space<semaphore_mem>>
      %dma_start3A_110 = arith.constant 0 : i32
      %dma_start3A_111 = tpu.memref_slice %arg11[%mul3A_82, %dma_start3A_110] : memref<10240x128xf32, #tpu.memory_space<vmem_shared>> -> memref<640x128xf32, #tpu.memory_space<vmem_shared>>
      tpu.enqueue_dma source(%arg5 : memref<640x128xf32, #tpu.memory_space<hbm>>) target(%dma_start3A_111 : memref<640x128xf32, #tpu.memory_space<vmem_shared>>) target_semaphore(%run_scoped3A_109 : memref<!tpu.dma_semaphore, #tpu.memory_space<semaphore_mem>>)
      %dma_wait3A = arith.constant 0 : i32
      %dma_wait3A_112 = tpu.memref_slice %arg11[%mul3A_82, %dma_wait3A] : memref<10240x128xf32, #tpu.memory_space<vmem_shared>> -> memref<640x128xf32, #tpu.memory_space<vmem_shared>>
      tpu.wait_dma2 semaphore(%run_scoped3A_109 : memref<!tpu.dma_semaphore, #tpu.memory_space<semaphore_mem>>) src(%arg5 : memref<640x128xf32, #tpu.memory_space<hbm>>) dst(%dma_wait3A_112 : memref<640x128xf32, #tpu.memory_space<vmem_shared>>)
      tpu.yield
    }) : () -> ()
    %barrier3A_83 = arith.constant 0 : index
    tpu.barrier barrier_id(%barrier3A_83)
    %dma_start3A_84 = arith.constant 3 : i32
    %dma_start3A_85 = arith.constant 0 : i32
    %dma_start3A_86 = arith.constant 0 : i32
    %dma_start3A_87 = tpu.memref_slice %arg7[%dma_start3A_85, %dma_start3A_86] : memref<40x125xi32, #tpu.memory_space<vmem>> -> memref<1x125xi32, #tpu.memory_space<vmem>>
    %dma_start3A_88 = tpu.memref_squeeze %dma_start3A_87 : memref<1x125xi32, #tpu.memory_space<vmem>> -> memref<125xi32, #tpu.memory_space<vmem>>
    %dma_start3A_89 = arith.constant 0 : i32
    %dma_start3A_90 = arith.constant 0 : i32
    %dma_start3A_91 = tpu.memref_slice %arg2[%dma_start3A_84, %dma_start3A_89, %dma_start3A_90] : memref<4x10000x128xf32, #tpu.memory_space<hbm>> -> memref<1x10000x128xf32, #tpu.memory_space<hbm>>
    %dma_start3A_92 = tpu.memref_squeeze %dma_start3A_91 : memref<1x10000x128xf32, #tpu.memory_space<hbm>> -> memref<10000x128xf32, #tpu.memory_space<hbm>>
    %dma_start3A_93 = arith.constant 0 : i32
    %dma_start3A_94 = arith.constant 0 : i32
    %dma_start3A_95 = tpu.memref_slice %dma_start3A_92[%dma_start3A_93, %dma_start3A_94] : memref<10000x128xf32, #tpu.memory_space<hbm>> -> memref<10000x128xf32, #tpu.memory_space<hbm>>
    tpu.enqueue_indirect_dma source(%dma_start3A_95 : memref<10000x128xf32, #tpu.memory_space<hbm>>) target(%arg9 : memref<125x128xf32, #tpu.memory_space<vmem>>) offsets(%dma_start3A_88 : memref<125xi32, #tpu.memory_space<vmem>>) semaphore(%arg12 : memref<!tpu.dma_semaphore, #tpu.memory_space<semaphore_mem>>)
    %scan3A_96 = arith.constant 0 : i32
    %scan3A_97 = arith.constant 3 : i32
    %scan3A_98 = arith.constant 0 : i32
    %scan3A_99 = arith.constant 20 : i32
    %scan3A_100 = arith.addi %scan3A_98, %scan3A_99 : i32
    %scan3A_101 = arith.constant 1 : i32
    scf.for %scan3A_109 = %scan3A_98 to %scan3A_100 step %scan3A_101  : i32 {
      %mul3A_110 = arith.constant 2 : i32
      %mul3A_111 = arith.muli %mul3A_110, %scan3A_109 : i32
      %dma_wait3A = arith.constant 0 : i32
      %dma_wait3A_112 = tpu.memref_slice %arg7[%mul3A_111, %dma_wait3A] : memref<40x125xi32, #tpu.memory_space<vmem>> -> memref<1x125xi32, #tpu.memory_space<vmem>>
      %dma_wait3A_113 = tpu.memref_squeeze %dma_wait3A_112 : memref<1x125xi32, #tpu.memory_space<vmem>> -> memref<125xi32, #tpu.memory_space<vmem>>
      %dma_wait3A_114 = arith.constant 0 : i32
      %dma_wait3A_115 = arith.constant 0 : i32
      %dma_wait3A_116 = tpu.memref_slice %arg2[%scan3A_97, %dma_wait3A_114, %dma_wait3A_115] : memref<4x10000x128xf32, #tpu.memory_space<hbm>> -> memref<1x10000x128xf32, #tpu.memory_space<hbm>>
      %dma_wait3A_117 = tpu.memref_squeeze %dma_wait3A_116 : memref<1x10000x128xf32, #tpu.memory_space<hbm>> -> memref<10000x128xf32, #tpu.memory_space<hbm>>
      %dma_wait3A_118 = arith.constant 0 : i32
      %dma_wait3A_119 = arith.constant 0 : i32
      %dma_wait3A_120 = tpu.memref_slice %dma_wait3A_117[%dma_wait3A_118, %dma_wait3A_119] : memref<10000x128xf32, #tpu.memory_space<hbm>> -> memref<10000x128xf32, #tpu.memory_space<hbm>>
      tpu.wait_indirect_dma semaphore(%arg12 : memref<!tpu.dma_semaphore, #tpu.memory_space<semaphore_mem>>) src(%dma_wait3A_120 : memref<10000x128xf32, #tpu.memory_space<hbm>>) dst(%arg9 : memref<125x128xf32, #tpu.memory_space<vmem>>)
      %add3A_121 = arith.constant 1 : i32
      %add3A_122 = arith.addi %mul3A_111, %add3A_121 : i32
      %dma_start3A_123 = arith.constant 0 : i32
      %dma_start3A_124 = tpu.memref_slice %arg7[%add3A_122, %dma_start3A_123] : memref<40x125xi32, #tpu.memory_space<vmem>> -> memref<1x125xi32, #tpu.memory_space<vmem>>
      %dma_start3A_125 = tpu.memref_squeeze %dma_start3A_124 : memref<1x125xi32, #tpu.memory_space<vmem>> -> memref<125xi32, #tpu.memory_space<vmem>>
      %dma_start3A_126 = arith.constant 0 : i32
      %dma_start3A_127 = arith.constant 0 : i32
      %dma_start3A_128 = tpu.memref_slice %arg2[%scan3A_97, %dma_start3A_126, %dma_start3A_127] : memref<4x10000x128xf32, #tpu.memory_space<hbm>> -> memref<1x10000x128xf32, #tpu.memory_space<hbm>>
      %dma_start3A_129 = tpu.memref_squeeze %dma_start3A_128 : memref<1x10000x128xf32, #tpu.memory_space<hbm>> -> memref<10000x128xf32, #tpu.memory_space<hbm>>
      %dma_start3A_130 = arith.constant 0 : i32
      %dma_start3A_131 = arith.constant 0 : i32
      %dma_start3A_132 = tpu.memref_slice %dma_start3A_129[%dma_start3A_130, %dma_start3A_131] : memref<10000x128xf32, #tpu.memory_space<hbm>> -> memref<10000x128xf32, #tpu.memory_space<hbm>>
      tpu.enqueue_indirect_dma source(%dma_start3A_132 : memref<10000x128xf32, #tpu.memory_space<hbm>>) target(%arg10 : memref<125x128xf32, #tpu.memory_space<vmem>>) offsets(%dma_start3A_125 : memref<125xi32, #tpu.memory_space<vmem>>) semaphore(%arg13 : memref<!tpu.dma_semaphore, #tpu.memory_space<semaphore_mem>>)
      "tpu.region"() ({
        %run_scoped3A_151 = tpu.sem_alloc : memref<!tpu.dma_semaphore, #tpu.memory_space<semaphore_mem>>
        %dma_start3A_152 = arith.constant 0 : i32
        %dma_start3A_153 = tpu.memref_slice %arg8[%mul3A_111, %dma_start3A_152] : memref<40x125xi32, #tpu.memory_space<vmem>> -> memref<1x125xi32, #tpu.memory_space<vmem>>
        %dma_start3A_154 = tpu.memref_squeeze %dma_start3A_153 : memref<1x125xi32, #tpu.memory_space<vmem>> -> memref<125xi32, #tpu.memory_space<vmem>>
        %dma_start3A_155 = arith.constant 0 : i32
        %dma_start3A_156 = arith.constant 0 : i32
        %dma_start3A_157 = tpu.memref_slice %arg11[%dma_start3A_155, %dma_start3A_156] : memref<10240x128xf32, #tpu.memory_space<vmem_shared>> -> memref<10240x128xf32, #tpu.memory_space<vmem_shared>>
        tpu.enqueue_indirect_dma source(%arg9 : memref<125x128xf32, #tpu.memory_space<vmem>>) target(%dma_start3A_157 : memref<10240x128xf32, #tpu.memory_space<vmem_shared>>) offsets(%dma_start3A_154 : memref<125xi32, #tpu.memory_space<vmem>>) semaphore(%run_scoped3A_151 : memref<!tpu.dma_semaphore, #tpu.memory_space<semaphore_mem>>) {add = true}
        %dma_wait3A_158 = arith.constant 0 : i32
        %dma_wait3A_159 = tpu.memref_slice %arg8[%mul3A_111, %dma_wait3A_158] : memref<40x125xi32, #tpu.memory_space<vmem>> -> memref<1x125xi32, #tpu.memory_space<vmem>>
        %dma_wait3A_160 = tpu.memref_squeeze %dma_wait3A_159 : memref<1x125xi32, #tpu.memory_space<vmem>> -> memref<125xi32, #tpu.memory_space<vmem>>
        %dma_wait3A_161 = arith.constant 0 : i32
        %dma_wait3A_162 = arith.constant 0 : i32
        %dma_wait3A_163 = tpu.memref_slice %arg11[%dma_wait3A_161, %dma_wait3A_162] : memref<10240x128xf32, #tpu.memory_space<vmem_shared>> -> memref<10240x128xf32, #tpu.memory_space<vmem_shared>>
        tpu.wait_indirect_dma semaphore(%run_scoped3A_151 : memref<!tpu.dma_semaphore, #tpu.memory_space<semaphore_mem>>) src(%arg9 : memref<125x128xf32, #tpu.memory_space<vmem>>) dst(%dma_wait3A_163 : memref<10240x128xf32, #tpu.memory_space<vmem_shared>>)
        tpu.yield
      }) : () -> ()
      %add3A_133 = arith.constant 1 : i32
      %add3A_134 = arith.addi %mul3A_111, %add3A_133 : i32
      %dma_wait3A_135 = arith.constant 0 : i32
      %dma_wait3A_136 = tpu.memref_slice %arg7[%add3A_134, %dma_wait3A_135] : memref<40x125xi32, #tpu.memory_space<vmem>> -> memref<1x125xi32, #tpu.memory_space<vmem>>
      %dma_wait3A_137 = tpu.memref_squeeze %dma_wait3A_136 : memref<1x125xi32, #tpu.memory_space<vmem>> -> memref<125xi32, #tpu.memory_space<vmem>>
      %dma_wait3A_138 = arith.constant 0 : i32
      %dma_wait3A_139 = arith.constant 0 : i32
      %dma_wait3A_140 = tpu.memref_slice %arg2[%scan3A_97, %dma_wait3A_138, %dma_wait3A_139] : memref<4x10000x128xf32, #tpu.memory_space<hbm>> -> memref<1x10000x128xf32, #tpu.memory_space<hbm>>
      %dma_wait3A_141 = tpu.memref_squeeze %dma_wait3A_140 : memref<1x10000x128xf32, #tpu.memory_space<hbm>> -> memref<10000x128xf32, #tpu.memory_space<hbm>>
      %dma_wait3A_142 = arith.constant 0 : i32
      %dma_wait3A_143 = arith.constant 0 : i32
      %dma_wait3A_144 = tpu.memref_slice %dma_wait3A_141[%dma_wait3A_142, %dma_wait3A_143] : memref<10000x128xf32, #tpu.memory_space<hbm>> -> memref<10000x128xf32, #tpu.memory_space<hbm>>
      tpu.wait_indirect_dma semaphore(%arg13 : memref<!tpu.dma_semaphore, #tpu.memory_space<semaphore_mem>>) src(%dma_wait3A_144 : memref<10000x128xf32, #tpu.memory_space<hbm>>) dst(%arg10 : memref<125x128xf32, #tpu.memory_space<vmem>>)
      %add3A_145 = arith.constant 1 : i32
      %add3A_146 = arith.addi %scan3A_109, %add3A_145 : i32
      %lt3A = arith.constant 20 : i32
      %lt3A_147 = arith.cmpi slt, %add3A_146, %lt3A : i32
      %convert_element_type3A = arith.extui %lt3A_147 : i1 to i32
      %cond3A = arith.constant 0 : i32
      %cond3A_148 = arith.cmpi ne, %convert_element_type3A, %cond3A : i32
      scf.if %cond3A_148 {
        %add3A_151 = arith.constant 2 : i32
        %add3A_152 = arith.addi %mul3A_111, %add3A_151 : i32
        %dma_start3A_153 = arith.constant 0 : i32
        %dma_start3A_154 = tpu.memref_slice %arg7[%add3A_152, %dma_start3A_153] : memref<40x125xi32, #tpu.memory_space<vmem>> -> memref<1x125xi32, #tpu.memory_space<vmem>>
        %dma_start3A_155 = tpu.memref_squeeze %dma_start3A_154 : memref<1x125xi32, #tpu.memory_space<vmem>> -> memref<125xi32, #tpu.memory_space<vmem>>
        %dma_start3A_156 = arith.constant 0 : i32
        %dma_start3A_157 = arith.constant 0 : i32
        %dma_start3A_158 = tpu.memref_slice %arg2[%scan3A_97, %dma_start3A_156, %dma_start3A_157] : memref<4x10000x128xf32, #tpu.memory_space<hbm>> -> memref<1x10000x128xf32, #tpu.memory_space<hbm>>
        %dma_start3A_159 = tpu.memref_squeeze %dma_start3A_158 : memref<1x10000x128xf32, #tpu.memory_space<hbm>> -> memref<10000x128xf32, #tpu.memory_space<hbm>>
        %dma_start3A_160 = arith.constant 0 : i32
        %dma_start3A_161 = arith.constant 0 : i32
        %dma_start3A_162 = tpu.memref_slice %dma_start3A_159[%dma_start3A_160, %dma_start3A_161] : memref<10000x128xf32, #tpu.memory_space<hbm>> -> memref<10000x128xf32, #tpu.memory_space<hbm>>
        tpu.enqueue_indirect_dma source(%dma_start3A_162 : memref<10000x128xf32, #tpu.memory_space<hbm>>) target(%arg9 : memref<125x128xf32, #tpu.memory_space<vmem>>) offsets(%dma_start3A_155 : memref<125xi32, #tpu.memory_space<vmem>>) semaphore(%arg12 : memref<!tpu.dma_semaphore, #tpu.memory_space<semaphore_mem>>)
      } else {
      }
      %add3A_149 = arith.constant 1 : i32
      %add3A_150 = arith.addi %mul3A_111, %add3A_149 : i32
      "tpu.region"() ({
        %run_scoped3A_151 = tpu.sem_alloc : memref<!tpu.dma_semaphore, #tpu.memory_space<semaphore_mem>>
        %dma_start3A_152 = arith.constant 0 : i32
        %dma_start3A_153 = tpu.memref_slice %arg8[%add3A_150, %dma_start3A_152] : memref<40x125xi32, #tpu.memory_space<vmem>> -> memref<1x125xi32, #tpu.memory_space<vmem>>
        %dma_start3A_154 = tpu.memref_squeeze %dma_start3A_153 : memref<1x125xi32, #tpu.memory_space<vmem>> -> memref<125xi32, #tpu.memory_space<vmem>>
        %dma_start3A_155 = arith.constant 0 : i32
        %dma_start3A_156 = arith.constant 0 : i32
        %dma_start3A_157 = tpu.memref_slice %arg11[%dma_start3A_155, %dma_start3A_156] : memref<10240x128xf32, #tpu.memory_space<vmem_shared>> -> memref<10240x128xf32, #tpu.memory_space<vmem_shared>>
        tpu.enqueue_indirect_dma source(%arg10 : memref<125x128xf32, #tpu.memory_space<vmem>>) target(%dma_start3A_157 : memref<10240x128xf32, #tpu.memory_space<vmem_shared>>) offsets(%dma_start3A_154 : memref<125xi32, #tpu.memory_space<vmem>>) semaphore(%run_scoped3A_151 : memref<!tpu.dma_semaphore, #tpu.memory_space<semaphore_mem>>) {add = true}
        %dma_wait3A_158 = arith.constant 0 : i32
        %dma_wait3A_159 = tpu.memref_slice %arg8[%add3A_150, %dma_wait3A_158] : memref<40x125xi32, #tpu.memory_space<vmem>> -> memref<1x125xi32, #tpu.memory_space<vmem>>
        %dma_wait3A_160 = tpu.memref_squeeze %dma_wait3A_159 : memref<1x125xi32, #tpu.memory_space<vmem>> -> memref<125xi32, #tpu.memory_space<vmem>>
        %dma_wait3A_161 = arith.constant 0 : i32
        %dma_wait3A_162 = arith.constant 0 : i32
        %dma_wait3A_163 = tpu.memref_slice %arg11[%dma_wait3A_161, %dma_wait3A_162] : memref<10240x128xf32, #tpu.memory_space<vmem_shared>> -> memref<10240x128xf32, #tpu.memory_space<vmem_shared>>
        tpu.wait_indirect_dma semaphore(%run_scoped3A_151 : memref<!tpu.dma_semaphore, #tpu.memory_space<semaphore_mem>>) src(%arg10 : memref<125x128xf32, #tpu.memory_space<vmem>>) dst(%dma_wait3A_163 : memref<10240x128xf32, #tpu.memory_space<vmem_shared>>)
        tpu.yield
      }) : () -> ()
    }
    %scan3A_102 = arith.constant 20 : i32
    %barrier3A_103 = arith.constant 0 : index
    tpu.barrier barrier_id(%barrier3A_103)
    %mul3A_104 = arith.constant 640 : i32
    %mul3A_105 = arith.muli %arg1, %mul3A_104 : i32
    %mul3A_106 = arith.constant 640 : i32
    %mul3A_107 = arith.muli %arg1, %mul3A_106 : i32
    %run_scoped3A_108 = arith.constant 3 : i32
    "tpu.region"() ({
      %run_scoped3A_109 = tpu.sem_alloc : memref<!tpu.dma_semaphore, #tpu.memory_space<semaphore_mem>>
      %dma_start3A_110 = arith.constant 0 : i32
      %dma_start3A_111 = tpu.memref_slice %arg6[%arg0, %run_scoped3A_108, %mul3A_107, %dma_start3A_110] : memref<2x4x10240x128xf32, #tpu.memory_space<hbm>> -> memref<1x1x640x128xf32, #tpu.memory_space<hbm>>
      %dma_start3A_112 = tpu.memref_squeeze %dma_start3A_111 : memref<1x1x640x128xf32, #tpu.memory_space<hbm>> -> memref<640x128xf32, #tpu.memory_space<hbm>>
      %dma_start3A_113 = arith.constant 0 : i32
      %dma_start3A_114 = tpu.memref_slice %arg11[%mul3A_105, %dma_start3A_113] : memref<10240x128xf32, #tpu.memory_space<vmem_shared>> -> memref<640x128xf32, #tpu.memory_space<vmem_shared>>
      tpu.enqueue_dma source(%dma_start3A_114 : memref<640x128xf32, #tpu.memory_space<vmem_shared>>) target(%dma_start3A_112 : memref<640x128xf32, #tpu.memory_space<hbm>>) target_semaphore(%run_scoped3A_109 : memref<!tpu.dma_semaphore, #tpu.memory_space<semaphore_mem>>)
      %dma_wait3A = arith.constant 0 : i32
      %dma_wait3A_115 = tpu.memref_slice %arg6[%arg0, %run_scoped3A_108, %mul3A_107, %dma_wait3A] : memref<2x4x10240x128xf32, #tpu.memory_space<hbm>> -> memref<1x1x640x128xf32, #tpu.memory_space<hbm>>
      %dma_wait3A_116 = tpu.memref_squeeze %dma_wait3A_115 : memref<1x1x640x128xf32, #tpu.memory_space<hbm>> -> memref<640x128xf32, #tpu.memory_space<hbm>>
      %dma_wait3A_117 = arith.constant 0 : i32
      %dma_wait3A_118 = tpu.memref_slice %arg11[%mul3A_105, %dma_wait3A_117] : memref<10240x128xf32, #tpu.memory_space<vmem_shared>> -> memref<640x128xf32, #tpu.memory_space<vmem_shared>>
      tpu.wait_dma2 semaphore(%run_scoped3A_109 : memref<!tpu.dma_semaphore, #tpu.memory_space<semaphore_mem>>) src(%dma_wait3A_118 : memref<640x128xf32, #tpu.memory_space<vmem_shared>>) dst(%dma_wait3A_116 : memref<640x128xf32, #tpu.memory_space<hbm>>)
      tpu.yield
    }) : () -> ()
    return
  }
}

module attributes {stable_mosaic.version = 14 : i64} {
  func.func @_mm1_body(%arg0: i32, %arg1: i32, %arg2: memref<2000x2xf32, #tpu.memory_space<vmem>>, %arg3: memref<2000x256xf32, #tpu.memory_space<vmem>>, %arg4: memref<128x256xbf16, #tpu.memory_space<vmem>>, %arg5: memref<1x2000x128xf32, #tpu.memory_space<vmem>>) attributes {dimension_semantics = [#tpu.dimension_semantics<arbitrary>, #tpu.dimension_semantics<arbitrary>], iteration_bounds = array<i64: 5, 4>, scalar_prefetch = 0 : i64, scratch_operands = 0 : i64, tpu.core_type = #tpu.core_type<tc>, window_params = [{transform_indices = @transform_0, window_bounds = array<i64: 2000, 2>}, {transform_indices = @transform_1, window_bounds = array<i64: 2000, 256>}, {transform_indices = @transform_2, window_bounds = array<i64: 128, 256>}, {transform_indices = @transform_3, window_bounds = array<i64: 1, 2000, 128>}]} {
    %get3A = arith.constant 0 : index
    %get3A_0 = arith.constant 0 : index
    %get3A_1 = vector.load %arg2[%get3A, %get3A_0] : memref<2000x2xf32, #tpu.memory_space<vmem>>, vector<2000x2xf32>
    %slice3A = vector.extract_strided_slice %get3A_1 {offsets = [0, 0], sizes = [2000, 1], strides = [1, 1]} : vector<2000x2xf32> to vector<2000x1xf32>
    %slice3A_2 = vector.extract_strided_slice %get3A_1 {offsets = [0, 1], sizes = [2000, 1], strides = [1, 1]} : vector<2000x2xf32> to vector<2000x1xf32>
    %add3A = arith.addf %slice3A, %slice3A_2 : vector<2000x1xf32>
    %add3A_3 = arith.constant 1.000000e+00 : f32
    %add3A_4 = vector.broadcast %add3A_3 : f32 to vector<2000x1xf32>
    %add3A_5 = arith.addf %add3A, %add3A_4 : vector<2000x1xf32>
    %rsqrt3A = math.rsqrt %add3A_5 : vector<2000x1xf32>
    %get3A_6 = arith.constant 0 : index
    %get3A_7 = arith.constant 0 : index
    %get3A_8 = vector.load %arg3[%get3A_6, %get3A_7] : memref<2000x256xf32, #tpu.memory_space<vmem>>, vector<2000x256xf32>
    %convert_element_type3A = arith.truncf %get3A_8 : vector<2000x256xf32> to vector<2000x256xbf16>
    %get3A_9 = arith.constant 0 : index
    %get3A_10 = arith.constant 0 : index
    %get3A_11 = vector.load %arg4[%get3A_9, %get3A_10] : memref<128x256xbf16, #tpu.memory_space<vmem>>, vector<128x256xbf16>
    %dot_general3A = arith.constant dense<0.000000e+00> : vector<2000x128xf32>
    %dot_general3A_12 = tpu.matmul %convert_element_type3A, %get3A_11, %dot_general3A {dimension_numbers = #tpu.dot_dimension_numbers<[1], [1], [0], [0], [0, 0, 1, 0], [], []>, transpose_lhs_hint = false} : vector<2000x256xbf16>, vector<128x256xbf16>, vector<2000x128xf32> -> vector<2000x128xf32>
    %mul3A = vector.broadcast %rsqrt3A : vector<2000x1xf32> to vector<2000x128xf32>
    %mul3A_13 = arith.mulf %dot_general3A_12, %mul3A : vector<2000x128xf32>
    %swap3A = arith.constant 0 : index
    %swap3A_14 = arith.constant 0 : index
    %swap3A_15 = arith.constant 0 : index
    %swap3A_16 = vector.load %arg5[%swap3A, %swap3A_14, %swap3A_15] : memref<1x2000x128xf32, #tpu.memory_space<vmem>>, vector<1x2000x128xf32>
    %swap3A_17 = vector.shape_cast %swap3A_16 : vector<1x2000x128xf32> to vector<2000x128xf32>
    %swap3A_18 = vector.shape_cast %mul3A_13 : vector<2000x128xf32> to vector<1x2000x128xf32>
    tpu.vector_store %arg5[%swap3A, %swap3A_14, %swap3A_15], %swap3A_18 {strides = array<i32>} : memref<1x2000x128xf32, #tpu.memory_space<vmem>>, vector<1x2000x128xf32>,
    return
  }
  func.func @transform_0(%arg0: i32, %arg1: i32) -> (i32, i32) {
    %c0_i32 = arith.constant 0 : i32
    %c0_i32_0 = arith.constant 0 : i32
    return %arg0, %c0_i32 : i32, i32
  }
  func.func @transform_1(%arg0: i32, %arg1: i32) -> (i32, i32) {
    %c0_i32 = arith.constant 0 : i32
    %c0_i32_0 = arith.constant 0 : i32
    return %arg0, %c0_i32 : i32, i32
  }
  func.func @transform_2(%arg0: i32, %arg1: i32) -> (i32, i32) {
    %c0_i32 = arith.constant 0 : i32
    %c0_i32_0 = arith.constant 0 : i32
    return %arg1, %c0_i32 : i32, i32
  }
  func.func @transform_3(%arg0: i32, %arg1: i32) -> (i32, i32, i32) {
    %c0_i32 = arith.constant 0 : i32
    %c0_i32_0 = arith.constant 0 : i32
    return %arg1, %arg0, %c0_i32 : i32, i32, i32
  }
}

module attributes {stable_mosaic.version = 14 : i64} {
  func.func @_mm2_body(%arg0: i32, %arg1: i32, %arg2: memref<2000x2xf32, #tpu.memory_space<vmem>>, %arg3: memref<2x4x2000x128xf32, #tpu.memory_space<vmem>>, %arg4: memref<4x2000x128xf32, #tpu.memory_space<vmem>>, %arg5: memref<4x128xf32, #tpu.memory_space<vmem>>, %arg6: memref<1x512x128xbf16, #tpu.memory_space<vmem>>, %arg7: memref<1x2000x128xf32, #tpu.memory_space<vmem>>) attributes {dimension_semantics = [#tpu.dimension_semantics<arbitrary>, #tpu.dimension_semantics<arbitrary>], iteration_bounds = array<i64: 5, 4>, scalar_prefetch = 0 : i64, scratch_operands = 0 : i64, tpu.core_type = #tpu.core_type<tc>, window_params = [{transform_indices = @transform_0, window_bounds = array<i64: 2000, 2>}, {transform_indices = @transform_1, window_bounds = array<i64: 2, 4, 2000, 128>}, {transform_indices = @transform_2, window_bounds = array<i64: 4, 2000, 128>}, {pipeline_mode = #tpu.pipeline_mode<synchronous>, transform_indices = @transform_3, window_bounds = array<i64: 4, 128>}, {transform_indices = @transform_4, window_bounds = array<i64: 1, 512, 128>}, {transform_indices = @transform_5, window_bounds = array<i64: 1, 2000, 128>}]} {
    %get3A = arith.constant 0 : index
    %get3A_0 = arith.constant 0 : index
    %get3A_1 = vector.load %arg2[%get3A, %get3A_0] : memref<2000x2xf32, #tpu.memory_space<vmem>>, vector<2000x2xf32>
    %slice3A = vector.extract_strided_slice %get3A_1 {offsets = [0, 0], sizes = [2000, 1], strides = [1, 1]} : vector<2000x2xf32> to vector<2000x1xf32>
    %slice3A_2 = vector.extract_strided_slice %get3A_1 {offsets = [0, 1], sizes = [2000, 1], strides = [1, 1]} : vector<2000x2xf32> to vector<2000x1xf32>
    %add3A = arith.addf %slice3A, %slice3A_2 : vector<2000x1xf32>
    %add3A_3 = arith.constant 1.000000e+00 : f32
    %add3A_4 = vector.broadcast %add3A_3 : f32 to vector<2000x1xf32>
    %add3A_5 = arith.addf %add3A, %add3A_4 : vector<2000x1xf32>
    %rsqrt3A = math.rsqrt %add3A_5 : vector<2000x1xf32>
    %broadcast_in_dim3A = arith.constant 0.000000e+00 : f32
    %broadcast_in_dim3A_6 = vector.broadcast %broadcast_in_dim3A : f32 to vector<2000x128xf32>
    %get3A_7 = arith.constant 0 : index
    %get3A_8 = arith.constant 0 : index
    %get3A_9 = arith.constant 0 : index
    %get3A_10 = arith.constant 0 : index
    %get3A_11 = vector.load %arg3[%get3A_7, %get3A_8, %get3A_9, %get3A_10] : memref<2x4x2000x128xf32, #tpu.memory_space<vmem>>, vector<1x1x2000x128xf32>
    %get3A_12 = vector.shape_cast %get3A_11 : vector<1x1x2000x128xf32> to vector<2000x128xf32>
    %get3A_13 = arith.constant 1 : index
    %get3A_14 = arith.constant 0 : index
    %get3A_15 = arith.constant 0 : index
    %get3A_16 = arith.constant 0 : index
    %get3A_17 = vector.load %arg3[%get3A_13, %get3A_14, %get3A_15, %get3A_16] : memref<2x4x2000x128xf32, #tpu.memory_space<vmem>>, vector<1x1x2000x128xf32>
    %get3A_18 = vector.shape_cast %get3A_17 : vector<1x1x2000x128xf32> to vector<2000x128xf32>
    %add3A_19 = arith.addf %get3A_12, %get3A_18 : vector<2000x128xf32>
    %get3A_20 = arith.constant 0 : index
    %get3A_21 = arith.constant 0 : index
    %get3A_22 = arith.constant 0 : index
    %get3A_23 = vector.load %arg4[%get3A_20, %get3A_21, %get3A_22] : memref<4x2000x128xf32, #tpu.memory_space<vmem>>, vector<1x2000x128xf32>
    %get3A_24 = vector.shape_cast %get3A_23 : vector<1x2000x128xf32> to vector<2000x128xf32>
    %add3A_25 = arith.addf %add3A_19, %get3A_24 : vector<2000x128xf32>
    %mul3A = vector.broadcast %rsqrt3A : vector<2000x1xf32> to vector<2000x128xf32>
    %mul3A_26 = arith.mulf %mul3A, %add3A_25 : vector<2000x128xf32>
    %get3A_27 = arith.constant 0 : index
    %get3A_28 = arith.constant 0 : index
    %get3A_29 = vector.load %arg5[%get3A_27, %get3A_28] : memref<4x128xf32, #tpu.memory_space<vmem>>, vector<1x128xf32>
    %get3A_30 = vector.shape_cast %get3A_29 : vector<1x128xf32> to vector<128xf32>
    %broadcast_in_dim3A_31 = vector.shape_cast %get3A_30 : vector<128xf32> to vector<1x128xf32>
    %add3A_32 = vector.broadcast %broadcast_in_dim3A_31 : vector<1x128xf32> to vector<2000x128xf32>
    %add3A_33 = arith.addf %mul3A_26, %add3A_32 : vector<2000x128xf32>
    %max3A = arith.constant 0.000000e+00 : f32
    %max3A_34 = vector.broadcast %max3A : f32 to vector<2000x128xf32>
    %max3A_35 = arith.maximumf %add3A_33, %max3A_34 : vector<2000x128xf32>
    %convert_element_type3A = arith.truncf %max3A_35 : vector<2000x128xf32> to vector<2000x128xbf16>
    %get3A_36 = arith.constant 0 : index
    %get3A_37 = arith.constant 0 : index
    %get3A_38 = arith.constant 0 : index
    %get3A_39 = vector.load %arg6[%get3A_36, %get3A_37, %get3A_38] : memref<1x512x128xbf16, #tpu.memory_space<vmem>>, vector<1x128x128xbf16>
    %get3A_40 = vector.shape_cast %get3A_39 : vector<1x128x128xbf16> to vector<128x128xbf16>
    %dot_general3A = arith.constant dense<0.000000e+00> : vector<2000x128xf32>
    %dot_general3A_41 = tpu.matmul %convert_element_type3A, %get3A_40, %dot_general3A {dimension_numbers = #tpu.dot_dimension_numbers<[1], [0], [0], [1], [0, 0, 1, 1], [], []>, transpose_lhs_hint = false} : vector<2000x128xbf16>, vector<128x128xbf16>, vector<2000x128xf32> -> vector<2000x128xf32>
    %add3A_42 = arith.addf %broadcast_in_dim3A_6, %dot_general3A_41 : vector<2000x128xf32>
    %get3A_43 = arith.constant 0 : index
    %get3A_44 = arith.constant 1 : index
    %get3A_45 = arith.constant 0 : index
    %get3A_46 = arith.constant 0 : index
    %get3A_47 = vector.load %arg3[%get3A_43, %get3A_44, %get3A_45, %get3A_46] : memref<2x4x2000x128xf32, #tpu.memory_space<vmem>>, vector<1x1x2000x128xf32>
    %get3A_48 = vector.shape_cast %get3A_47 : vector<1x1x2000x128xf32> to vector<2000x128xf32>
    %get3A_49 = arith.constant 1 : index
    %get3A_50 = arith.constant 1 : index
    %get3A_51 = arith.constant 0 : index
    %get3A_52 = arith.constant 0 : index
    %get3A_53 = vector.load %arg3[%get3A_49, %get3A_50, %get3A_51, %get3A_52] : memref<2x4x2000x128xf32, #tpu.memory_space<vmem>>, vector<1x1x2000x128xf32>
    %get3A_54 = vector.shape_cast %get3A_53 : vector<1x1x2000x128xf32> to vector<2000x128xf32>
    %add3A_55 = arith.addf %get3A_48, %get3A_54 : vector<2000x128xf32>
    %get3A_56 = arith.constant 1 : index
    %get3A_57 = arith.constant 0 : index
    %get3A_58 = arith.constant 0 : index
    %get3A_59 = vector.load %arg4[%get3A_56, %get3A_57, %get3A_58] : memref<4x2000x128xf32, #tpu.memory_space<vmem>>, vector<1x2000x128xf32>
    %get3A_60 = vector.shape_cast %get3A_59 : vector<1x2000x128xf32> to vector<2000x128xf32>
    %add3A_61 = arith.addf %add3A_55, %get3A_60 : vector<2000x128xf32>
    %mul3A_62 = vector.broadcast %rsqrt3A : vector<2000x1xf32> to vector<2000x128xf32>
    %mul3A_63 = arith.mulf %mul3A_62, %add3A_61 : vector<2000x128xf32>
    %get3A_64 = arith.constant 1 : index
    %get3A_65 = arith.constant 0 : index
    %get3A_66 = vector.load %arg5[%get3A_64, %get3A_65] : memref<4x128xf32, #tpu.memory_space<vmem>>, vector<1x128xf32>
    %get3A_67 = vector.shape_cast %get3A_66 : vector<1x128xf32> to vector<128xf32>
    %broadcast_in_dim3A_68 = vector.shape_cast %get3A_67 : vector<128xf32> to vector<1x128xf32>
    %add3A_69 = vector.broadcast %broadcast_in_dim3A_68 : vector<1x128xf32> to vector<2000x128xf32>
    %add3A_70 = arith.addf %mul3A_63, %add3A_69 : vector<2000x128xf32>
    %max3A_71 = arith.constant 0.000000e+00 : f32
    %max3A_72 = vector.broadcast %max3A_71 : f32 to vector<2000x128xf32>
    %max3A_73 = arith.maximumf %add3A_70, %max3A_72 : vector<2000x128xf32>
    %convert_element_type3A_74 = arith.truncf %max3A_73 : vector<2000x128xf32> to vector<2000x128xbf16>
    %get3A_75 = arith.constant 0 : index
    %get3A_76 = arith.constant 128 : index
    %get3A_77 = arith.constant 0 : index
    %get3A_78 = vector.load %arg6[%get3A_75, %get3A_76, %get3A_77] : memref<1x512x128xbf16, #tpu.memory_space<vmem>>, vector<1x128x128xbf16>
    %get3A_79 = vector.shape_cast %get3A_78 : vector<1x128x128xbf16> to vector<128x128xbf16>
    %dot_general3A_80 = arith.constant dense<0.000000e+00> : vector<2000x128xf32>
    %dot_general3A_81 = tpu.matmul %convert_element_type3A_74, %get3A_79, %dot_general3A_80 {dimension_numbers = #tpu.dot_dimension_numbers<[1], [0], [0], [1], [0, 0, 1, 1], [], []>, transpose_lhs_hint = false} : vector<2000x128xbf16>, vector<128x128xbf16>, vector<2000x128xf32> -> vector<2000x128xf32>
    %add3A_82 = arith.addf %add3A_42, %dot_general3A_81 : vector<2000x128xf32>
    %get3A_83 = arith.constant 0 : index
    %get3A_84 = arith.constant 2 : index
    %get3A_85 = arith.constant 0 : index
    %get3A_86 = arith.constant 0 : index
    %get3A_87 = vector.load %arg3[%get3A_83, %get3A_84, %get3A_85, %get3A_86] : memref<2x4x2000x128xf32, #tpu.memory_space<vmem>>, vector<1x1x2000x128xf32>
    %get3A_88 = vector.shape_cast %get3A_87 : vector<1x1x2000x128xf32> to vector<2000x128xf32>
    %get3A_89 = arith.constant 1 : index
    %get3A_90 = arith.constant 2 : index
    %get3A_91 = arith.constant 0 : index
    %get3A_92 = arith.constant 0 : index
    %get3A_93 = vector.load %arg3[%get3A_89, %get3A_90, %get3A_91, %get3A_92] : memref<2x4x2000x128xf32, #tpu.memory_space<vmem>>, vector<1x1x2000x128xf32>
    %get3A_94 = vector.shape_cast %get3A_93 : vector<1x1x2000x128xf32> to vector<2000x128xf32>
    %add3A_95 = arith.addf %get3A_88, %get3A_94 : vector<2000x128xf32>
    %get3A_96 = arith.constant 2 : index
    %get3A_97 = arith.constant 0 : index
    %get3A_98 = arith.constant 0 : index
    %get3A_99 = vector.load %arg4[%get3A_96, %get3A_97, %get3A_98] : memref<4x2000x128xf32, #tpu.memory_space<vmem>>, vector<1x2000x128xf32>
    %get3A_100 = vector.shape_cast %get3A_99 : vector<1x2000x128xf32> to vector<2000x128xf32>
    %add3A_101 = arith.addf %add3A_95, %get3A_100 : vector<2000x128xf32>
    %mul3A_102 = vector.broadcast %rsqrt3A : vector<2000x1xf32> to vector<2000x128xf32>
    %mul3A_103 = arith.mulf %mul3A_102, %add3A_101 : vector<2000x128xf32>
    %get3A_104 = arith.constant 2 : index
    %get3A_105 = arith.constant 0 : index
    %get3A_106 = vector.load %arg5[%get3A_104, %get3A_105] : memref<4x128xf32, #tpu.memory_space<vmem>>, vector<1x128xf32>
    %get3A_107 = vector.shape_cast %get3A_106 : vector<1x128xf32> to vector<128xf32>
    %broadcast_in_dim3A_108 = vector.shape_cast %get3A_107 : vector<128xf32> to vector<1x128xf32>
    %add3A_109 = vector.broadcast %broadcast_in_dim3A_108 : vector<1x128xf32> to vector<2000x128xf32>
    %add3A_110 = arith.addf %mul3A_103, %add3A_109 : vector<2000x128xf32>
    %max3A_111 = arith.constant 0.000000e+00 : f32
    %max3A_112 = vector.broadcast %max3A_111 : f32 to vector<2000x128xf32>
    %max3A_113 = arith.maximumf %add3A_110, %max3A_112 : vector<2000x128xf32>
    %convert_element_type3A_114 = arith.truncf %max3A_113 : vector<2000x128xf32> to vector<2000x128xbf16>
    %get3A_115 = arith.constant 0 : index
    %get3A_116 = arith.constant 256 : index
    %get3A_117 = arith.constant 0 : index
    %get3A_118 = vector.load %arg6[%get3A_115, %get3A_116, %get3A_117] : memref<1x512x128xbf16, #tpu.memory_space<vmem>>, vector<1x128x128xbf16>
    %get3A_119 = vector.shape_cast %get3A_118 : vector<1x128x128xbf16> to vector<128x128xbf16>
    %dot_general3A_120 = arith.constant dense<0.000000e+00> : vector<2000x128xf32>
    %dot_general3A_121 = tpu.matmul %convert_element_type3A_114, %get3A_119, %dot_general3A_120 {dimension_numbers = #tpu.dot_dimension_numbers<[1], [0], [0], [1], [0, 0, 1, 1], [], []>, transpose_lhs_hint = false} : vector<2000x128xbf16>, vector<128x128xbf16>, vector<2000x128xf32> -> vector<2000x128xf32>
    %add3A_122 = arith.addf %add3A_82, %dot_general3A_121 : vector<2000x128xf32>
    %get3A_123 = arith.constant 0 : index
    %get3A_124 = arith.constant 3 : index
    %get3A_125 = arith.constant 0 : index
    %get3A_126 = arith.constant 0 : index
    %get3A_127 = vector.load %arg3[%get3A_123, %get3A_124, %get3A_125, %get3A_126] : memref<2x4x2000x128xf32, #tpu.memory_space<vmem>>, vector<1x1x2000x128xf32>
    %get3A_128 = vector.shape_cast %get3A_127 : vector<1x1x2000x128xf32> to vector<2000x128xf32>
    %get3A_129 = arith.constant 1 : index
    %get3A_130 = arith.constant 3 : index
    %get3A_131 = arith.constant 0 : index
    %get3A_132 = arith.constant 0 : index
    %get3A_133 = vector.load %arg3[%get3A_129, %get3A_130, %get3A_131, %get3A_132] : memref<2x4x2000x128xf32, #tpu.memory_space<vmem>>, vector<1x1x2000x128xf32>
    %get3A_134 = vector.shape_cast %get3A_133 : vector<1x1x2000x128xf32> to vector<2000x128xf32>
    %add3A_135 = arith.addf %get3A_128, %get3A_134 : vector<2000x128xf32>
    %get3A_136 = arith.constant 3 : index
    %get3A_137 = arith.constant 0 : index
    %get3A_138 = arith.constant 0 : index
    %get3A_139 = vector.load %arg4[%get3A_136, %get3A_137, %get3A_138] : memref<4x2000x128xf32, #tpu.memory_space<vmem>>, vector<1x2000x128xf32>
    %get3A_140 = vector.shape_cast %get3A_139 : vector<1x2000x128xf32> to vector<2000x128xf32>
    %add3A_141 = arith.addf %add3A_135, %get3A_140 : vector<2000x128xf32>
    %mul3A_142 = vector.broadcast %rsqrt3A : vector<2000x1xf32> to vector<2000x128xf32>
    %mul3A_143 = arith.mulf %mul3A_142, %add3A_141 : vector<2000x128xf32>
    %get3A_144 = arith.constant 3 : index
    %get3A_145 = arith.constant 0 : index
    %get3A_146 = vector.load %arg5[%get3A_144, %get3A_145] : memref<4x128xf32, #tpu.memory_space<vmem>>, vector<1x128xf32>
    %get3A_147 = vector.shape_cast %get3A_146 : vector<1x128xf32> to vector<128xf32>
    %broadcast_in_dim3A_148 = vector.shape_cast %get3A_147 : vector<128xf32> to vector<1x128xf32>
    %add3A_149 = vector.broadcast %broadcast_in_dim3A_148 : vector<1x128xf32> to vector<2000x128xf32>
    %add3A_150 = arith.addf %mul3A_143, %add3A_149 : vector<2000x128xf32>
    %max3A_151 = arith.constant 0.000000e+00 : f32
    %max3A_152 = vector.broadcast %max3A_151 : f32 to vector<2000x128xf32>
    %max3A_153 = arith.maximumf %add3A_150, %max3A_152 : vector<2000x128xf32>
    %convert_element_type3A_154 = arith.truncf %max3A_153 : vector<2000x128xf32> to vector<2000x128xbf16>
    %get3A_155 = arith.constant 0 : index
    %get3A_156 = arith.constant 384 : index
    %get3A_157 = arith.constant 0 : index
    %get3A_158 = vector.load %arg6[%get3A_155, %get3A_156, %get3A_157] : memref<1x512x128xbf16, #tpu.memory_space<vmem>>, vector<1x128x128xbf16>
    %get3A_159 = vector.shape_cast %get3A_158 : vector<1x128x128xbf16> to vector<128x128xbf16>
    %dot_general3A_160 = arith.constant dense<0.000000e+00> : vector<2000x128xf32>
    %dot_general3A_161 = tpu.matmul %convert_element_type3A_154, %get3A_159, %dot_general3A_160 {dimension_numbers = #tpu.dot_dimension_numbers<[1], [0], [0], [1], [0, 0, 1, 1], [], []>, transpose_lhs_hint = false} : vector<2000x128xbf16>, vector<128x128xbf16>, vector<2000x128xf32> -> vector<2000x128xf32>
    %add3A_162 = arith.addf %add3A_122, %dot_general3A_161 : vector<2000x128xf32>
    %mul3A_163 = vector.broadcast %rsqrt3A : vector<2000x1xf32> to vector<2000x128xf32>
    %mul3A_164 = arith.mulf %add3A_162, %mul3A_163 : vector<2000x128xf32>
    %swap3A = arith.constant 0 : index
    %swap3A_165 = arith.constant 0 : index
    %swap3A_166 = arith.constant 0 : index
    %swap3A_167 = vector.load %arg7[%swap3A, %swap3A_165, %swap3A_166] : memref<1x2000x128xf32, #tpu.memory_space<vmem>>, vector<1x2000x128xf32>
    %swap3A_168 = vector.shape_cast %swap3A_167 : vector<1x2000x128xf32> to vector<2000x128xf32>
    %swap3A_169 = vector.shape_cast %mul3A_164 : vector<2000x128xf32> to vector<1x2000x128xf32>
    tpu.vector_store %arg7[%swap3A, %swap3A_165, %swap3A_166], %swap3A_169 {strides = array<i32>} : memref<1x2000x128xf32, #tpu.memory_space<vmem>>, vector<1x2000x128xf32>,
    return
  }
  func.func @transform_0(%arg0: i32, %arg1: i32) -> (i32, i32) {
    %c0_i32 = arith.constant 0 : i32
    %c0_i32_0 = arith.constant 0 : i32
    return %arg0, %c0_i32 : i32, i32
  }
  func.func @transform_1(%arg0: i32, %arg1: i32) -> (i32, i32, i32, i32) {
    %c0_i32 = arith.constant 0 : i32
    %c0_i32_0 = arith.constant 0 : i32
    %c0_i32_1 = arith.constant 0 : i32
    %c0_i32_2 = arith.constant 0 : i32
    return %c0_i32, %c0_i32_0, %arg0, %c0_i32_1 : i32, i32, i32, i32
  }
  func.func @transform_2(%arg0: i32, %arg1: i32) -> (i32, i32, i32) {
    %c0_i32 = arith.constant 0 : i32
    %c0_i32_0 = arith.constant 0 : i32
    %c0_i32_1 = arith.constant 0 : i32
    return %c0_i32, %arg0, %c0_i32_0 : i32, i32, i32
  }
  func.func @transform_3(%arg0: i32, %arg1: i32) -> (i32, i32) {
    %c0_i32 = arith.constant 0 : i32
    %c0_i32_0 = arith.constant 0 : i32
    %c0_i32_1 = arith.constant 0 : i32
    return %c0_i32, %c0_i32_0 : i32, i32
  }
  func.func @transform_4(%arg0: i32, %arg1: i32) -> (i32, i32, i32) {
    %c0_i32 = arith.constant 0 : i32
    %c0_i32_0 = arith.constant 0 : i32
    %c0_i32_1 = arith.constant 0 : i32
    return %arg1, %c0_i32, %c0_i32_0 : i32, i32, i32
  }
  func.func @transform_5(%arg0: i32, %arg1: i32) -> (i32, i32, i32) {
    %c0_i32 = arith.constant 0 : i32
    %c0_i32_0 = arith.constant 0 : i32
    return %arg1, %arg0, %c0_i32 : i32, i32, i32
  }
}

module attributes {stable_mosaic.version = 14 : i64} {
  func.func @_ep3_body(%arg0: i32, %arg1: i32, %arg2: memref<2000x2xf32, #tpu.memory_space<vmem>>, %arg3: memref<2x1x2000x128xf32, #tpu.memory_space<vmem>>, %arg4: memref<1x2000x128xf32, #tpu.memory_space<vmem>>, %arg5: memref<4x128xf32, #tpu.memory_space<vmem>>, %arg6: memref<2000x128xf32, #tpu.memory_space<vmem>>) attributes {dimension_semantics = [#tpu.dimension_semantics<arbitrary>, #tpu.dimension_semantics<arbitrary>], iteration_bounds = array<i64: 5, 4>, scalar_prefetch = 0 : i64, scratch_operands = 0 : i64, tpu.core_type = #tpu.core_type<tc>, window_params = [{transform_indices = @transform_0, window_bounds = array<i64: 2000, 2>}, {transform_indices = @transform_1, window_bounds = array<i64: 2, 1, 2000, 128>}, {transform_indices = @transform_2, window_bounds = array<i64: 1, 2000, 128>}, {pipeline_mode = #tpu.pipeline_mode<synchronous>, transform_indices = @transform_3, window_bounds = array<i64: 4, 128>}, {transform_indices = @transform_4, window_bounds = array<i64: 2000, 128>}]} {
    %get3A = arith.constant 0 : index
    %get3A_0 = arith.constant 0 : index
    %get3A_1 = vector.load %arg2[%get3A, %get3A_0] : memref<2000x2xf32, #tpu.memory_space<vmem>>, vector<2000x2xf32>
    %slice3A = vector.extract_strided_slice %get3A_1 {offsets = [0, 0], sizes = [2000, 1], strides = [1, 1]} : vector<2000x2xf32> to vector<2000x1xf32>
    %slice3A_2 = vector.extract_strided_slice %get3A_1 {offsets = [0, 1], sizes = [2000, 1], strides = [1, 1]} : vector<2000x2xf32> to vector<2000x1xf32>
    %add3A = arith.addf %slice3A, %slice3A_2 : vector<2000x1xf32>
    %add3A_3 = arith.constant 1.000000e+00 : f32
    %add3A_4 = vector.broadcast %add3A_3 : f32 to vector<2000x1xf32>
    %add3A_5 = arith.addf %add3A, %add3A_4 : vector<2000x1xf32>
    %rsqrt3A = math.rsqrt %add3A_5 : vector<2000x1xf32>
    %get3A_6 = arith.index_cast %arg1 : i32 to index
    %get3A_7 = arith.constant 0 : index
    %get3A_8 = vector.load %arg5[%get3A_6, %get3A_7] : memref<4x128xf32, #tpu.memory_space<vmem>>, vector<1x128xf32>
    %get3A_9 = vector.shape_cast %get3A_8 : vector<1x128xf32> to vector<128xf32>
    %broadcast_in_dim3A = vector.shape_cast %get3A_9 : vector<128xf32> to vector<1x128xf32>
    %get3A_10 = arith.constant 0 : index
    %get3A_11 = arith.constant 0 : index
    %get3A_12 = arith.constant 0 : index
    %get3A_13 = arith.constant 0 : index
    %get3A_14 = vector.load %arg3[%get3A_10, %get3A_11, %get3A_12, %get3A_13] : memref<2x1x2000x128xf32, #tpu.memory_space<vmem>>, vector<1x1x2000x128xf32>
    %get3A_15 = vector.shape_cast %get3A_14 : vector<1x1x2000x128xf32> to vector<2000x128xf32>
    %get3A_16 = arith.constant 1 : index
    %get3A_17 = arith.constant 0 : index
    %get3A_18 = arith.constant 0 : index
    %get3A_19 = arith.constant 0 : index
    %get3A_20 = vector.load %arg3[%get3A_16, %get3A_17, %get3A_18, %get3A_19] : memref<2x1x2000x128xf32, #tpu.memory_space<vmem>>, vector<1x1x2000x128xf32>
    %get3A_21 = vector.shape_cast %get3A_20 : vector<1x1x2000x128xf32> to vector<2000x128xf32>
    %add3A_22 = arith.addf %get3A_15, %get3A_21 : vector<2000x128xf32>
    %get3A_23 = arith.constant 0 : index
    %get3A_24 = arith.constant 0 : index
    %get3A_25 = arith.constant 0 : index
    %get3A_26 = vector.load %arg4[%get3A_23, %get3A_24, %get3A_25] : memref<1x2000x128xf32, #tpu.memory_space<vmem>>, vector<1x2000x128xf32>
    %get3A_27 = vector.shape_cast %get3A_26 : vector<1x2000x128xf32> to vector<2000x128xf32>
    %add3A_28 = arith.addf %add3A_22, %get3A_27 : vector<2000x128xf32>
    %mul3A = vector.broadcast %rsqrt3A : vector<2000x1xf32> to vector<2000x128xf32>
    %mul3A_29 = arith.mulf %mul3A, %add3A_28 : vector<2000x128xf32>
    %add3A_30 = vector.broadcast %broadcast_in_dim3A : vector<1x128xf32> to vector<2000x128xf32>
    %add3A_31 = arith.addf %mul3A_29, %add3A_30 : vector<2000x128xf32>
    %swap3A = arith.constant 0 : index
    %swap3A_32 = arith.constant 0 : index
    %swap3A_33 = vector.load %arg6[%swap3A, %swap3A_32] : memref<2000x128xf32, #tpu.memory_space<vmem>>, vector<2000x128xf32>
    tpu.vector_store %arg6[%swap3A, %swap3A_32], %add3A_31 {strides = array<i32>} : memref<2000x128xf32, #tpu.memory_space<vmem>>, vector<2000x128xf32>,
    return
  }
  func.func @transform_0(%arg0: i32, %arg1: i32) -> (i32, i32) {
    %c0_i32 = arith.constant 0 : i32
    %c0_i32_0 = arith.constant 0 : i32
    return %arg0, %c0_i32 : i32, i32
  }
  func.func @transform_1(%arg0: i32, %arg1: i32) -> (i32, i32, i32, i32) {
    %c0_i32 = arith.constant 0 : i32
    %c0_i32_0 = arith.constant 0 : i32
    %c0_i32_1 = arith.constant 0 : i32
    return %c0_i32, %arg1, %arg0, %c0_i32_0 : i32, i32, i32, i32
  }
  func.func @transform_2(%arg0: i32, %arg1: i32) -> (i32, i32, i32) {
    %c0_i32 = arith.constant 0 : i32
    %c0_i32_0 = arith.constant 0 : i32
    return %arg1, %arg0, %c0_i32 : i32, i32, i32
  }
  func.func @transform_3(%arg0: i32, %arg1: i32) -> (i32, i32) {
    %c0_i32 = arith.constant 0 : i32
    %c0_i32_0 = arith.constant 0 : i32
    %c0_i32_1 = arith.constant 0 : i32
    return %c0_i32, %c0_i32_0 : i32, i32
  }
  func.func @transform_4(%arg0: i32, %arg1: i32) -> (i32, i32) {
    %c0_i32 = arith.constant 0 : i32
    return %arg0, %arg1 : i32, i32
  }
}

</mosaic_0001>

<sc_bundles>
// kernel: kernel.11.cloned.1.call-start
scs
__scs_entry_jumppad:
0x0: {  	(pc) =	sbr.rel $0x88, $3  }
0x1: {  	(tag) =	ssettag $0x0;
	lr =	simm.s32 $0x1  }
0x2: {  	[smem:$0x3F9B] =	sst lr;
	_ =	strace $0xD0000000  }
0x3: {  	_ = 	snop  }
0x4: {  	_ = 	snop  }
0x5: {  	_ = 	snop  }
0x6: {  	_ = 	snop  }
0x7: {  	_ = 	snop  }
__scs_overlays_trampoline_lowered:
0x8: {  	[smem:$0x3FAA] =	sst s0  }
0x9: {  	[smem:$0x3FAB] =	sst s1  }
0xa: {  	[smem:$0x3FAC] =	sst s2  }
0xb: {  	[smem:$0x3FAD] =	sst s3  }
0xc: {  	[smem:$0x3FAE] =	sst s4  }
0xd: {  	[smem:$0x3FAF] =	sst s5  }
0xe: {  	[smem:$0x3FB0] =	sst s6  }
0xf: {  	[smem:$0x3FB1] =	sst s7  }
0x10: {  	[smem:$0x3FB2] =	sst s8  }
0x11: {  	[smem:$0x3FB3] =	sst s9;
	s0 =	simm.s32 @!p0 $0x0  }
0x12: {  	s1 =	sld [smem:$0x3F99];
	s0 =	simm.s32 @p0 $0x1  }
0x13: {  	[smem:$0x3FB4] =	sst s0;
	s0 =	simm.s32 @!p1 $0x0  }
0x14: {  	s2 =	sld [smem:$0x3F98];
	s0 =	simm.s32 @p1 $0x1  }
0x15: {  	[smem:$0x3FB5] =	sst s0;
	s0 =	simm.s32 @!p2 $0x0  }
0x16: {  	s3 =	sld [smem:$0x3FDB];
	s0 =	simm.s32 @p2 $0x1  }
0x17: {  	s4 =	simm.s32 $0x1BF5;
	[smem:$0x3FB7] =	sst s0  }
0x18: {  	s0 =	sld [smem:$0x3F9A];
	_ =	swait.ge [sflag:s4], $0x0  }
0x19: {  	s7 =	sld [smem:$0x3F9B]  }
0x1a: {  	s8 =	sadd.s32 $0xFFFFE003, lr  }
0x1b: {  	s9 =	sadd.s32 $0xFFFFFEF7, lr;
	s5 =	simm.s32 $0xFFFFFFFF;
	p2 =	slt.u32 s8, $0xFFFFF086  }
0x1c: {  	p1 =	slt.u32 s9, $0xF7A;
	s5 =	simm.s32 @!p2 $0x0  }
0x1d: {  	s5 =	simm.s32 @p1 $0x1;
	p0 =	seq.s32 s7, s2  }
0x1e: {  	s7 =	smul.u32 @!p0 $0xF7A, s2;
	p2 =	seq.s32 @!p0 s5, $0x0  }
0x1f: {  	s9 =	smul.u32 $0xF7A, s1;
	s8 =	simm.s32 @!p0 $0x1BF5;
	p2 =	por !p2, p0  }
0x20: {  	[sflag:s8] =	ssyncset.s32 @!p0 $0xFFFFF086;
	s6 =	sadd.s32 @!p0 s3, s7;
	s7 =	simm.s32 @!p0 $0x108  }
0x21: {  	s3 =	sadd.s32 s3, s9;
	s6 =	sadd.s32 @!p0 $0x88, s6;
	s7 =	simm.s32 @p2 $0x1082  }
0x22: {  	[simem:s7], [sflag:s8] =	dma.local @!p0 [hbm:s6], $0xF7A  }
0x23: {  	s9 =	sor.u32 $0xD0000000, s2;
	s6 =	simm.s32 $0x108;
	_ =	swait.ge @!p0 [sflag:s8], $0x0  }
0x24: {  	s3 =	sadd.s32 $0x88, s3;
	s6 =	simm.s32 @!p1 $0x1082;
	[sflag:s4] =	ssyncset.s32 $0xFFFFF086  }
0x25: {  	[simem:s6], [sflag:s4] =	dma.local [hbm:s3], $0xF7A  }
0x26: {  	[smem:$0x3F9B] =	sst s1;
	(tag) =	ssettag s2;
	_ =	strace s9  }
0x27: {  	s1 =	sld [smem:$0x3FAB]  }
0x28: {  	s2 =	sld [smem:$0x3FAC]  }
0x29: {  	s4 =	sld [smem:$0x3FAE]  }
0x2a: {  	p0 =	seq.s32 s5, $0x0;
	s5 =	sld [smem:$0x3FAF]  }
0x2b: {  	s6 =	sld [smem:$0x3FB0]  }
0x2c: {  	s7 =	sld [smem:$0x3FB1]  }
0x2d: {  	s3 =	simm.s32 $0x108;
	s8 =	sld [smem:$0x3FB2]  }
0x2e: {  	s3 =	simm.s32 @!p0 $0x1082;
	s9 =	sld [smem:$0x3FB3]  }
0x2f: {  	lr =	sadd.s32 s0, s3;
	s0 =	sld [smem:$0x3FAA]  }
0x30: {  	s3 =	sld [smem:$0x3FAD]  }
0x31: {  	[smem:$0x3FB6] =	sst s10  }
0x32: {  	s10 =	sld [smem:$0x3FB4];
	_ =	sdelay $0x3  }
0x33: {  	p0 =	seq.s32 s10, $0x1;
	s10 =	sld [smem:$0x3FB6];
	_ =	sdelay $0x3  }
0x34: {  	[smem:$0x3FB6] =	sst s10  }
0x35: {  	s10 =	sld [smem:$0x3FB5];
	_ =	sdelay $0x3  }
0x36: {  	p1 =	seq.s32 s10, $0x1;
	s10 =	sld [smem:$0x3FB6];
	_ =	sdelay $0x3  }
0x37: {  	[smem:$0x3FB6] =	sst s10  }
0x38: {  	s10 =	sld [smem:$0x3FB7]  }
0x39: {  	_ = 	snop;
	(pc) =	sbr.ind lr, $3  }
0x3a: {  	_ = 	snop  }
0x3b: {  	_ = 	snop  }
0x3c: {  	p2 =	seq.s32 s10, $0x1;
	s10 =	sld [smem:$0x3FB6]  }
0x3d: {  	_ =	shalt  }
0x3e: {  	_ =	shalt  }
0x3f: {  	_ =	shalt  }
0x40: {  	_ =	shalt  }
0x41: {  	_ =	shalt  }
0x42: {  	_ =	shalt  }
0x43: {  	_ =	shalt  }
0x44: {  	_ =	shalt  }
0x45: {  	_ =	shalt  }
0x46: {  	_ =	shalt  }
0x47: {  	_ =	shalt  }
0x48: {  	_ =	shalt  }
0x49: {  	_ =	shalt  }
0x4a: {  	_ =	shalt  }
0x4b: {  	_ =	shalt  }
0x4c: {  	_ =	shalt  }
0x4d: {  	_ =	shalt  }
0x4e: {  	_ =	shalt  }
0x4f: {  	_ =	shalt  }
0x50: {  	_ =	shalt  }
0x51: {  	_ =	shalt  }
0x52: {  	_ =	shalt  }
0x53: {  	_ =	shalt  }
0x54: {  	_ =	shalt  }
0x55: {  	_ =	shalt  }
0x56: {  	_ =	shalt  }
0x57: {  	_ =	shalt  }
0x58: {  	_ =	shalt  }
0x59: {  	_ =	shalt  }
0x5a: {  	_ =	shalt  }
0x5b: {  	_ =	shalt  }
0x5c: {  	_ =	shalt  }
0x5d: {  	_ =	shalt  }
0x5e: {  	_ =	shalt  }
0x5f: {  	_ =	shalt  }
0x60: {  	_ =	shalt  }
0x61: {  	_ =	shalt  }
0x62: {  	_ =	shalt  }
0x63: {  	_ =	shalt  }
0x64: {  	_ =	shalt  }
0x65: {  	_ =	shalt  }
0x66: {  	_ =	shalt  }
0x67: {  	_ =	shalt  }
0x68: {  	_ =	shalt  }
0x69: {  	_ =	shalt  }
0x6a: {  	_ =	shalt  }
0x6b: {  	_ =	shalt  }
0x6c: {  	_ =	shalt  }
0x6d: {  	_ =	shalt  }
0x6e: {  	_ =	shalt  }
0x6f: {  	_ =	shalt  }
0x70: {  	_ =	shalt  }
0x71: {  	_ =	shalt  }
0x72: {  	_ =	shalt  }
0x73: {  	_ =	shalt  }
0x74: {  	_ =	shalt  }
0x75: {  	_ =	shalt  }
0x76: {  	_ =	shalt  }
0x77: {  	_ =	shalt  }
0x78: {  	_ =	shalt  }
0x79: {  	_ =	shalt  }
0x7a: {  	_ =	shalt  }
0x7b: {  	_ =	shalt  }
0x7c: {  	_ =	shalt  }
0x7d: {  	_ =	shalt  }
0x7e: {  	_ =	shalt  }
0x7f: {  	_ =	shalt  }
0x80: {  	_ =	shalt  }
0x81: {  	_ =	shalt  }
0x82: {  	_ =	shalt  }
0x83: {  	_ =	shalt  }
0x84: {  	_ =	shalt  }
0x85: {  	_ =	shalt  }
0x86: {  	_ =	shalt  }
0x87: {  	_ =	shalt  }
.Lfunc_end0:
.L_simem_size_0:
called_computation.1_lowered:
.L_overlay_start_0:
0x88: {  	s2 =	sld [smem:$0x3FD9]  }
0x89: {  	s3 =	sld [smem:$0x3FFE];
	_ =	sdelay $0x1  }
0x8a: {  	s1 =	srdreg.scid  }
0x8b: {  	s0 =	sand.u32 $0x1, s1  }
0x8c: {  	s17 =	sshll.u32 s0, $0xA;
	s2 =	sadd.s32 s3, s2  }
0x8d: {  	s2 =	sadd.s32 s2, s17  }
0x8e: {  	[smem:$0x3FC2] =	sst s2  }
0x8f: {  	_ = 	snop  }
0x90: {  	s2 =	sld [smem:$0x3FD0];
	(tm) =	ssettm $0x1  }
0x91: {  	s18 =	sld [smem:$0x3FFB];
	_ =	sdelay $0x3  }
0x92: {  	_ =	strace s18  }
0x93: {  	s3 =	sld [smem:$0x3FFC];
	_ =	sdelay $0x3  }
0x94: {  	_ =	strace s3  }
0x95: {  	s3 =	sld [smem:$0x3FFD];
	_ =	sdelay $0x3  }
0x96: {  	_ =	strace s3  }
0x97: {  	_ =	strace $0x8FFFFFFF  }
0x98: {  	s19 =	sld [smem:$0x3FDB];
	_ =	sdelay $0x1  }
0x99: {  	s4 =	simm.s32 $_scs_section_size  }
0x9a: {  	s5 =	simm.s32 $_size__tile_overlayer_lowered;
	s6 =	simm.s32 $_tile_overlayer_lowered  }
0x9b: {  	s22 =	simm.s32 $0x1BFF;
	s21 =	sshll.u32 s6, $0x1;
	s3 =	sadd.s32 s4, s19  }
0x9c: {  	s7 =	simm.s32 $0x0;
	s20 =	sshll.u32 s5, $0x1;
	s5 =	sadd.s32 s21, s3  }
0x9d: {  	[timem:s7], [sflag:s22] =	dma.local [hbm:s5], s20  }
0x9e: {  	_ =	swait.ge [sflag:s22], s20  }
0x9f: {  	s4 =	ssub.s32 $0x0, s20;
	[sflag:s22] =	ssyncset.done $0x0  }
0xa0: {  	[sflag:s22] =	ssyncadd.s32 s4;
	_ =	sdelay $0x1  }
0xa1: {  	s23 =	simm.s32 $0x1B8B  }
0xa2: {  	_ =	swait.ge [sflag:s23], $0x1  }
0xa3: {  	[sflag:s23] =	ssyncset.done $0x0  }
0xa4: {  	s25 =	simm.s32 $0x1B8E;
	s24 =	sld [smem:$0x3FFE];
	[sflag:s23] =	ssyncadd.s32 $0xFFFFFFFF  }
0xa5: {  	s26 =	simm.s32 $execute0_lowered;
	[smem:$0x3FD2] =	sst s25  }
0xa6: {  	s5 =	sshll.u32 s26, $0x1;
	_ =	strace $0x80000049;
	[dreg:$0x1] =	wrdreg $0xFFFFFFFF  }
0xa7: {  	s28 =	simm.s32 $_size_execute0_lowered;
	s3 =	sadd.s32 s3, s5;
	[dreg:$0x0] =	wrdreg $0x0  }
0xa8: {  	s5 =	sshll.u32 s28, $0x1;
	[dreg:$0x2] =	wrdreg s3  }
0xa9: {  	[dreg:$0x3] =	wrdreg s5  }
0xaa: {  	[dreg:$0x4] =	wrdreg $0xC0  }
0xab: {  	_ =	task [dreg:s7], $0x5FFFF  }
0xac: {  	[dreg:$0x1] =	wrdreg $0xFFFFFFFF  }
0xad: {  	[dreg:$0x0] =	wrdreg $0x60  }
0xae: {  	[dreg:$0x2] =	wrdreg s2  }
0xaf: {  	[dreg:$0x3] =	wrdreg s24  }
0xb0: {  	[dreg:$0x4] =	wrdreg $0xA8000  }
0xb1: {  	[dreg:$0x5] =	wrdreg $0x9  }
0xb2: {  	_ =	task.clear_ibuf [dreg:s7], $0x6FFFF;
	_ =	strace $0x90000049  }
0xb3: {  	s29 =	simm.s32 $0x9;
	_ =	strace $0x8000004B  }
0xb4: {  	_ =	swait.ge [sflag:s29], $0x1  }
0xb5: {  	[sflag:s29] =	ssyncadd.s32 $0xFFFFFFFF  }
0xb6: {  	_ =	strace $0x9000004B  }
0xb7: {  	_ =	sfence  }
0xb8: {  	s30 =	sld [smem:$0x0];
	_ =	sdelay $0x2  }
0xb9: {  	s31 =	sshll.u32 s1, $0xD;
	s1 =	sshrl.u32 s1, $0x2  }
0xba: {  	s3 =	sand.u32 $0x4000, s31;
	s1 =	sadd.s32 s1, s30  }
0xbb: {  	s0 =	sor.u32 s3, s0;
	s1 =	sshll.u32 s1, $0x11  }
0xbc: {  	s0 =	sor.u32 s1, s0  }
0xbd: {  	s0 =	sadd.s32 $0x8F2B, s0  }
0xbe: {  	[sflag:s0] =	ssyncadd.remote.s32 $0x1  }
0xbf: {  	_ =	sfence.sel $0xFFFF  }
0xc0: {  	[dreg:$0x0] =	wrdreg $0xFFFFFFFF;
	(pc) =	sbr.abs _section_cstart, $3  }
0xc1: {  	[dreg:$0x1] =	wrdreg $0xFFFFFFFF  }
0xc2: {  	_ =	task.clear_ibuf [dreg:s7], $0x2FFFF;
	_ =	strace $0x9FFFFFFF  }
0xc3: {  	(tm) =	ssettm $0x7FFFFFFF  }
tec
execute0_lowered:
.L_overlay_start_1:
0x0: {  	(tag) =	ssettag $0x1  }
0x1: {  	s1 =	srdreg.scid;
	s2 =	rddreg [dreg:$0x0]  }
0x2: {  	s0 =	stileid.u32;
	s6 =	rddreg [dreg:$0x1]  }
0x3: {  	s3 =	rddreg [dreg:$0x2];
	s4 =	simm.s32 $0x0;
	s16 =	simm.s32 $0x3  }
0x4: {  	s17 =	simm.s32 $0x1400;
	s20 =	simm.s32 $0x7D;
	s21 =	simm.s32 $0x2800  }
0x5: {  	s22 =	simm.s32 $0x1;
	s23 =	simm.s32 $0x6800;
	s24 =	simm.s32 $0x2  }
0x6: {  	s28 =	simm.s32 $0x2780;
	s29 =	simm.s32 $0x0;
	s5 =	sand.u32 $0x1, s1  }
0x7: {  	s25 =	sshll.u32 s0, $0x1;
	s9 =	smul.u32 $0x14000, s0;
	[smem:$0x7FF] =	sst s4  }
0x8: {  	s10 =	smul.u32 $0x50000, s0;
	s11 =	sadd.s32 $0x4E200, s2;
	s13 =	sadd.s32 $0x75300, s2  }
0x9: {  	s18 =	sshll.u32 s0, $0x6;
	s1 =	sor.u32 s5, s25;
	s8 =	smul.u32 $0x500000, s5  }
0xa: {  	_ =	strace $0x8000004A;
	s26 =	ssub.s32 $0x2, s5;
	s5 =	sadd.s32 $0xB000, s6  }
0xb: {  	s18 =	sor.u32 $0x1C03, s18;
	s25 =	simm.s32 $0x1380;
	s7 =	smul.u32 $0x280, s1  }
0xc: {  	s30 =	sshrl.u32 s26, $0x1;
	s31 =	sshrl.u32 s10, $0x2;
	s8 =	sadd.s32 s9, s8  }
0xd: {  	s15 =	ssub.s32 s26, s30;
	s19 =	sadd.s32 s31, s3;
	s9 =	sadd.s32 $0x27100, s2  }
0xe: {  	s26 =	simm.s32 $0x2700;
	s7 =	sadd.s32 s7, s6;
	s8 =	sshrl.u32 s8, $0x3  }
0xf: {  	s15 =	smax.u32 s15, $0x1;
	s19 =	sshrl.u32 s19, $0x3;
	s14 =	sadd.s32 s8, s6  }
0x10: {  	s6 =	sadd.s32 $0x6000, s7;
	s7 =	sadd.s32 $0xC00, s7;
	s8 =	sadd.s32 $0xD800, s14  }
0x11: {  	s10 =	sadd.s32 $0x35800, s14;
	s12 =	sadd.s32 $0x5D800, s14;
	s14 =	sadd.s32 $0x85800, s14  }
.LBB2_1:
0x12: {  	[tilespmem:s4], [sflag:$0x3] =	stream.linear.gather [hbm4b:s6+s4], $0x1400, $0x38;
	[tilespmem:$0x1E800] =	vst v63  }
0x13: {  	_ =	swait.ge [sflag:s16], $0x1400  }
0x14: {  	[sflag:s16] =	ssyncset.done $0x0  }
0x15: {  	[sflag:s16] =	ssyncadd.s32 $0xFFFFEC00  }
0x16: {  	[tilespmem:s17], [sflag:$0x3] =	stream.linear.gather [hbm4b:s7+s4], $0x1400, $0x38;
	[tilespmem:$0x1E800] =	vst v63  }
0x17: {  	_ =	swait.ge [sflag:s16], $0x1400  }
0x18: {  	[sflag:s16] =	ssyncset.done $0x0  }
0x19: {  	[sflag:s16] =	ssyncadd.s32 $0xFFFFEC00  }
0x1a: {  	[spmem:s19], [sflag:s18] =	dma.local [hbm:s5], $0x2800  }
0x1b: {  	_ =	swait.ge [sflag:s16], $0x2800  }
0x1c: {  	[sflag:s16] =	ssyncset.done $0x0  }
0x1d: {  	[sflag:s16] =	ssyncadd.s32 $0xFFFFD800  }
0x1e: {  	[bflag:$0x0] =	sbarrier.arrive $0xFFFF  }
0x1f: {  	[tilespmem:s21], [sflag:$0x1] =	stream.indirect.gather [hbm4b:s2+s20], $0x80, s4, s20, $0xb8;
	[tilespmem:$0x1E800] =	vst v63  }
0x20: {  	_ =	swait.ge [sflag:s22], $0x3E80  }
0x21: {  	[sflag:s22] =	ssyncset.done $0x0  }
0x22: {  	s30 =	simm.s32 $0x80;
	[sflag:s22] =	ssyncadd.s32 $0xFFFFC180  }
0x23: {  	[tilespmem:s23], [sflag:$0x2] =	stream.indirect.gather [hbm4b:s2+s20], $0x80, s30, s20, $0xb8;
	[tilespmem:$0x1E800] =	vst v63  }
0x24: {  	s30 =	simm.s32 $0x1400  }
0x25: {  	[spmem:s3] =	stream.indirect.scatter.add.f32 [tilespmem:s21], [sflag:$0x3], $0x80, s30, s20, $0xb8;
	[tilespmem:$0x1E800] =	vst v63  }
0x26: {  	_ =	swait.ge [sflag:s16], $0x3E80  }
0x27: {  	[sflag:s16] =	ssyncset.done $0x0  }
0x28: {  	[sflag:s16] =	ssyncadd.s32 $0xFFFFC180  }
0x29: {  	_ =	swait.ge [sflag:s24], $0x3E80  }
0x2a: {  	[sflag:s24] =	ssyncset.done $0x0  }
0x2b: {  	s30 =	simm.s32 $0x100;
	[sflag:s24] =	ssyncadd.s32 $0xFFFFC180  }
0x2c: {  	[tilespmem:s21], [sflag:$0x1] =	stream.indirect.gather [hbm4b:s2+s20], $0x80, s30, s20, $0xb8;
	[tilespmem:$0x1E800] =	vst v63  }
0x2d: {  	s30 =	simm.s32 $0x1480  }
0x2e: {  	[spmem:s3] =	stream.indirect.scatter.add.f32 [tilespmem:s23], [sflag:$0x3], $0x80, s30, s20, $0xb8;
	[tilespmem:$0x1E800] =	vst v63  }
0x2f: {  	_ =	swait.ge [sflag:s16], $0x3E80  }
0x30: {  	s30 =	simm.s32 $0x400;
	[sflag:s16] =	ssyncset.done $0x0  }
.LBB2_2:
0x31: {  	p0 =	sne.s32 s30, $0x4800  }
0x32: {  	[sflag:s16] =	ssyncadd.s32 $0xFFFFC180;
	s31 =	smov.u32 s30;
	s30 =	sadd.s32 $0x400, s30  }
0x33: {  	_ = 	snop  }
0x34: {  	_ =	swait.ge [sflag:s22], $0x3E80  }
0x35: {  	s31 =	sshra.s32 s31, $0x2;
	[sflag:s22] =	ssyncset.done $0x0  }
0x36: {  	s1 =	sadd.s32 $0x80, s31;
	[sflag:s22] =	ssyncadd.s32 $0xFFFFC180  }
0x37: {  	[tilespmem:s23], [sflag:$0x2] =	stream.indirect.gather [hbm4b:s2+s20], $0x80, s1, s20, $0xb8;
	[tilespmem:$0x1E800] =	vst v63  }
0x38: {  	s1 =	sadd.s32 $0x1400, s31  }
0x39: {  	[spmem:s3] =	stream.indirect.scatter.add.f32 [tilespmem:s21], [sflag:$0x3], $0x80, s1, s20, $0xb8;
	[tilespmem:$0x1E800] =	vst v63  }
0x3a: {  	_ =	swait.ge [sflag:s16], $0x3E80  }
0x3b: {  	[sflag:s16] =	ssyncset.done $0x0  }
0x3c: {  	[sflag:s16] =	ssyncadd.s32 $0xFFFFC180  }
0x3d: {  	_ =	swait.ge [sflag:s24], $0x3E80  }
0x3e: {  	[sflag:s24] =	ssyncset.done $0x0  }
0x3f: {  	s1 =	sadd.s32 $0x100, s31;
	[sflag:s24] =	ssyncadd.s32 $0xFFFFC180  }
0x40: {  	[tilespmem:s21], [sflag:$0x1] =	stream.indirect.gather [hbm4b:s2+s20], $0x80, s1, s20, $0xb8;
	[tilespmem:$0x1E800] =	vst v63  }
.Ltmp0:
0x41: {  	_ = 	snop;
	(pc) =	sbr.rel @p0 .LBB2_2-.Ltmp0, $4  }
0x42: {  	s1 =	sadd.s32 $0x1480, s31  }
0x43: {  	[spmem:s3] =	stream.indirect.scatter.add.f32 [tilespmem:s23], [sflag:$0x3], $0x80, s1, s20, $0xb8;
	[tilespmem:$0x1E800] =	vst v63  }
0x44: {  	_ =	swait.ge [sflag:s16], $0x3E80  }
0x45: {  	[sflag:s16] =	ssyncset.done $0x0  }
0x46: {  	[sflag:s16] =	ssyncadd.s32 $0xFFFFC180  }
0x47: {  	_ =	swait.ge [sflag:s22], $0x3E80  }
0x48: {  	[sflag:s22] =	ssyncset.done $0x0  }
0x49: {  	[sflag:s22] =	ssyncadd.s32 $0xFFFFC180  }
0x4a: {  	[tilespmem:s23], [sflag:$0x2] =	stream.indirect.gather [hbm4b:s2+s20], $0x80, s25, s20, $0xb8;
	[tilespmem:$0x1E800] =	vst v63  }
0x4b: {  	_ = 	snop  }
0x4c: {  	[spmem:s3] =	stream.indirect.scatter.add.f32 [tilespmem:s21], [sflag:$0x3], $0x80, s26, s20, $0xb8;
	[tilespmem:$0x1E800] =	vst v63  }
0x4d: {  	_ =	swait.ge [sflag:s16], $0x3E80  }
0x4e: {  	[sflag:s16] =	ssyncset.done $0x0  }
0x4f: {  	[sflag:s16] =	ssyncadd.s32 $0xFFFFC180  }
0x50: {  	_ =	swait.ge [sflag:s24], $0x3E80  }
0x51: {  	[sflag:s24] =	ssyncset.done $0x0  }
0x52: {  	[sflag:s24] =	ssyncadd.s32 $0xFFFFC180  }
0x53: {  	[spmem:s3] =	stream.indirect.scatter.add.f32 [tilespmem:s23], [sflag:$0x3], $0x80, s28, s20, $0xb8;
	[tilespmem:$0x1E800] =	vst v63  }
0x54: {  	_ =	swait.ge [sflag:s16], $0x3E80  }
0x55: {  	[sflag:s16] =	ssyncset.done $0x0  }
0x56: {  	[sflag:s16] =	ssyncadd.s32 $0xFFFFC180  }
0x57: {  	[bflag:$0x0] =	sbarrier.arrive $0xFFFF  }
0x58: {  	[hbm:s8], [sflag:s18] =	dma.local [spmem:s19], $0x2800  }
0x59: {  	_ =	swait.ge [sflag:s16], $0x2800  }
0x5a: {  	[sflag:s16] =	ssyncset.done $0x0  }
0x5b: {  	[sflag:s16] =	ssyncadd.s32 $0xFFFFD800  }
0x5c: {  	[spmem:s19], [sflag:s18] =	dma.local [hbm:s5], $0x2800  }
0x5d: {  	_ =	swait.ge [sflag:s16], $0x2800  }
0x5e: {  	[sflag:s16] =	ssyncset.done $0x0  }
0x5f: {  	[sflag:s16] =	ssyncadd.s32 $0xFFFFD800  }
0x60: {  	s1 =	simm.s32 $0x0;
	[bflag:$0x0] =	sbarrier.arrive $0xFFFF  }
0x61: {  	[tilespmem:s21], [sflag:$0x1] =	stream.indirect.gather [hbm4b:s9+s20], $0x80, s1, s20, $0xb8;
	[tilespmem:$0x1E800] =	vst v63  }
0x62: {  	_ =	swait.ge [sflag:s22], $0x3E80  }
0x63: {  	[sflag:s22] =	ssyncset.done $0x0  }
0x64: {  	s31 =	simm.s32 $0x80;
	[sflag:s22] =	ssyncadd.s32 $0xFFFFC180  }
0x65: {  	[tilespmem:s23], [sflag:$0x2] =	stream.indirect.gather [hbm4b:s9+s20], $0x80, s31, s20, $0xb8;
	[tilespmem:$0x1E800] =	vst v63  }
0x66: {  	s31 =	simm.s32 $0x1400  }
0x67: {  	[spmem:s3] =	stream.indirect.scatter.add.f32 [tilespmem:s21], [sflag:$0x3], $0x80, s31, s20, $0xb8;
	[tilespmem:$0x1E800] =	vst v63  }
0x68: {  	_ =	swait.ge [sflag:s16], $0x3E80  }
0x69: {  	[sflag:s16] =	ssyncset.done $0x0  }
0x6a: {  	[sflag:s16] =	ssyncadd.s32 $0xFFFFC180  }
0x6b: {  	_ =	swait.ge [sflag:s24], $0x3E80  }
0x6c: {  	[sflag:s24] =	ssyncset.done $0x0  }
0x6d: {  	s31 =	simm.s32 $0x100;
	[sflag:s24] =	ssyncadd.s32 $0xFFFFC180  }
0x6e: {  	[tilespmem:s21], [sflag:$0x1] =	stream.indirect.gather [hbm4b:s9+s20], $0x80, s31, s20, $0xb8;
	[tilespmem:$0x1E800] =	vst v63  }
0x6f: {  	s31 =	simm.s32 $0x1480  }
0x70: {  	[spmem:s3] =	stream.indirect.scatter.add.f32 [tilespmem:s23], [sflag:$0x3], $0x80, s31, s20, $0xb8;
	[tilespmem:$0x1E800] =	vst v63  }
0x71: {  	_ =	swait.ge [sflag:s16], $0x3E80  }
0x72: {  	s30 =	simm.s32 $0x400;
	[sflag:s16] =	ssyncset.done $0x0  }
.LBB2_4:
0x73: {  	p0 =	sne.s32 s30, $0x4800  }
0x74: {  	[sflag:s16] =	ssyncadd.s32 $0xFFFFC180;
	s1 =	smov.u32 s30;
	s30 =	sadd.s32 $0x400, s30  }
0x75: {  	_ = 	snop  }
0x76: {  	_ =	swait.ge [sflag:s22], $0x3E80  }
0x77: {  	s1 =	sshra.s32 s1, $0x2;
	[sflag:s22] =	ssyncset.done $0x0  }
0x78: {  	s31 =	sadd.s32 $0x80, s1;
	[sflag:s22] =	ssyncadd.s32 $0xFFFFC180  }
0x79: {  	[tilespmem:s23], [sflag:$0x2] =	stream.indirect.gather [hbm4b:s9+s20], $0x80, s31, s20, $0xb8;
	[tilespmem:$0x1E800] =	vst v63  }
0x7a: {  	s31 =	sadd.s32 $0x1400, s1  }
0x7b: {  	[spmem:s3] =	stream.indirect.scatter.add.f32 [tilespmem:s21], [sflag:$0x3], $0x80, s31, s20, $0xb8;
	[tilespmem:$0x1E800] =	vst v63  }
0x7c: {  	_ =	swait.ge [sflag:s16], $0x3E80  }
0x7d: {  	[sflag:s16] =	ssyncset.done $0x0  }
0x7e: {  	[sflag:s16] =	ssyncadd.s32 $0xFFFFC180  }
0x7f: {  	_ =	swait.ge [sflag:s24], $0x3E80  }
0x80: {  	[sflag:s24] =	ssyncset.done $0x0  }
0x81: {  	s31 =	sadd.s32 $0x100, s1;
	[sflag:s24] =	ssyncadd.s32 $0xFFFFC180  }
0x82: {  	[tilespmem:s21], [sflag:$0x1] =	stream.indirect.gather [hbm4b:s9+s20], $0x80, s31, s20, $0xb8;
	[tilespmem:$0x1E800] =	vst v63  }
.Ltmp1:
0x83: {  	_ = 	snop;
	(pc) =	sbr.rel @p0 .LBB2_4-.Ltmp1, $4  }
0x84: {  	s1 =	sadd.s32 $0x1480, s1  }
0x85: {  	[spmem:s3] =	stream.indirect.scatter.add.f32 [tilespmem:s23], [sflag:$0x3], $0x80, s1, s20, $0xb8;
	[tilespmem:$0x1E800] =	vst v63  }
0x86: {  	_ =	swait.ge [sflag:s16], $0x3E80  }
0x87: {  	[sflag:s16] =	ssyncset.done $0x0  }
0x88: {  	[sflag:s16] =	ssyncadd.s32 $0xFFFFC180  }
0x89: {  	_ =	swait.ge [sflag:s22], $0x3E80  }
0x8a: {  	[sflag:s22] =	ssyncset.done $0x0  }
0x8b: {  	[sflag:s22] =	ssyncadd.s32 $0xFFFFC180  }
0x8c: {  	[tilespmem:s23], [sflag:$0x2] =	stream.indirect.gather [hbm4b:s9+s20], $0x80, s25, s20, $0xb8;
	[tilespmem:$0x1E800] =	vst v63  }
0x8d: {  	_ = 	snop  }
0x8e: {  	[spmem:s3] =	stream.indirect.scatter.add.f32 [tilespmem:s21], [sflag:$0x3], $0x80, s26, s20, $0xb8;
	[tilespmem:$0x1E800] =	vst v63  }
0x8f: {  	_ =	swait.ge [sflag:s16], $0x3E80  }
0x90: {  	[sflag:s16] =	ssyncset.done $0x0  }
0x91: {  	[sflag:s16] =	ssyncadd.s32 $0xFFFFC180  }
0x92: {  	_ =	swait.ge [sflag:s24], $0x3E80  }
0x93: {  	[sflag:s24] =	ssyncset.done $0x0  }
0x94: {  	[sflag:s24] =	ssyncadd.s32 $0xFFFFC180  }
0x95: {  	[spmem:s3] =	stream.indirect.scatter.add.f32 [tilespmem:s23], [sflag:$0x3], $0x80, s28, s20, $0xb8;
	[tilespmem:$0x1E800] =	vst v63  }
0x96: {  	_ =	swait.ge [sflag:s16], $0x3E80  }
0x97: {  	[sflag:s16] =	ssyncset.done $0x0  }
0x98: {  	[sflag:s16] =	ssyncadd.s32 $0xFFFFC180  }
0x99: {  	[bflag:$0x0] =	sbarrier.arrive $0xFFFF  }
0x9a: {  	[hbm:s10], [sflag:s18] =	dma.local [spmem:s19], $0x2800  }
0x9b: {  	_ =	swait.ge [sflag:s16], $0x2800  }
0x9c: {  	[sflag:s16] =	ssyncset.done $0x0  }
0x9d: {  	[sflag:s16] =	ssyncadd.s32 $0xFFFFD800  }
0x9e: {  	[spmem:s19], [sflag:s18] =	dma.local [hbm:s5], $0x2800  }
0x9f: {  	_ =	swait.ge [sflag:s16], $0x2800  }
0xa0: {  	[sflag:s16] =	ssyncset.done $0x0  }
0xa1: {  	[sflag:s16] =	ssyncadd.s32 $0xFFFFD800  }
0xa2: {  	s1 =	simm.s32 $0x0;
	[bflag:$0x0] =	sbarrier.arrive $0xFFFF  }
0xa3: {  	[tilespmem:s21], [sflag:$0x1] =	stream.indirect.gather [hbm4b:s11+s20], $0x80, s1, s20, $0xb8;
	[tilespmem:$0x1E800] =	vst v63  }
0xa4: {  	_ =	swait.ge [sflag:s22], $0x3E80  }
0xa5: {  	[sflag:s22] =	ssyncset.done $0x0  }
0xa6: {  	s31 =	simm.s32 $0x80;
	[sflag:s22] =	ssyncadd.s32 $0xFFFFC180  }
0xa7: {  	[tilespmem:s23], [sflag:$0x2] =	stream.indirect.gather [hbm4b:s11+s20], $0x80, s31, s20, $0xb8;
	[tilespmem:$0x1E800] =	vst v63  }
0xa8: {  	s31 =	simm.s32 $0x1400  }
0xa9: {  	[spmem:s3] =	stream.indirect.scatter.add.f32 [tilespmem:s21], [sflag:$0x3], $0x80, s31, s20, $0xb8;
	[tilespmem:$0x1E800] =	vst v63  }
0xaa: {  	_ =	swait.ge [sflag:s16], $0x3E80  }
0xab: {  	[sflag:s16] =	ssyncset.done $0x0  }
0xac: {  	[sflag:s16] =	ssyncadd.s32 $0xFFFFC180  }
0xad: {  	_ =	swait.ge [sflag:s24], $0x3E80  }
0xae: {  	[sflag:s24] =	ssyncset.done $0x0  }
0xaf: {  	s31 =	simm.s32 $0x100;
	[sflag:s24] =	ssyncadd.s32 $0xFFFFC180  }
0xb0: {  	[tilespmem:s21], [sflag:$0x1] =	stream.indirect.gather [hbm4b:s11+s20], $0x80, s31, s20, $0xb8;
	[tilespmem:$0x1E800] =	vst v63  }
0xb1: {  	s31 =	simm.s32 $0x1480  }
0xb2: {  	[spmem:s3] =	stream.indirect.scatter.add.f32 [tilespmem:s23], [sflag:$0x3], $0x80, s31, s20, $0xb8;
	[tilespmem:$0x1E800] =	vst v63  }
0xb3: {  	_ =	swait.ge [sflag:s16], $0x3E80  }
0xb4: {  	s30 =	simm.s32 $0x400;
	[sflag:s16] =	ssyncset.done $0x0  }
.LBB2_6:
0xb5: {  	p0 =	sne.s32 s30, $0x4800  }
0xb6: {  	[sflag:s16] =	ssyncadd.s32 $0xFFFFC180;
	s1 =	smov.u32 s30;
	s30 =	sadd.s32 $0x400, s30  }
0xb7: {  	_ = 	snop  }
0xb8: {  	_ =	swait.ge [sflag:s22], $0x3E80  }
0xb9: {  	s1 =	sshra.s32 s1, $0x2;
	[sflag:s22] =	ssyncset.done $0x0  }
0xba: {  	s31 =	sadd.s32 $0x80, s1;
	[sflag:s22] =	ssyncadd.s32 $0xFFFFC180  }
0xbb: {  	[tilespmem:s23], [sflag:$0x2] =	stream.indirect.gather [hbm4b:s11+s20], $0x80, s31, s20, $0xb8;
	[tilespmem:$0x1E800] =	vst v63  }
0xbc: {  	s31 =	sadd.s32 $0x1400, s1  }
0xbd: {  	[spmem:s3] =	stream.indirect.scatter.add.f32 [tilespmem:s21], [sflag:$0x3], $0x80, s31, s20, $0xb8;
	[tilespmem:$0x1E800] =	vst v63  }
0xbe: {  	_ =	swait.ge [sflag:s16], $0x3E80  }
0xbf: {  	[sflag:s16] =	ssyncset.done $0x0  }
0xc0: {  	[sflag:s16] =	ssyncadd.s32 $0xFFFFC180  }
0xc1: {  	_ =	swait.ge [sflag:s24], $0x3E80  }
0xc2: {  	[sflag:s24] =	ssyncset.done $0x0  }
0xc3: {  	s31 =	sadd.s32 $0x100, s1;
	[sflag:s24] =	ssyncadd.s32 $0xFFFFC180  }
0xc4: {  	[tilespmem:s21], [sflag:$0x1] =	stream.indirect.gather [hbm4b:s11+s20], $0x80, s31, s20, $0xb8;
	[tilespmem:$0x1E800] =	vst v63  }
.Ltmp2:
0xc5: {  	_ = 	snop;
	(pc) =	sbr.rel @p0 .LBB2_6-.Ltmp2, $4  }
0xc6: {  	s1 =	sadd.s32 $0x1480, s1  }
0xc7: {  	[spmem:s3] =	stream.indirect.scatter.add.f32 [tilespmem:s23], [sflag:$0x3], $0x80, s1, s20, $0xb8;
	[tilespmem:$0x1E800] =	vst v63  }
0xc8: {  	_ =	swait.ge [sflag:s16], $0x3E80  }
0xc9: {  	[sflag:s16] =	ssyncset.done $0x0  }
0xca: {  	[sflag:s16] =	ssyncadd.s32 $0xFFFFC180  }
0xcb: {  	_ =	swait.ge [sflag:s22], $0x3E80  }
0xcc: {  	[sflag:s22] =	ssyncset.done $0x0  }
0xcd: {  	[sflag:s22] =	ssyncadd.s32 $0xFFFFC180  }
0xce: {  	[tilespmem:s23], [sflag:$0x2] =	stream.indirect.gather [hbm4b:s11+s20], $0x80, s25, s20, $0xb8;
	[tilespmem:$0x1E800] =	vst v63  }
0xcf: {  	_ = 	snop  }
0xd0: {  	[spmem:s3] =	stream.indirect.scatter.add.f32 [tilespmem:s21], [sflag:$0x3], $0x80, s26, s20, $0xb8;
	[tilespmem:$0x1E800] =	vst v63  }
0xd1: {  	_ =	swait.ge [sflag:s16], $0x3E80  }
0xd2: {  	[sflag:s16] =	ssyncset.done $0x0  }
0xd3: {  	[sflag:s16] =	ssyncadd.s32 $0xFFFFC180  }
0xd4: {  	_ =	swait.ge [sflag:s24], $0x3E80  }
0xd5: {  	[sflag:s24] =	ssyncset.done $0x0  }
0xd6: {  	[sflag:s24] =	ssyncadd.s32 $0xFFFFC180  }
0xd7: {  	[spmem:s3] =	stream.indirect.scatter.add.f32 [tilespmem:s23], [sflag:$0x3], $0x80, s28, s20, $0xb8;
	[tilespmem:$0x1E800] =	vst v63  }
0xd8: {  	_ =	swait.ge [sflag:s16], $0x3E80  }
0xd9: {  	[sflag:s16] =	ssyncset.done $0x0  }
0xda: {  	[sflag:s16] =	ssyncadd.s32 $0xFFFFC180  }
0xdb: {  	[bflag:$0x0] =	sbarrier.arrive $0xFFFF  }
0xdc: {  	[hbm:s12], [sflag:s18] =	dma.local [spmem:s19], $0x2800  }
0xdd: {  	_ =	swait.ge [sflag:s16], $0x2800  }
0xde: {  	[sflag:s16] =	ssyncset.done $0x0  }
0xdf: {  	[sflag:s16] =	ssyncadd.s32 $0xFFFFD800  }
0xe0: {  	[spmem:s19], [sflag:s18] =	dma.local [hbm:s5], $0x2800  }
0xe1: {  	_ =	swait.ge [sflag:s16], $0x2800  }
0xe2: {  	[sflag:s16] =	ssyncset.done $0x0  }
0xe3: {  	[sflag:s16] =	ssyncadd.s32 $0xFFFFD800  }
0xe4: {  	s1 =	simm.s32 $0x0;
	[bflag:$0x0] =	sbarrier.arrive $0xFFFF  }
0xe5: {  	[tilespmem:s21], [sflag:$0x1] =	stream.indirect.gather [hbm4b:s13+s20], $0x80, s1, s20, $0xb8;
	[tilespmem:$0x1E800] =	vst v63  }
0xe6: {  	_ =	swait.ge [sflag:s22], $0x3E80  }
0xe7: {  	[sflag:s22] =	ssyncset.done $0x0  }
0xe8: {  	s31 =	simm.s32 $0x80;
	[sflag:s22] =	ssyncadd.s32 $0xFFFFC180  }
0xe9: {  	[tilespmem:s23], [sflag:$0x2] =	stream.indirect.gather [hbm4b:s13+s20], $0x80, s31, s20, $0xb8;
	[tilespmem:$0x1E800] =	vst v63  }
0xea: {  	s31 =	simm.s32 $0x1400  }
0xeb: {  	[spmem:s3] =	stream.indirect.scatter.add.f32 [tilespmem:s21], [sflag:$0x3], $0x80, s31, s20, $0xb8;
	[tilespmem:$0x1E800] =	vst v63  }
0xec: {  	_ =	swait.ge [sflag:s16], $0x3E80  }
0xed: {  	[sflag:s16] =	ssyncset.done $0x0  }
0xee: {  	[sflag:s16] =	ssyncadd.s32 $0xFFFFC180  }
0xef: {  	_ =	swait.ge [sflag:s24], $0x3E80  }
0xf0: {  	[sflag:s24] =	ssyncset.done $0x0  }
0xf1: {  	s31 =	simm.s32 $0x100;
	[sflag:s24] =	ssyncadd.s32 $0xFFFFC180  }
0xf2: {  	[tilespmem:s21], [sflag:$0x1] =	stream.indirect.gather [hbm4b:s13+s20], $0x80, s31, s20, $0xb8;
	[tilespmem:$0x1E800] =	vst v63  }
0xf3: {  	s31 =	simm.s32 $0x1480  }
0xf4: {  	[spmem:s3] =	stream.indirect.scatter.add.f32 [tilespmem:s23], [sflag:$0x3], $0x80, s31, s20, $0xb8;
	[tilespmem:$0x1E800] =	vst v63  }
0xf5: {  	_ =	swait.ge [sflag:s16], $0x3E80  }
0xf6: {  	s30 =	simm.s32 $0x400;
	[sflag:s16] =	ssyncset.done $0x0  }
.LBB2_8:
0xf7: {  	p0 =	sne.s32 s30, $0x4800  }
0xf8: {  	[sflag:s16] =	ssyncadd.s32 $0xFFFFC180;
	s1 =	smov.u32 s30;
	s30 =	sadd.s32 $0x400, s30  }
0xf9: {  	_ = 	snop  }
0xfa: {  	_ =	swait.ge [sflag:s22], $0x3E80  }
0xfb: {  	s1 =	sshra.s32 s1, $0x2;
	[sflag:s22] =	ssyncset.done $0x0  }
0xfc: {  	s31 =	sadd.s32 $0x80, s1;
	[sflag:s22] =	ssyncadd.s32 $0xFFFFC180  }
0xfd: {  	[tilespmem:s23], [sflag:$0x2] =	stream.indirect.gather [hbm4b:s13+s20], $0x80, s31, s20, $0xb8;
	[tilespmem:$0x1E800] =	vst v63  }
0xfe: {  	s31 =	sadd.s32 $0x1400, s1  }
0xff: {  	[spmem:s3] =	stream.indirect.scatter.add.f32 [tilespmem:s21], [sflag:$0x3], $0x80, s31, s20, $0xb8;
	[tilespmem:$0x1E800] =	vst v63  }
0x100: {  	_ =	swait.ge [sflag:s16], $0x3E80  }
0x101: {  	[sflag:s16] =	ssyncset.done $0x0  }
0x102: {  	[sflag:s16] =	ssyncadd.s32 $0xFFFFC180  }
0x103: {  	_ =	swait.ge [sflag:s24], $0x3E80  }
0x104: {  	[sflag:s24] =	ssyncset.done $0x0  }
0x105: {  	s31 =	sadd.s32 $0x100, s1;
	[sflag:s24] =	ssyncadd.s32 $0xFFFFC180  }
0x106: {  	[tilespmem:s21], [sflag:$0x1] =	stream.indirect.gather [hbm4b:s13+s20], $0x80, s31, s20, $0xb8;
	[tilespmem:$0x1E800] =	vst v63  }
.Ltmp3:
0x107: {  	_ = 	snop;
	(pc) =	sbr.rel @p0 .LBB2_8-.Ltmp3, $4  }
0x108: {  	s1 =	sadd.s32 $0x1480, s1  }
0x109: {  	[spmem:s3] =	stream.indirect.scatter.add.f32 [tilespmem:s23], [sflag:$0x3], $0x80, s1, s20, $0xb8;
	[tilespmem:$0x1E800] =	vst v63  }
0x10a: {  	_ =	swait.ge [sflag:s16], $0x3E80  }
0x10b: {  	[sflag:s16] =	ssyncset.done $0x0  }
0x10c: {  	[sflag:s16] =	ssyncadd.s32 $0xFFFFC180  }
0x10d: {  	_ =	swait.ge [sflag:s22], $0x3E80  }
0x10e: {  	[sflag:s22] =	ssyncset.done $0x0  }
0x10f: {  	[sflag:s22] =	ssyncadd.s32 $0xFFFFC180  }
0x110: {  	[tilespmem:s23], [sflag:$0x2] =	stream.indirect.gather [hbm4b:s13+s20], $0x80, s25, s20, $0xb8;
	[tilespmem:$0x1E800] =	vst v63  }
0x111: {  	_ = 	snop  }
0x112: {  	[spmem:s3] =	stream.indirect.scatter.add.f32 [tilespmem:s21], [sflag:$0x3], $0x80, s26, s20, $0xb8;
	[tilespmem:$0x1E800] =	vst v63  }
0x113: {  	_ =	swait.ge [sflag:s16], $0x3E80  }
0x114: {  	[sflag:s16] =	ssyncset.done $0x0  }
0x115: {  	[sflag:s16] =	ssyncadd.s32 $0xFFFFC180  }
0x116: {  	_ =	swait.ge [sflag:s24], $0x3E80  }
0x117: {  	[sflag:s24] =	ssyncset.done $0x0  }
0x118: {  	[sflag:s24] =	ssyncadd.s32 $0xFFFFC180  }
0x119: {  	[spmem:s3] =	stream.indirect.scatter.add.f32 [tilespmem:s23], [sflag:$0x3], $0x80, s28, s20, $0xb8;
	[tilespmem:$0x1E800] =	vst v63  }
0x11a: {  	_ =	swait.ge [sflag:s16], $0x3E80  }
0x11b: {  	s29 =	sadd.s32 $0x1, s29;
	[sflag:s16] =	ssyncset.done $0x0  }
0x11c: {  	p0 =	sne.s32 s29, s15;
	[sflag:s16] =	ssyncadd.s32 $0xFFFFC180  }
.Ltmp4:
0x11d: {  	[bflag:$0x0] =	sbarrier.arrive $0xFFFF;
	(pc) =	sbr.rel @p0 .LBB2_1-.Ltmp4, $4  }
0x11e: {  	[hbm:s14], [sflag:s18] =	dma.local [spmem:s19], $0x2800  }
0x11f: {  	_ =	swait.ge [sflag:s16], $0x2800  }
0x120: {  	[sflag:s16] =	ssyncset.done $0x0  }
0x121: {  	[sflag:s16] =	ssyncadd.s32 $0xFFFFD800  }
0x122: {  	_ =	sfence.sel $0x180000  }
0x123: {  	[bflag:$0x0] =	sbarrier.arrive $0xFFFF  }
0x124: {  	_ =	strace $0x9000004A  }
0x125: {  	[bflag:$0x2] =	sbarrier.arrive $0xFFFF  }
0x126: {  	p0 =	sne.s32 s0, $0x0;
	s0 =	rddreg [dreg:$0x3]  }
0x127: {  	s0 =	sadd.s32 @!p0 $0x100000, s0  }
0x128: {  	[sflag:s0] =	ssyncadd.tile.s32 @!p0 $0x1;
	_ =	shalt  }
.Lfunc_end2:
_tile_overlayer_lowered:
.L_overlay_start_2:
0x129: {  	(tag) =	ssettag $0x2  }
0x12a: {  	s0 =	rddreg [dreg:$0x0];
	s2 =	stileid.u32  }
0x12b: {  	s1 =	rddreg [dreg:$0x1];
	p0 =	sne.s32 s2, $0x0  }
0x12c: {  	s3 =	rddreg [dreg:$0x2];
	[bflag:$0x3] =	sbarrier.arrive $0xFFFF;
	s2 =	simm.s32 @!p0 $0x1C03  }
0x12d: {  	[timem:s3], [sflag:s2] =	dma.local @!p0 [hbm:s0], s1  }
0x12e: {  	s0 =	simm.s32 @!p0 $0x3  }
0x12f: {  	_ =	swait.ge @!p0 [sflag:s0], s1  }
0x130: {  	s1 =	ssub.s32 @!p0 $0x0, s1;
	[sflag:s0] =	ssyncset.done @!p0 $0x0  }
0x131: {  	[sflag:s0] =	ssyncadd.s32 @!p0 s1  }
0x132: {  	[bflag:$0x3] =	sbarrier.arrive $0xFFFF  }
0x133: {  	_ =	shalt  }

// kernel: kernel.14.cloned.1.call-start
scs
__scs_entry_jumppad:
0x0: {  	(pc) =	sbr.rel $0x88, $3  }
0x1: {  	(tag) =	ssettag $0x0;
	lr =	simm.s32 $0x1  }
0x2: {  	[smem:$0x3F9B] =	sst lr;
	_ =	strace $0xD0000000  }
0x3: {  	_ = 	snop  }
0x4: {  	_ = 	snop  }
0x5: {  	_ = 	snop  }
0x6: {  	_ = 	snop  }
0x7: {  	_ = 	snop  }
__scs_overlays_trampoline_lowered:
0x8: {  	[smem:$0x3FAA] =	sst s0  }
0x9: {  	[smem:$0x3FAB] =	sst s1  }
0xa: {  	[smem:$0x3FAC] =	sst s2  }
0xb: {  	[smem:$0x3FAD] =	sst s3  }
0xc: {  	[smem:$0x3FAE] =	sst s4  }
0xd: {  	[smem:$0x3FAF] =	sst s5  }
0xe: {  	[smem:$0x3FB0] =	sst s6  }
0xf: {  	[smem:$0x3FB1] =	sst s7  }
0x10: {  	[smem:$0x3FB2] =	sst s8  }
0x11: {  	[smem:$0x3FB3] =	sst s9;
	s0 =	simm.s32 @!p0 $0x0  }
0x12: {  	s1 =	sld [smem:$0x3F99];
	s0 =	simm.s32 @p0 $0x1  }
0x13: {  	[smem:$0x3FB4] =	sst s0;
	s0 =	simm.s32 @!p1 $0x0  }
0x14: {  	s2 =	sld [smem:$0x3F98];
	s0 =	simm.s32 @p1 $0x1  }
0x15: {  	[smem:$0x3FB5] =	sst s0;
	s0 =	simm.s32 @!p2 $0x0  }
0x16: {  	s3 =	sld [smem:$0x3FDB];
	s0 =	simm.s32 @p2 $0x1  }
0x17: {  	s4 =	simm.s32 $0x1BF5;
	[smem:$0x3FB7] =	sst s0  }
0x18: {  	s0 =	sld [smem:$0x3F9A];
	_ =	swait.ge [sflag:s4], $0x0  }
0x19: {  	s7 =	sld [smem:$0x3F9B]  }
0x1a: {  	s8 =	sadd.s32 $0xFFFFE003, lr  }
0x1b: {  	s9 =	sadd.s32 $0xFFFFFEF7, lr;
	s5 =	simm.s32 $0xFFFFFFFF;
	p2 =	slt.u32 s8, $0xFFFFF086  }
0x1c: {  	p1 =	slt.u32 s9, $0xF7A;
	s5 =	simm.s32 @!p2 $0x0  }
0x1d: {  	s5 =	simm.s32 @p1 $0x1;
	p0 =	seq.s32 s7, s2  }
0x1e: {  	s7 =	smul.u32 @!p0 $0xF7A, s2;
	p2 =	seq.s32 @!p0 s5, $0x0  }
0x1f: {  	s9 =	smul.u32 $0xF7A, s1;
	s8 =	simm.s32 @!p0 $0x1BF5;
	p2 =	por !p2, p0  }
0x20: {  	[sflag:s8] =	ssyncset.s32 @!p0 $0xFFFFF086;
	s6 =	sadd.s32 @!p0 s3, s7;
	s7 =	simm.s32 @!p0 $0x108  }
0x21: {  	s3 =	sadd.s32 s3, s9;
	s6 =	sadd.s32 @!p0 $0x88, s6;
	s7 =	simm.s32 @p2 $0x1082  }
0x22: {  	[simem:s7], [sflag:s8] =	dma.local @!p0 [hbm:s6], $0xF7A  }
0x23: {  	s9 =	sor.u32 $0xD0000000, s2;
	s6 =	simm.s32 $0x108;
	_ =	swait.ge @!p0 [sflag:s8], $0x0  }
0x24: {  	s3 =	sadd.s32 $0x88, s3;
	s6 =	simm.s32 @!p1 $0x1082;
	[sflag:s4] =	ssyncset.s32 $0xFFFFF086  }
0x25: {  	[simem:s6], [sflag:s4] =	dma.local [hbm:s3], $0xF7A  }
0x26: {  	[smem:$0x3F9B] =	sst s1;
	(tag) =	ssettag s2;
	_ =	strace s9  }
0x27: {  	s1 =	sld [smem:$0x3FAB]  }
0x28: {  	s2 =	sld [smem:$0x3FAC]  }
0x29: {  	s4 =	sld [smem:$0x3FAE]  }
0x2a: {  	p0 =	seq.s32 s5, $0x0;
	s5 =	sld [smem:$0x3FAF]  }
0x2b: {  	s6 =	sld [smem:$0x3FB0]  }
0x2c: {  	s7 =	sld [smem:$0x3FB1]  }
0x2d: {  	s3 =	simm.s32 $0x108;
	s8 =	sld [smem:$0x3FB2]  }
0x2e: {  	s3 =	simm.s32 @!p0 $0x1082;
	s9 =	sld [smem:$0x3FB3]  }
0x2f: {  	lr =	sadd.s32 s0, s3;
	s0 =	sld [smem:$0x3FAA]  }
0x30: {  	s3 =	sld [smem:$0x3FAD]  }
0x31: {  	[smem:$0x3FB6] =	sst s10  }
0x32: {  	s10 =	sld [smem:$0x3FB4];
	_ =	sdelay $0x3  }
0x33: {  	p0 =	seq.s32 s10, $0x1;
	s10 =	sld [smem:$0x3FB6];
	_ =	sdelay $0x3  }
0x34: {  	[smem:$0x3FB6] =	sst s10  }
0x35: {  	s10 =	sld [smem:$0x3FB5];
	_ =	sdelay $0x3  }
0x36: {  	p1 =	seq.s32 s10, $0x1;
	s10 =	sld [smem:$0x3FB6];
	_ =	sdelay $0x3  }
0x37: {  	[smem:$0x3FB6] =	sst s10  }
0x38: {  	s10 =	sld [smem:$0x3FB7]  }
0x39: {  	_ = 	snop;
	(pc) =	sbr.ind lr, $3  }
0x3a: {  	_ = 	snop  }
0x3b: {  	_ = 	snop  }
0x3c: {  	p2 =	seq.s32 s10, $0x1;
	s10 =	sld [smem:$0x3FB6]  }
0x3d: {  	_ =	shalt  }
0x3e: {  	_ =	shalt  }
0x3f: {  	_ =	shalt  }
0x40: {  	_ =	shalt  }
0x41: {  	_ =	shalt  }
0x42: {  	_ =	shalt  }
0x43: {  	_ =	shalt  }
0x44: {  	_ =	shalt  }
0x45: {  	_ =	shalt  }
0x46: {  	_ =	shalt  }
0x47: {  	_ =	shalt  }
0x48: {  	_ =	shalt  }
0x49: {  	_ =	shalt  }
0x4a: {  	_ =	shalt  }
0x4b: {  	_ =	shalt  }
0x4c: {  	_ =	shalt  }
0x4d: {  	_ =	shalt  }
0x4e: {  	_ =	shalt  }
0x4f: {  	_ =	shalt  }
0x50: {  	_ =	shalt  }
0x51: {  	_ =	shalt  }
0x52: {  	_ =	shalt  }
0x53: {  	_ =	shalt  }
0x54: {  	_ =	shalt  }
0x55: {  	_ =	shalt  }
0x56: {  	_ =	shalt  }
0x57: {  	_ =	shalt  }
0x58: {  	_ =	shalt  }
0x59: {  	_ =	shalt  }
0x5a: {  	_ =	shalt  }
0x5b: {  	_ =	shalt  }
0x5c: {  	_ =	shalt  }
0x5d: {  	_ =	shalt  }
0x5e: {  	_ =	shalt  }
0x5f: {  	_ =	shalt  }
0x60: {  	_ =	shalt  }
0x61: {  	_ =	shalt  }
0x62: {  	_ =	shalt  }
0x63: {  	_ =	shalt  }
0x64: {  	_ =	shalt  }
0x65: {  	_ =	shalt  }
0x66: {  	_ =	shalt  }
0x67: {  	_ =	shalt  }
0x68: {  	_ =	shalt  }
0x69: {  	_ =	shalt  }
0x6a: {  	_ =	shalt  }
0x6b: {  	_ =	shalt  }
0x6c: {  	_ =	shalt  }
0x6d: {  	_ =	shalt  }
0x6e: {  	_ =	shalt  }
0x6f: {  	_ =	shalt  }
0x70: {  	_ =	shalt  }
0x71: {  	_ =	shalt  }
0x72: {  	_ =	shalt  }
0x73: {  	_ =	shalt  }
0x74: {  	_ =	shalt  }
0x75: {  	_ =	shalt  }
0x76: {  	_ =	shalt  }
0x77: {  	_ =	shalt  }
0x78: {  	_ =	shalt  }
0x79: {  	_ =	shalt  }
0x7a: {  	_ =	shalt  }
0x7b: {  	_ =	shalt  }
0x7c: {  	_ =	shalt  }
0x7d: {  	_ =	shalt  }
0x7e: {  	_ =	shalt  }
0x7f: {  	_ =	shalt  }
0x80: {  	_ =	shalt  }
0x81: {  	_ =	shalt  }
0x82: {  	_ =	shalt  }
0x83: {  	_ =	shalt  }
0x84: {  	_ =	shalt  }
0x85: {  	_ =	shalt  }
0x86: {  	_ =	shalt  }
0x87: {  	_ =	shalt  }
.Lfunc_end0:
.L_simem_size_0:
called_computation.2_lowered:
.L_overlay_start_0:
0x88: {  	s2 =	sld [smem:$0x3FD9]  }
0x89: {  	s3 =	sld [smem:$0x3FFE];
	_ =	sdelay $0x1  }
0x8a: {  	s1 =	srdreg.scid  }
0x8b: {  	s0 =	sand.u32 $0x1, s1  }
0x8c: {  	s16 =	sshll.u32 s0, $0xA;
	s2 =	sadd.s32 s3, s2  }
0x8d: {  	s2 =	sadd.s32 s2, s16  }
0x8e: {  	[smem:$0x3FC2] =	sst s2  }
0x8f: {  	_ = 	snop  }
0x90: {  	(tm) =	ssettm $0x1  }
0x91: {  	s17 =	sld [smem:$0x3FFB];
	_ =	sdelay $0x3  }
0x92: {  	_ =	strace s17  }
0x93: {  	s2 =	sld [smem:$0x3FFC];
	_ =	sdelay $0x3  }
0x94: {  	_ =	strace s2  }
0x95: {  	s2 =	sld [smem:$0x3FFD];
	_ =	sdelay $0x3  }
0x96: {  	_ =	strace s2  }
0x97: {  	_ =	strace $0x8FFFFFFF  }
0x98: {  	s18 =	sld [smem:$0x3FDB];
	_ =	sdelay $0x1  }
0x99: {  	s19 =	simm.s32 $_scs_section_size  }
0x9a: {  	s4 =	simm.s32 $_size__tile_overlayer_lowered;
	s5 =	simm.s32 $_tile_overlayer_lowered  }
0x9b: {  	s22 =	simm.s32 $0x1BFF;
	s21 =	sshll.u32 s5, $0x1;
	s2 =	sadd.s32 s19, s18  }
0x9c: {  	s6 =	simm.s32 $0x0;
	s20 =	sshll.u32 s4, $0x1;
	s4 =	sadd.s32 s21, s2  }
0x9d: {  	[timem:s6], [sflag:s22] =	dma.local [hbm:s4], s20  }
0x9e: {  	_ =	swait.ge [sflag:s22], s20  }
0x9f: {  	s3 =	ssub.s32 $0x0, s20;
	[sflag:s22] =	ssyncset.done $0x0  }
0xa0: {  	[sflag:s22] =	ssyncadd.s32 s3;
	_ =	sdelay $0x1  }
0xa1: {  	s23 =	simm.s32 $0x1B8B  }
0xa2: {  	_ =	swait.ge [sflag:s23], $0x1  }
0xa3: {  	[sflag:s23] =	ssyncset.done $0x0  }
0xa4: {  	s25 =	simm.s32 $0x1B8E;
	s24 =	sld [smem:$0x3FFE];
	[sflag:s23] =	ssyncadd.s32 $0xFFFFFFFF  }
0xa5: {  	s26 =	simm.s32 $execute0_lowered;
	[smem:$0x3FD2] =	sst s25  }
0xa6: {  	s4 =	sshll.u32 s26, $0x1;
	_ =	strace $0x8000004C;
	[dreg:$0x1] =	wrdreg $0xFFFFFFFF  }
0xa7: {  	s28 =	simm.s32 $_size_execute0_lowered;
	s2 =	sadd.s32 s2, s4;
	[dreg:$0x0] =	wrdreg $0x0  }
0xa8: {  	s4 =	sshll.u32 s28, $0x1;
	[dreg:$0x2] =	wrdreg s2  }
0xa9: {  	[dreg:$0x3] =	wrdreg s4  }
0xaa: {  	[dreg:$0x4] =	wrdreg $0xC0  }
0xab: {  	_ =	task [dreg:s6], $0x5FFFF  }
0xac: {  	[dreg:$0x1] =	wrdreg $0xFFFFFFFF  }
0xad: {  	[dreg:$0x0] =	wrdreg $0x60  }
0xae: {  	[dreg:$0x2] =	wrdreg s24  }
0xaf: {  	[dreg:$0x3] =	wrdreg $0xA8000  }
0xb0: {  	[dreg:$0x4] =	wrdreg $0x9  }
0xb1: {  	_ =	task.clear_ibuf [dreg:s6], $0x5FFFF;
	_ =	strace $0x9000004C  }
0xb2: {  	s29 =	simm.s32 $0x9;
	_ =	strace $0x8000004E  }
0xb3: {  	_ =	swait.ge [sflag:s29], $0x1  }
0xb4: {  	[sflag:s29] =	ssyncadd.s32 $0xFFFFFFFF  }
0xb5: {  	_ =	strace $0x9000004E  }
0xb6: {  	_ =	sfence  }
0xb7: {  	s30 =	sld [smem:$0x0];
	_ =	sdelay $0x2  }
0xb8: {  	s31 =	sshll.u32 s1, $0xD;
	s1 =	sshrl.u32 s1, $0x2  }
0xb9: {  	s3 =	sand.u32 $0x4000, s31;
	s1 =	sadd.s32 s1, s30  }
0xba: {  	s0 =	sor.u32 s3, s0;
	s1 =	sshll.u32 s1, $0x11  }
0xbb: {  	s0 =	sor.u32 s1, s0  }
0xbc: {  	s0 =	sadd.s32 $0x8F2B, s0  }
0xbd: {  	[sflag:s0] =	ssyncadd.remote.s32 $0x1  }
0xbe: {  	_ =	sfence.sel $0xFFFF  }
0xbf: {  	[dreg:$0x0] =	wrdreg $0xFFFFFFFF;
	(pc) =	sbr.abs _section_cstart, $3  }
0xc0: {  	[dreg:$0x1] =	wrdreg $0xFFFFFFFF  }
0xc1: {  	_ =	task.clear_ibuf [dreg:s6], $0x2FFFF;
	_ =	strace $0x9FFFFFFF  }
0xc2: {  	(tm) =	ssettm $0x7FFFFFFF  }
0xc3: {  	_ =	shalt  }
tec
execute0_lowered:
.L_overlay_start_1:
0x0: {  	(tag) =	ssettag $0x1  }
0x1: {  	s1 =	srdreg.scid;
	s13 =	rddreg [dreg:$0x0]  }
0x2: {  	s0 =	stileid.u32;
	s2 =	rddreg [dreg:$0x1]  }
0x3: {  	s3 =	simm.s32 $0x0;
	s16 =	simm.s32 $0x3;
	s17 =	simm.s32 $0x1400  }
0x4: {  	s20 =	simm.s32 $0x7D;
	s21 =	simm.s32 $0x2800;
	s22 =	simm.s32 $0x1  }
0x5: {  	s23 =	simm.s32 $0x6800;
	s28 =	simm.s32 $0x2780;
	s29 =	simm.s32 $0x0  }
0x6: {  	s5 =	sand.u32 $0x1, s1;
	s24 =	sshll.u32 s0, $0x1;
	s8 =	smul.u32 $0x14000, s0  }
0x7: {  	[smem:$0x7FF] =	sst s3;
	s4 =	sadd.s32 $0x14D800, s13;
	s30 =	smul.u32 $0x50000, s0  }
0x8: {  	s11 =	sadd.s32 $0x19BA00, s13;
	s18 =	sshll.u32 s0, $0x6;
	s1 =	sor.u32 s5, s24  }
0x9: {  	s7 =	smul.u32 $0x500000, s5;
	_ =	strace $0x8000004D;
	s26 =	ssub.s32 $0x2, s5  }
0xa: {  	s5 =	sadd.s32 $0xB000, s13;
	s18 =	sor.u32 $0x1C03, s18;
	s24 =	simm.s32 $0x2  }
0xb: {  	s6 =	smul.u32 $0x280, s1;
	s31 =	sshrl.u32 s26, $0x1;
	s25 =	sadd.s32 s8, s7  }
0xc: {  	s15 =	ssub.s32 s26, s31;
	s8 =	sshrl.u32 s30, $0x2;
	s26 =	simm.s32 $0x2700  }
0xd: {  	s9 =	sadd.s32 s6, s13;
	s6 =	sshrl.u32 s25, $0x3;
	s19 =	sadd.s32 s8, s2  }
0xe: {  	s8 =	sadd.s32 $0x174900, s13;
	s15 =	smax.u32 s15, $0x1;
	s25 =	simm.s32 $0x1380  }
0xf: {  	s14 =	sadd.s32 s6, s13;
	s6 =	sadd.s32 $0x6000, s9;
	s7 =	sadd.s32 $0xC00, s9  }
0x10: {  	s13 =	sadd.s32 $0x1C2B00, s13;
	s19 =	sshrl.u32 s19, $0x3;
	s9 =	sadd.s32 $0xD800, s14  }
0x11: {  	s10 =	sadd.s32 $0x35800, s14;
	s12 =	sadd.s32 $0x5D800, s14;
	s14 =	sadd.s32 $0x85800, s14  }
.LBB2_1:
0x12: {  	[tilespmem:s3], [sflag:$0x3] =	stream.linear.gather [hbm4b:s6+s3], $0x1400, $0x38;
	[tilespmem:$0x1E800] =	vst v63  }
0x13: {  	_ =	swait.ge [sflag:s16], $0x1400  }
0x14: {  	[sflag:s16] =	ssyncset.done $0x0  }
0x15: {  	[sflag:s16] =	ssyncadd.s32 $0xFFFFEC00  }
0x16: {  	[tilespmem:s17], [sflag:$0x3] =	stream.linear.gather [hbm4b:s7+s3], $0x1400, $0x38;
	[tilespmem:$0x1E800] =	vst v63  }
0x17: {  	_ =	swait.ge [sflag:s16], $0x1400  }
0x18: {  	[sflag:s16] =	ssyncset.done $0x0  }
0x19: {  	[sflag:s16] =	ssyncadd.s32 $0xFFFFEC00  }
0x1a: {  	[spmem:s19], [sflag:s18] =	dma.local [hbm:s5], $0x2800  }
0x1b: {  	_ =	swait.ge [sflag:s16], $0x2800  }
0x1c: {  	[sflag:s16] =	ssyncset.done $0x0  }
0x1d: {  	[sflag:s16] =	ssyncadd.s32 $0xFFFFD800  }
0x1e: {  	[bflag:$0x0] =	sbarrier.arrive $0xFFFF  }
0x1f: {  	[tilespmem:s21], [sflag:$0x1] =	stream.indirect.gather [hbm4b:s4+s20], $0x80, s3, s20, $0xb8;
	[tilespmem:$0x1E800] =	vst v63  }
0x20: {  	_ =	swait.ge [sflag:s22], $0x3E80  }
0x21: {  	[sflag:s22] =	ssyncset.done $0x0  }
0x22: {  	s30 =	simm.s32 $0x80;
	[sflag:s22] =	ssyncadd.s32 $0xFFFFC180  }
0x23: {  	[tilespmem:s23], [sflag:$0x2] =	stream.indirect.gather [hbm4b:s4+s20], $0x80, s30, s20, $0xb8;
	[tilespmem:$0x1E800] =	vst v63  }
0x24: {  	s30 =	simm.s32 $0x1400  }
0x25: {  	[spmem:s2] =	stream.indirect.scatter.add.f32 [tilespmem:s21], [sflag:$0x3], $0x80, s30, s20, $0xb8;
	[tilespmem:$0x1E800] =	vst v63  }
0x26: {  	_ =	swait.ge [sflag:s16], $0x3E80  }
0x27: {  	[sflag:s16] =	ssyncset.done $0x0  }
0x28: {  	[sflag:s16] =	ssyncadd.s32 $0xFFFFC180  }
0x29: {  	_ =	swait.ge [sflag:s24], $0x3E80  }
0x2a: {  	[sflag:s24] =	ssyncset.done $0x0  }
0x2b: {  	s30 =	simm.s32 $0x100;
	[sflag:s24] =	ssyncadd.s32 $0xFFFFC180  }
0x2c: {  	[tilespmem:s21], [sflag:$0x1] =	stream.indirect.gather [hbm4b:s4+s20], $0x80, s30, s20, $0xb8;
	[tilespmem:$0x1E800] =	vst v63  }
0x2d: {  	s30 =	simm.s32 $0x1480  }
0x2e: {  	[spmem:s2] =	stream.indirect.scatter.add.f32 [tilespmem:s23], [sflag:$0x3], $0x80, s30, s20, $0xb8;
	[tilespmem:$0x1E800] =	vst v63  }
0x2f: {  	_ =	swait.ge [sflag:s16], $0x3E80  }
0x30: {  	s30 =	simm.s32 $0x400;
	[sflag:s16] =	ssyncset.done $0x0  }
.LBB2_2:
0x31: {  	p0 =	sne.s32 s30, $0x4800  }
0x32: {  	[sflag:s16] =	ssyncadd.s32 $0xFFFFC180;
	s31 =	smov.u32 s30;
	s30 =	sadd.s32 $0x400, s30  }
0x33: {  	_ = 	snop  }
0x34: {  	_ =	swait.ge [sflag:s22], $0x3E80  }
0x35: {  	s31 =	sshra.s32 s31, $0x2;
	[sflag:s22] =	ssyncset.done $0x0  }
0x36: {  	s1 =	sadd.s32 $0x80, s31;
	[sflag:s22] =	ssyncadd.s32 $0xFFFFC180  }
0x37: {  	[tilespmem:s23], [sflag:$0x2] =	stream.indirect.gather [hbm4b:s4+s20], $0x80, s1, s20, $0xb8;
	[tilespmem:$0x1E800] =	vst v63  }
0x38: {  	s1 =	sadd.s32 $0x1400, s31  }
0x39: {  	[spmem:s2] =	stream.indirect.scatter.add.f32 [tilespmem:s21], [sflag:$0x3], $0x80, s1, s20, $0xb8;
	[tilespmem:$0x1E800] =	vst v63  }
0x3a: {  	_ =	swait.ge [sflag:s16], $0x3E80  }
0x3b: {  	[sflag:s16] =	ssyncset.done $0x0  }
0x3c: {  	[sflag:s16] =	ssyncadd.s32 $0xFFFFC180  }
0x3d: {  	_ =	swait.ge [sflag:s24], $0x3E80  }
0x3e: {  	[sflag:s24] =	ssyncset.done $0x0  }
0x3f: {  	s1 =	sadd.s32 $0x100, s31;
	[sflag:s24] =	ssyncadd.s32 $0xFFFFC180  }
0x40: {  	[tilespmem:s21], [sflag:$0x1] =	stream.indirect.gather [hbm4b:s4+s20], $0x80, s1, s20, $0xb8;
	[tilespmem:$0x1E800] =	vst v63  }
.Ltmp0:
0x41: {  	_ = 	snop;
	(pc) =	sbr.rel @p0 .LBB2_2-.Ltmp0, $4  }
0x42: {  	s1 =	sadd.s32 $0x1480, s31  }
0x43: {  	[spmem:s2] =	stream.indirect.scatter.add.f32 [tilespmem:s23], [sflag:$0x3], $0x80, s1, s20, $0xb8;
	[tilespmem:$0x1E800] =	vst v63  }
0x44: {  	_ =	swait.ge [sflag:s16], $0x3E80  }
0x45: {  	[sflag:s16] =	ssyncset.done $0x0  }
0x46: {  	[sflag:s16] =	ssyncadd.s32 $0xFFFFC180  }
0x47: {  	_ =	swait.ge [sflag:s22], $0x3E80  }
0x48: {  	[sflag:s22] =	ssyncset.done $0x0  }
0x49: {  	[sflag:s22] =	ssyncadd.s32 $0xFFFFC180  }
0x4a: {  	[tilespmem:s23], [sflag:$0x2] =	stream.indirect.gather [hbm4b:s4+s20], $0x80, s25, s20, $0xb8;
	[tilespmem:$0x1E800] =	vst v63  }
0x4b: {  	_ = 	snop  }
0x4c: {  	[spmem:s2] =	stream.indirect.scatter.add.f32 [tilespmem:s21], [sflag:$0x3], $0x80, s26, s20, $0xb8;
	[tilespmem:$0x1E800] =	vst v63  }
0x4d: {  	_ =	swait.ge [sflag:s16], $0x3E80  }
0x4e: {  	[sflag:s16] =	ssyncset.done $0x0  }
0x4f: {  	[sflag:s16] =	ssyncadd.s32 $0xFFFFC180  }
0x50: {  	_ =	swait.ge [sflag:s24], $0x3E80  }
0x51: {  	[sflag:s24] =	ssyncset.done $0x0  }
0x52: {  	[sflag:s24] =	ssyncadd.s32 $0xFFFFC180  }
0x53: {  	[spmem:s2] =	stream.indirect.scatter.add.f32 [tilespmem:s23], [sflag:$0x3], $0x80, s28, s20, $0xb8;
	[tilespmem:$0x1E800] =	vst v63  }
0x54: {  	_ =	swait.ge [sflag:s16], $0x3E80  }
0x55: {  	[sflag:s16] =	ssyncset.done $0x0  }
0x56: {  	[sflag:s16] =	ssyncadd.s32 $0xFFFFC180  }
0x57: {  	[bflag:$0x0] =	sbarrier.arrive $0xFFFF  }
0x58: {  	[hbm:s9], [sflag:s18] =	dma.local [spmem:s19], $0x2800  }
0x59: {  	_ =	swait.ge [sflag:s16], $0x2800  }
0x5a: {  	[sflag:s16] =	ssyncset.done $0x0  }
0x5b: {  	[sflag:s16] =	ssyncadd.s32 $0xFFFFD800  }
0x5c: {  	[spmem:s19], [sflag:s18] =	dma.local [hbm:s5], $0x2800  }
0x5d: {  	_ =	swait.ge [sflag:s16], $0x2800  }
0x5e: {  	[sflag:s16] =	ssyncset.done $0x0  }
0x5f: {  	[sflag:s16] =	ssyncadd.s32 $0xFFFFD800  }
0x60: {  	s1 =	simm.s32 $0x0;
	[bflag:$0x0] =	sbarrier.arrive $0xFFFF  }
0x61: {  	[tilespmem:s21], [sflag:$0x1] =	stream.indirect.gather [hbm4b:s8+s20], $0x80, s1, s20, $0xb8;
	[tilespmem:$0x1E800] =	vst v63  }
0x62: {  	_ =	swait.ge [sflag:s22], $0x3E80  }
0x63: {  	[sflag:s22] =	ssyncset.done $0x0  }
0x64: {  	s31 =	simm.s32 $0x80;
	[sflag:s22] =	ssyncadd.s32 $0xFFFFC180  }
0x65: {  	[tilespmem:s23], [sflag:$0x2] =	stream.indirect.gather [hbm4b:s8+s20], $0x80, s31, s20, $0xb8;
	[tilespmem:$0x1E800] =	vst v63  }
0x66: {  	s31 =	simm.s32 $0x1400  }
0x67: {  	[spmem:s2] =	stream.indirect.scatter.add.f32 [tilespmem:s21], [sflag:$0x3], $0x80, s31, s20, $0xb8;
	[tilespmem:$0x1E800] =	vst v63  }
0x68: {  	_ =	swait.ge [sflag:s16], $0x3E80  }
0x69: {  	[sflag:s16] =	ssyncset.done $0x0  }
0x6a: {  	[sflag:s16] =	ssyncadd.s32 $0xFFFFC180  }
0x6b: {  	_ =	swait.ge [sflag:s24], $0x3E80  }
0x6c: {  	[sflag:s24] =	ssyncset.done $0x0  }
0x6d: {  	s31 =	simm.s32 $0x100;
	[sflag:s24] =	ssyncadd.s32 $0xFFFFC180  }
0x6e: {  	[tilespmem:s21], [sflag:$0x1] =	stream.indirect.gather [hbm4b:s8+s20], $0x80, s31, s20, $0xb8;
	[tilespmem:$0x1E800] =	vst v63  }
0x6f: {  	s31 =	simm.s32 $0x1480  }
0x70: {  	[spmem:s2] =	stream.indirect.scatter.add.f32 [tilespmem:s23], [sflag:$0x3], $0x80, s31, s20, $0xb8;
	[tilespmem:$0x1E800] =	vst v63  }
0x71: {  	_ =	swait.ge [sflag:s16], $0x3E80  }
0x72: {  	s30 =	simm.s32 $0x400;
	[sflag:s16] =	ssyncset.done $0x0  }
.LBB2_4:
0x73: {  	p0 =	sne.s32 s30, $0x4800  }
0x74: {  	[sflag:s16] =	ssyncadd.s32 $0xFFFFC180;
	s1 =	smov.u32 s30;
	s30 =	sadd.s32 $0x400, s30  }
0x75: {  	_ = 	snop  }
0x76: {  	_ =	swait.ge [sflag:s22], $0x3E80  }
0x77: {  	s1 =	sshra.s32 s1, $0x2;
	[sflag:s22] =	ssyncset.done $0x0  }
0x78: {  	s31 =	sadd.s32 $0x80, s1;
	[sflag:s22] =	ssyncadd.s32 $0xFFFFC180  }
0x79: {  	[tilespmem:s23], [sflag:$0x2] =	stream.indirect.gather [hbm4b:s8+s20], $0x80, s31, s20, $0xb8;
	[tilespmem:$0x1E800] =	vst v63  }
0x7a: {  	s31 =	sadd.s32 $0x1400, s1  }
0x7b: {  	[spmem:s2] =	stream.indirect.scatter.add.f32 [tilespmem:s21], [sflag:$0x3], $0x80, s31, s20, $0xb8;
	[tilespmem:$0x1E800] =	vst v63  }
0x7c: {  	_ =	swait.ge [sflag:s16], $0x3E80  }
0x7d: {  	[sflag:s16] =	ssyncset.done $0x0  }
0x7e: {  	[sflag:s16] =	ssyncadd.s32 $0xFFFFC180  }
0x7f: {  	_ =	swait.ge [sflag:s24], $0x3E80  }
0x80: {  	[sflag:s24] =	ssyncset.done $0x0  }
0x81: {  	s31 =	sadd.s32 $0x100, s1;
	[sflag:s24] =	ssyncadd.s32 $0xFFFFC180  }
0x82: {  	[tilespmem:s21], [sflag:$0x1] =	stream.indirect.gather [hbm4b:s8+s20], $0x80, s31, s20, $0xb8;
	[tilespmem:$0x1E800] =	vst v63  }
.Ltmp1:
0x83: {  	_ = 	snop;
	(pc) =	sbr.rel @p0 .LBB2_4-.Ltmp1, $4  }
0x84: {  	s1 =	sadd.s32 $0x1480, s1  }
0x85: {  	[spmem:s2] =	stream.indirect.scatter.add.f32 [tilespmem:s23], [sflag:$0x3], $0x80, s1, s20, $0xb8;
	[tilespmem:$0x1E800] =	vst v63  }
0x86: {  	_ =	swait.ge [sflag:s16], $0x3E80  }
0x87: {  	[sflag:s16] =	ssyncset.done $0x0  }
0x88: {  	[sflag:s16] =	ssyncadd.s32 $0xFFFFC180  }
0x89: {  	_ =	swait.ge [sflag:s22], $0x3E80  }
0x8a: {  	[sflag:s22] =	ssyncset.done $0x0  }
0x8b: {  	[sflag:s22] =	ssyncadd.s32 $0xFFFFC180  }
0x8c: {  	[tilespmem:s23], [sflag:$0x2] =	stream.indirect.gather [hbm4b:s8+s20], $0x80, s25, s20, $0xb8;
	[tilespmem:$0x1E800] =	vst v63  }
0x8d: {  	_ = 	snop  }
0x8e: {  	[spmem:s2] =	stream.indirect.scatter.add.f32 [tilespmem:s21], [sflag:$0x3], $0x80, s26, s20, $0xb8;
	[tilespmem:$0x1E800] =	vst v63  }
0x8f: {  	_ =	swait.ge [sflag:s16], $0x3E80  }
0x90: {  	[sflag:s16] =	ssyncset.done $0x0  }
0x91: {  	[sflag:s16] =	ssyncadd.s32 $0xFFFFC180  }
0x92: {  	_ =	swait.ge [sflag:s24], $0x3E80  }
0x93: {  	[sflag:s24] =	ssyncset.done $0x0  }
0x94: {  	[sflag:s24] =	ssyncadd.s32 $0xFFFFC180  }
0x95: {  	[spmem:s2] =	stream.indirect.scatter.add.f32 [tilespmem:s23], [sflag:$0x3], $0x80, s28, s20, $0xb8;
	[tilespmem:$0x1E800] =	vst v63  }
0x96: {  	_ =	swait.ge [sflag:s16], $0x3E80  }
0x97: {  	[sflag:s16] =	ssyncset.done $0x0  }
0x98: {  	[sflag:s16] =	ssyncadd.s32 $0xFFFFC180  }
0x99: {  	[bflag:$0x0] =	sbarrier.arrive $0xFFFF  }
0x9a: {  	[hbm:s10], [sflag:s18] =	dma.local [spmem:s19], $0x2800  }
0x9b: {  	_ =	swait.ge [sflag:s16], $0x2800  }
0x9c: {  	[sflag:s16] =	ssyncset.done $0x0  }
0x9d: {  	[sflag:s16] =	ssyncadd.s32 $0xFFFFD800  }
0x9e: {  	[spmem:s19], [sflag:s18] =	dma.local [hbm:s5], $0x2800  }
0x9f: {  	_ =	swait.ge [sflag:s16], $0x2800  }
0xa0: {  	[sflag:s16] =	ssyncset.done $0x0  }
0xa1: {  	[sflag:s16] =	ssyncadd.s32 $0xFFFFD800  }
0xa2: {  	s1 =	simm.s32 $0x0;
	[bflag:$0x0] =	sbarrier.arrive $0xFFFF  }
0xa3: {  	[tilespmem:s21], [sflag:$0x1] =	stream.indirect.gather [hbm4b:s11+s20], $0x80, s1, s20, $0xb8;
	[tilespmem:$0x1E800] =	vst v63  }
0xa4: {  	_ =	swait.ge [sflag:s22], $0x3E80  }
0xa5: {  	[sflag:s22] =	ssyncset.done $0x0  }
0xa6: {  	s31 =	simm.s32 $0x80;
	[sflag:s22] =	ssyncadd.s32 $0xFFFFC180  }
0xa7: {  	[tilespmem:s23], [sflag:$0x2] =	stream.indirect.gather [hbm4b:s11+s20], $0x80, s31, s20, $0xb8;
	[tilespmem:$0x1E800] =	vst v63  }
0xa8: {  	s31 =	simm.s32 $0x1400  }
0xa9: {  	[spmem:s2] =	stream.indirect.scatter.add.f32 [tilespmem:s21], [sflag:$0x3], $0x80, s31, s20, $0xb8;
	[tilespmem:$0x1E800] =	vst v63  }
0xaa: {  	_ =	swait.ge [sflag:s16], $0x3E80  }
0xab: {  	[sflag:s16] =	ssyncset.done $0x0  }
0xac: {  	[sflag:s16] =	ssyncadd.s32 $0xFFFFC180  }
0xad: {  	_ =	swait.ge [sflag:s24], $0x3E80  }
0xae: {  	[sflag:s24] =	ssyncset.done $0x0  }
0xaf: {  	s31 =	simm.s32 $0x100;
	[sflag:s24] =	ssyncadd.s32 $0xFFFFC180  }
0xb0: {  	[tilespmem:s21], [sflag:$0x1] =	stream.indirect.gather [hbm4b:s11+s20], $0x80, s31, s20, $0xb8;
	[tilespmem:$0x1E800] =	vst v63  }
0xb1: {  	s31 =	simm.s32 $0x1480  }
0xb2: {  	[spmem:s2] =	stream.indirect.scatter.add.f32 [tilespmem:s23], [sflag:$0x3], $0x80, s31, s20, $0xb8;
	[tilespmem:$0x1E800] =	vst v63  }
0xb3: {  	_ =	swait.ge [sflag:s16], $0x3E80  }
0xb4: {  	s30 =	simm.s32 $0x400;
	[sflag:s16] =	ssyncset.done $0x0  }
.LBB2_6:
0xb5: {  	p0 =	sne.s32 s30, $0x4800  }
0xb6: {  	[sflag:s16] =	ssyncadd.s32 $0xFFFFC180;
	s1 =	smov.u32 s30;
	s30 =	sadd.s32 $0x400, s30  }
0xb7: {  	_ = 	snop  }
0xb8: {  	_ =	swait.ge [sflag:s22], $0x3E80  }
0xb9: {  	s1 =	sshra.s32 s1, $0x2;
	[sflag:s22] =	ssyncset.done $0x0  }
0xba: {  	s31 =	sadd.s32 $0x80, s1;
	[sflag:s22] =	ssyncadd.s32 $0xFFFFC180  }
0xbb: {  	[tilespmem:s23], [sflag:$0x2] =	stream.indirect.gather [hbm4b:s11+s20], $0x80, s31, s20, $0xb8;
	[tilespmem:$0x1E800] =	vst v63  }
0xbc: {  	s31 =	sadd.s32 $0x1400, s1  }
0xbd: {  	[spmem:s2] =	stream.indirect.scatter.add.f32 [tilespmem:s21], [sflag:$0x3], $0x80, s31, s20, $0xb8;
	[tilespmem:$0x1E800] =	vst v63  }
0xbe: {  	_ =	swait.ge [sflag:s16], $0x3E80  }
0xbf: {  	[sflag:s16] =	ssyncset.done $0x0  }
0xc0: {  	[sflag:s16] =	ssyncadd.s32 $0xFFFFC180  }
0xc1: {  	_ =	swait.ge [sflag:s24], $0x3E80  }
0xc2: {  	[sflag:s24] =	ssyncset.done $0x0  }
0xc3: {  	s31 =	sadd.s32 $0x100, s1;
	[sflag:s24] =	ssyncadd.s32 $0xFFFFC180  }
0xc4: {  	[tilespmem:s21], [sflag:$0x1] =	stream.indirect.gather [hbm4b:s11+s20], $0x80, s31, s20, $0xb8;
	[tilespmem:$0x1E800] =	vst v63  }
.Ltmp2:
0xc5: {  	_ = 	snop;
	(pc) =	sbr.rel @p0 .LBB2_6-.Ltmp2, $4  }
0xc6: {  	s1 =	sadd.s32 $0x1480, s1  }
0xc7: {  	[spmem:s2] =	stream.indirect.scatter.add.f32 [tilespmem:s23], [sflag:$0x3], $0x80, s1, s20, $0xb8;
	[tilespmem:$0x1E800] =	vst v63  }
0xc8: {  	_ =	swait.ge [sflag:s16], $0x3E80  }
0xc9: {  	[sflag:s16] =	ssyncset.done $0x0  }
0xca: {  	[sflag:s16] =	ssyncadd.s32 $0xFFFFC180  }
0xcb: {  	_ =	swait.ge [sflag:s22], $0x3E80  }
0xcc: {  	[sflag:s22] =	ssyncset.done $0x0  }
0xcd: {  	[sflag:s22] =	ssyncadd.s32 $0xFFFFC180  }
0xce: {  	[tilespmem:s23], [sflag:$0x2] =	stream.indirect.gather [hbm4b:s11+s20], $0x80, s25, s20, $0xb8;
	[tilespmem:$0x1E800] =	vst v63  }
0xcf: {  	_ = 	snop  }
0xd0: {  	[spmem:s2] =	stream.indirect.scatter.add.f32 [tilespmem:s21], [sflag:$0x3], $0x80, s26, s20, $0xb8;
	[tilespmem:$0x1E800] =	vst v63  }
0xd1: {  	_ =	swait.ge [sflag:s16], $0x3E80  }
0xd2: {  	[sflag:s16] =	ssyncset.done $0x0  }
0xd3: {  	[sflag:s16] =	ssyncadd.s32 $0xFFFFC180  }
0xd4: {  	_ =	swait.ge [sflag:s24], $0x3E80  }
0xd5: {  	[sflag:s24] =	ssyncset.done $0x0  }
0xd6: {  	[sflag:s24] =	ssyncadd.s32 $0xFFFFC180  }
0xd7: {  	[spmem:s2] =	stream.indirect.scatter.add.f32 [tilespmem:s23], [sflag:$0x3], $0x80, s28, s20, $0xb8;
	[tilespmem:$0x1E800] =	vst v63  }
0xd8: {  	_ =	swait.ge [sflag:s16], $0x3E80  }
0xd9: {  	[sflag:s16] =	ssyncset.done $0x0  }
0xda: {  	[sflag:s16] =	ssyncadd.s32 $0xFFFFC180  }
0xdb: {  	[bflag:$0x0] =	sbarrier.arrive $0xFFFF  }
0xdc: {  	[hbm:s12], [sflag:s18] =	dma.local [spmem:s19], $0x2800  }
0xdd: {  	_ =	swait.ge [sflag:s16], $0x2800  }
0xde: {  	[sflag:s16] =	ssyncset.done $0x0  }
0xdf: {  	[sflag:s16] =	ssyncadd.s32 $0xFFFFD800  }
0xe0: {  	[spmem:s19], [sflag:s18] =	dma.local [hbm:s5], $0x2800  }
0xe1: {  	_ =	swait.ge [sflag:s16], $0x2800  }
0xe2: {  	[sflag:s16] =	ssyncset.done $0x0  }
0xe3: {  	[sflag:s16] =	ssyncadd.s32 $0xFFFFD800  }
0xe4: {  	s1 =	simm.s32 $0x0;
	[bflag:$0x0] =	sbarrier.arrive $0xFFFF  }
0xe5: {  	[tilespmem:s21], [sflag:$0x1] =	stream.indirect.gather [hbm4b:s13+s20], $0x80, s1, s20, $0xb8;
	[tilespmem:$0x1E800] =	vst v63  }
0xe6: {  	_ =	swait.ge [sflag:s22], $0x3E80  }
0xe7: {  	[sflag:s22] =	ssyncset.done $0x0  }
0xe8: {  	s31 =	simm.s32 $0x80;
	[sflag:s22] =	ssyncadd.s32 $0xFFFFC180  }
0xe9: {  	[tilespmem:s23], [sflag:$0x2] =	stream.indirect.gather [hbm4b:s13+s20], $0x80, s31, s20, $0xb8;
	[tilespmem:$0x1E800] =	vst v63  }
0xea: {  	s31 =	simm.s32 $0x1400  }
0xeb: {  	[spmem:s2] =	stream.indirect.scatter.add.f32 [tilespmem:s21], [sflag:$0x3], $0x80, s31, s20, $0xb8;
	[tilespmem:$0x1E800] =	vst v63  }
0xec: {  	_ =	swait.ge [sflag:s16], $0x3E80  }
0xed: {  	[sflag:s16] =	ssyncset.done $0x0  }
0xee: {  	[sflag:s16] =	ssyncadd.s32 $0xFFFFC180  }
0xef: {  	_ =	swait.ge [sflag:s24], $0x3E80  }
0xf0: {  	[sflag:s24] =	ssyncset.done $0x0  }
0xf1: {  	s31 =	simm.s32 $0x100;
	[sflag:s24] =	ssyncadd.s32 $0xFFFFC180  }
0xf2: {  	[tilespmem:s21], [sflag:$0x1] =	stream.indirect.gather [hbm4b:s13+s20], $0x80, s31, s20, $0xb8;
	[tilespmem:$0x1E800] =	vst v63  }
0xf3: {  	s31 =	simm.s32 $0x1480  }
0xf4: {  	[spmem:s2] =	stream.indirect.scatter.add.f32 [tilespmem:s23], [sflag:$0x3], $0x80, s31, s20, $0xb8;
	[tilespmem:$0x1E800] =	vst v63  }
0xf5: {  	_ =	swait.ge [sflag:s16], $0x3E80  }
0xf6: {  	s30 =	simm.s32 $0x400;
	[sflag:s16] =	ssyncset.done $0x0  }
.LBB2_8:
0xf7: {  	p0 =	sne.s32 s30, $0x4800  }
0xf8: {  	[sflag:s16] =	ssyncadd.s32 $0xFFFFC180;
	s1 =	smov.u32 s30;
	s30 =	sadd.s32 $0x400, s30  }
0xf9: {  	_ = 	snop  }
0xfa: {  	_ =	swait.ge [sflag:s22], $0x3E80  }
0xfb: {  	s1 =	sshra.s32 s1, $0x2;
	[sflag:s22] =	ssyncset.done $0x0  }
0xfc: {  	s31 =	sadd.s32 $0x80, s1;
	[sflag:s22] =	ssyncadd.s32 $0xFFFFC180  }
0xfd: {  	[tilespmem:s23], [sflag:$0x2] =	stream.indirect.gather [hbm4b:s13+s20], $0x80, s31, s20, $0xb8;
	[tilespmem:$0x1E800] =	vst v63  }
0xfe: {  	s31 =	sadd.s32 $0x1400, s1  }
0xff: {  	[spmem:s2] =	stream.indirect.scatter.add.f32 [tilespmem:s21], [sflag:$0x3], $0x80, s31, s20, $0xb8;
	[tilespmem:$0x1E800] =	vst v63  }
0x100: {  	_ =	swait.ge [sflag:s16], $0x3E80  }
0x101: {  	[sflag:s16] =	ssyncset.done $0x0  }
0x102: {  	[sflag:s16] =	ssyncadd.s32 $0xFFFFC180  }
0x103: {  	_ =	swait.ge [sflag:s24], $0x3E80  }
0x104: {  	[sflag:s24] =	ssyncset.done $0x0  }
0x105: {  	s31 =	sadd.s32 $0x100, s1;
	[sflag:s24] =	ssyncadd.s32 $0xFFFFC180  }
0x106: {  	[tilespmem:s21], [sflag:$0x1] =	stream.indirect.gather [hbm4b:s13+s20], $0x80, s31, s20, $0xb8;
	[tilespmem:$0x1E800] =	vst v63  }
.Ltmp3:
0x107: {  	_ = 	snop;
	(pc) =	sbr.rel @p0 .LBB2_8-.Ltmp3, $4  }
0x108: {  	s1 =	sadd.s32 $0x1480, s1  }
0x109: {  	[spmem:s2] =	stream.indirect.scatter.add.f32 [tilespmem:s23], [sflag:$0x3], $0x80, s1, s20, $0xb8;
	[tilespmem:$0x1E800] =	vst v63  }
0x10a: {  	_ =	swait.ge [sflag:s16], $0x3E80  }
0x10b: {  	[sflag:s16] =	ssyncset.done $0x0  }
0x10c: {  	[sflag:s16] =	ssyncadd.s32 $0xFFFFC180  }
0x10d: {  	_ =	swait.ge [sflag:s22], $0x3E80  }
0x10e: {  	[sflag:s22] =	ssyncset.done $0x0  }
0x10f: {  	[sflag:s22] =	ssyncadd.s32 $0xFFFFC180  }
0x110: {  	[tilespmem:s23], [sflag:$0x2] =	stream.indirect.gather [hbm4b:s13+s20], $0x80, s25, s20, $0xb8;
	[tilespmem:$0x1E800] =	vst v63  }
0x111: {  	_ = 	snop  }
0x112: {  	[spmem:s2] =	stream.indirect.scatter.add.f32 [tilespmem:s21], [sflag:$0x3], $0x80, s26, s20, $0xb8;
	[tilespmem:$0x1E800] =	vst v63  }
0x113: {  	_ =	swait.ge [sflag:s16], $0x3E80  }
0x114: {  	[sflag:s16] =	ssyncset.done $0x0  }
0x115: {  	[sflag:s16] =	ssyncadd.s32 $0xFFFFC180  }
0x116: {  	_ =	swait.ge [sflag:s24], $0x3E80  }
0x117: {  	[sflag:s24] =	ssyncset.done $0x0  }
0x118: {  	[sflag:s24] =	ssyncadd.s32 $0xFFFFC180  }
0x119: {  	[spmem:s2] =	stream.indirect.scatter.add.f32 [tilespmem:s23], [sflag:$0x3], $0x80, s28, s20, $0xb8;
	[tilespmem:$0x1E800] =	vst v63  }
0x11a: {  	_ =	swait.ge [sflag:s16], $0x3E80  }
0x11b: {  	s29 =	sadd.s32 $0x1, s29;
	[sflag:s16] =	ssyncset.done $0x0  }
0x11c: {  	p0 =	sne.s32 s29, s15;
	[sflag:s16] =	ssyncadd.s32 $0xFFFFC180  }
.Ltmp4:
0x11d: {  	[bflag:$0x0] =	sbarrier.arrive $0xFFFF;
	(pc) =	sbr.rel @p0 .LBB2_1-.Ltmp4, $4  }
0x11e: {  	[hbm:s14], [sflag:s18] =	dma.local [spmem:s19], $0x2800  }
0x11f: {  	_ =	swait.ge [sflag:s16], $0x2800  }
0x120: {  	[sflag:s16] =	ssyncset.done $0x0  }
0x121: {  	[sflag:s16] =	ssyncadd.s32 $0xFFFFD800  }
0x122: {  	_ =	sfence.sel $0x180000  }
0x123: {  	[bflag:$0x0] =	sbarrier.arrive $0xFFFF  }
0x124: {  	_ =	strace $0x9000004D  }
0x125: {  	[bflag:$0x2] =	sbarrier.arrive $0xFFFF  }
0x126: {  	p0 =	sne.s32 s0, $0x0;
	s0 =	rddreg [dreg:$0x2]  }
0x127: {  	s0 =	sadd.s32 @!p0 $0x100000, s0  }
0x128: {  	[sflag:s0] =	ssyncadd.tile.s32 @!p0 $0x1;
	_ =	shalt  }
.Lfunc_end2:
_tile_overlayer_lowered:
.L_overlay_start_2:
0x129: {  	(tag) =	ssettag $0x2  }
0x12a: {  	s0 =	rddreg [dreg:$0x0];
	s2 =	stileid.u32  }
0x12b: {  	s1 =	rddreg [dreg:$0x1];
	p0 =	sne.s32 s2, $0x0  }
0x12c: {  	s3 =	rddreg [dreg:$0x2];
	[bflag:$0x3] =	sbarrier.arrive $0xFFFF;
	s2 =	simm.s32 @!p0 $0x1C03  }
0x12d: {  	[timem:s3], [sflag:s2] =	dma.local @!p0 [hbm:s0], s1  }
0x12e: {  	s0 =	simm.s32 @!p0 $0x3  }
0x12f: {  	_ =	swait.ge @!p0 [sflag:s0], s1  }
0x130: {  	s1 =	ssub.s32 @!p0 $0x0, s1;
	[sflag:s0] =	ssyncset.done @!p0 $0x0  }
0x131: {  	[sflag:s0] =	ssyncadd.s32 @!p0 s1  }
0x132: {  	[bflag:$0x3] =	sbarrier.arrive $0xFFFF  }
0x133: {  	_ =	shalt  }

// kernel: kernel.8.cloned.1.call-start
scs
__scs_entry_jumppad:
0x0: {  	(pc) =	sbr.rel $0x88, $3  }
0x1: {  	(tag) =	ssettag $0x0;
	lr =	simm.s32 $0x1  }
0x2: {  	[smem:$0x3F9B] =	sst lr;
	_ =	strace $0xD0000000  }
0x3: {  	_ = 	snop  }
0x4: {  	_ = 	snop  }
0x5: {  	_ = 	snop  }
0x6: {  	_ = 	snop  }
0x7: {  	_ = 	snop  }
__scs_overlays_trampoline_lowered:
0x8: {  	[smem:$0x3FAA] =	sst s0  }
0x9: {  	[smem:$0x3FAB] =	sst s1  }
0xa: {  	[smem:$0x3FAC] =	sst s2  }
0xb: {  	[smem:$0x3FAD] =	sst s3  }
0xc: {  	[smem:$0x3FAE] =	sst s4  }
0xd: {  	[smem:$0x3FAF] =	sst s5  }
0xe: {  	[smem:$0x3FB0] =	sst s6  }
0xf: {  	[smem:$0x3FB1] =	sst s7  }
0x10: {  	[smem:$0x3FB2] =	sst s8  }
0x11: {  	[smem:$0x3FB3] =	sst s9;
	s0 =	simm.s32 @!p0 $0x0  }
0x12: {  	s1 =	sld [smem:$0x3F99];
	s0 =	simm.s32 @p0 $0x1  }
0x13: {  	[smem:$0x3FB4] =	sst s0;
	s0 =	simm.s32 @!p1 $0x0  }
0x14: {  	s2 =	sld [smem:$0x3F98];
	s0 =	simm.s32 @p1 $0x1  }
0x15: {  	[smem:$0x3FB5] =	sst s0;
	s0 =	simm.s32 @!p2 $0x0  }
0x16: {  	s3 =	sld [smem:$0x3FDB];
	s0 =	simm.s32 @p2 $0x1  }
0x17: {  	s4 =	simm.s32 $0x1BF5;
	[smem:$0x3FB7] =	sst s0  }
0x18: {  	s0 =	sld [smem:$0x3F9A];
	_ =	swait.ge [sflag:s4], $0x0  }
0x19: {  	s7 =	sld [smem:$0x3F9B]  }
0x1a: {  	s8 =	sadd.s32 $0xFFFFE003, lr  }
0x1b: {  	s9 =	sadd.s32 $0xFFFFFEF7, lr;
	s5 =	simm.s32 $0xFFFFFFFF;
	p2 =	slt.u32 s8, $0xFFFFF086  }
0x1c: {  	p1 =	slt.u32 s9, $0xF7A;
	s5 =	simm.s32 @!p2 $0x0  }
0x1d: {  	s5 =	simm.s32 @p1 $0x1;
	p0 =	seq.s32 s7, s2  }
0x1e: {  	s7 =	smul.u32 @!p0 $0xF7A, s2;
	p2 =	seq.s32 @!p0 s5, $0x0  }
0x1f: {  	s9 =	smul.u32 $0xF7A, s1;
	s8 =	simm.s32 @!p0 $0x1BF5;
	p2 =	por !p2, p0  }
0x20: {  	[sflag:s8] =	ssyncset.s32 @!p0 $0xFFFFF086;
	s6 =	sadd.s32 @!p0 s3, s7;
	s7 =	simm.s32 @!p0 $0x108  }
0x21: {  	s3 =	sadd.s32 s3, s9;
	s6 =	sadd.s32 @!p0 $0x88, s6;
	s7 =	simm.s32 @p2 $0x1082  }
0x22: {  	[simem:s7], [sflag:s8] =	dma.local @!p0 [hbm:s6], $0xF7A  }
0x23: {  	s9 =	sor.u32 $0xD0000000, s2;
	s6 =	simm.s32 $0x108;
	_ =	swait.ge @!p0 [sflag:s8], $0x0  }
0x24: {  	s3 =	sadd.s32 $0x88, s3;
	s6 =	simm.s32 @!p1 $0x1082;
	[sflag:s4] =	ssyncset.s32 $0xFFFFF086  }
0x25: {  	[simem:s6], [sflag:s4] =	dma.local [hbm:s3], $0xF7A  }
0x26: {  	[smem:$0x3F9B] =	sst s1;
	(tag) =	ssettag s2;
	_ =	strace s9  }
0x27: {  	s1 =	sld [smem:$0x3FAB]  }
0x28: {  	s2 =	sld [smem:$0x3FAC]  }
0x29: {  	s4 =	sld [smem:$0x3FAE]  }
0x2a: {  	p0 =	seq.s32 s5, $0x0;
	s5 =	sld [smem:$0x3FAF]  }
0x2b: {  	s6 =	sld [smem:$0x3FB0]  }
0x2c: {  	s7 =	sld [smem:$0x3FB1]  }
0x2d: {  	s3 =	simm.s32 $0x108;
	s8 =	sld [smem:$0x3FB2]  }
0x2e: {  	s3 =	simm.s32 @!p0 $0x1082;
	s9 =	sld [smem:$0x3FB3]  }
0x2f: {  	lr =	sadd.s32 s0, s3;
	s0 =	sld [smem:$0x3FAA]  }
0x30: {  	s3 =	sld [smem:$0x3FAD]  }
0x31: {  	[smem:$0x3FB6] =	sst s10  }
0x32: {  	s10 =	sld [smem:$0x3FB4];
	_ =	sdelay $0x3  }
0x33: {  	p0 =	seq.s32 s10, $0x1;
	s10 =	sld [smem:$0x3FB6];
	_ =	sdelay $0x3  }
0x34: {  	[smem:$0x3FB6] =	sst s10  }
0x35: {  	s10 =	sld [smem:$0x3FB5];
	_ =	sdelay $0x3  }
0x36: {  	p1 =	seq.s32 s10, $0x1;
	s10 =	sld [smem:$0x3FB6];
	_ =	sdelay $0x3  }
0x37: {  	[smem:$0x3FB6] =	sst s10  }
0x38: {  	s10 =	sld [smem:$0x3FB7]  }
0x39: {  	_ = 	snop;
	(pc) =	sbr.ind lr, $3  }
0x3a: {  	_ = 	snop  }
0x3b: {  	_ = 	snop  }
0x3c: {  	p2 =	seq.s32 s10, $0x1;
	s10 =	sld [smem:$0x3FB6]  }
0x3d: {  	_ =	shalt  }
0x3e: {  	_ =	shalt  }
0x3f: {  	_ =	shalt  }
0x40: {  	_ =	shalt  }
0x41: {  	_ =	shalt  }
0x42: {  	_ =	shalt  }
0x43: {  	_ =	shalt  }
0x44: {  	_ =	shalt  }
0x45: {  	_ =	shalt  }
0x46: {  	_ =	shalt  }
0x47: {  	_ =	shalt  }
0x48: {  	_ =	shalt  }
0x49: {  	_ =	shalt  }
0x4a: {  	_ =	shalt  }
0x4b: {  	_ =	shalt  }
0x4c: {  	_ =	shalt  }
0x4d: {  	_ =	shalt  }
0x4e: {  	_ =	shalt  }
0x4f: {  	_ =	shalt  }
0x50: {  	_ =	shalt  }
0x51: {  	_ =	shalt  }
0x52: {  	_ =	shalt  }
0x53: {  	_ =	shalt  }
0x54: {  	_ =	shalt  }
0x55: {  	_ =	shalt  }
0x56: {  	_ =	shalt  }
0x57: {  	_ =	shalt  }
0x58: {  	_ =	shalt  }
0x59: {  	_ =	shalt  }
0x5a: {  	_ =	shalt  }
0x5b: {  	_ =	shalt  }
0x5c: {  	_ =	shalt  }
0x5d: {  	_ =	shalt  }
0x5e: {  	_ =	shalt  }
0x5f: {  	_ =	shalt  }
0x60: {  	_ =	shalt  }
0x61: {  	_ =	shalt  }
0x62: {  	_ =	shalt  }
0x63: {  	_ =	shalt  }
0x64: {  	_ =	shalt  }
0x65: {  	_ =	shalt  }
0x66: {  	_ =	shalt  }
0x67: {  	_ =	shalt  }
0x68: {  	_ =	shalt  }
0x69: {  	_ =	shalt  }
0x6a: {  	_ =	shalt  }
0x6b: {  	_ =	shalt  }
0x6c: {  	_ =	shalt  }
0x6d: {  	_ =	shalt  }
0x6e: {  	_ =	shalt  }
0x6f: {  	_ =	shalt  }
0x70: {  	_ =	shalt  }
0x71: {  	_ =	shalt  }
0x72: {  	_ =	shalt  }
0x73: {  	_ =	shalt  }
0x74: {  	_ =	shalt  }
0x75: {  	_ =	shalt  }
0x76: {  	_ =	shalt  }
0x77: {  	_ =	shalt  }
0x78: {  	_ =	shalt  }
0x79: {  	_ =	shalt  }
0x7a: {  	_ =	shalt  }
0x7b: {  	_ =	shalt  }
0x7c: {  	_ =	shalt  }
0x7d: {  	_ =	shalt  }
0x7e: {  	_ =	shalt  }
0x7f: {  	_ =	shalt  }
0x80: {  	_ =	shalt  }
0x81: {  	_ =	shalt  }
0x82: {  	_ =	shalt  }
0x83: {  	_ =	shalt  }
0x84: {  	_ =	shalt  }
0x85: {  	_ =	shalt  }
0x86: {  	_ =	shalt  }
0x87: {  	_ =	shalt  }
.Lfunc_end0:
.L_simem_size_0:
called_computation_lowered:
.L_overlay_start_0:
0x88: {  	s2 =	sld [smem:$0x3FD9]  }
0x89: {  	s3 =	sld [smem:$0x3FFE];
	_ =	sdelay $0x1  }
0x8a: {  	s1 =	srdreg.scid  }
0x8b: {  	s0 =	sand.u32 $0x1, s1  }
0x8c: {  	s17 =	sshll.u32 s0, $0xA;
	s2 =	sadd.s32 s3, s2  }
0x8d: {  	s2 =	sadd.s32 s2, s17  }
0x8e: {  	[smem:$0x3FC2] =	sst s2  }
0x8f: {  	_ = 	snop  }
0x90: {  	s2 =	sld [smem:$0x3FD0];
	(tm) =	ssettm $0x1  }
0x91: {  	s18 =	sld [smem:$0x3FFB];
	_ =	sdelay $0x3  }
0x92: {  	_ =	strace s18  }
0x93: {  	s3 =	sld [smem:$0x3FFC];
	_ =	sdelay $0x3  }
0x94: {  	_ =	strace s3  }
0x95: {  	s3 =	sld [smem:$0x3FFD];
	_ =	sdelay $0x3  }
0x96: {  	_ =	strace s3  }
0x97: {  	_ =	strace $0x8FFFFFFF  }
0x98: {  	s19 =	sld [smem:$0x3FDB];
	_ =	sdelay $0x1  }
0x99: {  	s4 =	simm.s32 $_scs_section_size  }
0x9a: {  	s5 =	simm.s32 $_size__tile_overlayer_lowered;
	s6 =	simm.s32 $_tile_overlayer_lowered  }
0x9b: {  	s22 =	simm.s32 $0x1BFF;
	s21 =	sshll.u32 s6, $0x1;
	s3 =	sadd.s32 s4, s19  }
0x9c: {  	s7 =	simm.s32 $0x0;
	s20 =	sshll.u32 s5, $0x1;
	s5 =	sadd.s32 s21, s3  }
0x9d: {  	[timem:s7], [sflag:s22] =	dma.local [hbm:s5], s20  }
0x9e: {  	_ =	swait.ge [sflag:s22], s20  }
0x9f: {  	s4 =	ssub.s32 $0x0, s20;
	[sflag:s22] =	ssyncset.done $0x0  }
0xa0: {  	[sflag:s22] =	ssyncadd.s32 s4;
	_ =	sdelay $0x1  }
0xa1: {  	s23 =	simm.s32 $0x1B8B  }
0xa2: {  	_ =	swait.ge [sflag:s23], $0x1  }
0xa3: {  	[sflag:s23] =	ssyncset.done $0x0  }
0xa4: {  	s25 =	simm.s32 $0x1B8E;
	s24 =	sld [smem:$0x3FFE];
	[sflag:s23] =	ssyncadd.s32 $0xFFFFFFFF  }
0xa5: {  	s26 =	simm.s32 $execute0_lowered;
	[smem:$0x3FD2] =	sst s25  }
0xa6: {  	s5 =	sshll.u32 s26, $0x1;
	_ =	strace $0x80000046;
	[dreg:$0x1] =	wrdreg $0xFFFFFFFF  }
0xa7: {  	s28 =	simm.s32 $_size_execute0_lowered;
	s3 =	sadd.s32 s3, s5;
	[dreg:$0x0] =	wrdreg $0x0  }
0xa8: {  	s5 =	sshll.u32 s28, $0x1;
	[dreg:$0x2] =	wrdreg s3  }
0xa9: {  	[dreg:$0x3] =	wrdreg s5  }
0xaa: {  	[dreg:$0x4] =	wrdreg $0xC0  }
0xab: {  	_ =	task [dreg:s7], $0x5FFFF  }
0xac: {  	[dreg:$0x1] =	wrdreg $0xFFFFFFFF  }
0xad: {  	[dreg:$0x0] =	wrdreg $0x60  }
0xae: {  	[dreg:$0x2] =	wrdreg s24  }
0xaf: {  	[dreg:$0x3] =	wrdreg s2  }
0xb0: {  	[dreg:$0x4] =	wrdreg $0x14800  }
0xb1: {  	[dreg:$0x5] =	wrdreg $0x9  }
0xb2: {  	_ =	task.clear_ibuf [dreg:s7], $0x6FFFF;
	_ =	strace $0x90000046  }
0xb3: {  	s29 =	simm.s32 $0x9;
	_ =	strace $0x80000048  }
0xb4: {  	_ =	swait.ge [sflag:s29], $0x1  }
0xb5: {  	[sflag:s29] =	ssyncadd.s32 $0xFFFFFFFF  }
0xb6: {  	_ =	strace $0x90000048  }
0xb7: {  	_ =	sfence  }
0xb8: {  	s30 =	sld [smem:$0x0];
	_ =	sdelay $0x2  }
0xb9: {  	s31 =	sshll.u32 s1, $0xD;
	s1 =	sshrl.u32 s1, $0x2  }
0xba: {  	s3 =	sand.u32 $0x4000, s31;
	s1 =	sadd.s32 s1, s30  }
0xbb: {  	s0 =	sor.u32 s3, s0;
	s1 =	sshll.u32 s1, $0x11  }
0xbc: {  	s0 =	sor.u32 s1, s0  }
0xbd: {  	s0 =	sadd.s32 $0x8F2B, s0  }
0xbe: {  	[sflag:s0] =	ssyncadd.remote.s32 $0x1  }
0xbf: {  	_ =	sfence.sel $0xFFFF  }
0xc0: {  	[dreg:$0x0] =	wrdreg $0xFFFFFFFF;
	(pc) =	sbr.abs _section_cstart, $3  }
0xc1: {  	[dreg:$0x1] =	wrdreg $0xFFFFFFFF  }
0xc2: {  	_ =	task.clear_ibuf [dreg:s7], $0x2FFFF;
	_ =	strace $0x9FFFFFFF  }
0xc3: {  	(tm) =	ssettm $0x7FFFFFFF  }
tec
execute0_lowered:
.L_overlay_start_1:
0x0: {  	(tag) =	ssettag $0x1  }
0x1: {  	s5 =	rddreg [dreg:$0x0]  }
0x2: {  	s1 =	srdreg.scid;
	s7 =	rddreg [dreg:$0x1]  }
0x3: {  	s0 =	stileid.u32;
	s2 =	rddreg [dreg:$0x2]  }
0x4: {  	s3 =	simm.s32 $0x0;
	s13 =	simm.s32 $0x7D;
	s14 =	simm.s32 $0x20  }
0x5: {  	s15 =	simm.s32 $0x10;
	s16 =	simm.s32 $0x0;
	s6 =	sand.u32 $0x1, s1  }
0x6: {  	s29 =	sshll.u32 s0, $0x1;
	s1 =	rddreg [dreg:$0x3];
	s10 =	smul.u32 $0x500, s0  }
0x7: {  	[smem:$0x7FF] =	sst s3;
	s12 =	smul.u32 $0xA00, s0;
	s31 =	sshll.u32 s0, $0x6  }
0x8: {  	s4 =	sor.u32 s6, s29;
	_ =	strace $0x80000047;
	s9 =	ssub.s32 $0x2, s6  }
0x9: {  	s6 =	sshll.u32 s6, $0x7;
	s4 =	smul.u32 $0x280, s4;
	s11 =	sshrl.u32 s9, $0x1  }
0xa: {  	s10 =	sor.u32 s6, s10;
	s30 =	sshrl.u32 s12, $0x2;
	s9 =	ssub.s32 s9, s11  }
0xb: {  	s10 =	sshrl.u32 s10, $0x3;
	s12 =	sadd.s32 s30, s2;
	s11 =	sor.u32 $0x1C01, s31  }
0xc: {  	s8 =	sadd.s32 s4, s5;
	s4 =	sadd.s32 $0x5C00, s5;
	s5 =	sadd.s32 $0x5E00, s5  }
0xd: {  	s7 =	sadd.s32 s7, s10;
	s10 =	simm.s32 $0x1400;
	s12 =	sshrl.u32 s12, $0x3  }
0xe: {  	s6 =	sadd.s32 $0xC00, s8;
	s8 =	smax.u32 s9, $0x1;
	s9 =	simm.s32 $0x1  }
.LBB2_1:
0xf: {  	[tilespmem:s3], [sflag:$0x1] =	stream.linear.gather [hbm4b:s6+s3], $0x1400, $0x38;
	[tilespmem:$0x1700] =	vst v63  }
0x10: {  	_ =	swait.ge [sflag:s9], $0x1400  }
0x11: {  	[sflag:s9] =	ssyncset.done $0x0  }
0x12: {  	[sflag:s9] =	ssyncadd.s32 $0xFFFFEC00  }
0x13: {  	[tilespmem:s10], [sflag:$0x1] =	stream.linear.gather [hbm4b:s4+s3], $0x80, $0x38;
	[tilespmem:$0x1700] =	vst v63  }
0x14: {  	_ =	swait.ge [sflag:s9], $0x80  }
0x15: {  	[sflag:s9] =	ssyncset.done $0x0  }
0x16: {  	[sflag:s9] =	ssyncadd.s32 $0xFFFFFF80  }
0x17: {  	[spmem:s12], [sflag:s11] =	dma.local [hbm:s5], $0x50  }
0x18: {  	_ =	swait.ge [sflag:s9], $0x50  }
0x19: {  	[sflag:s9] =	ssyncset.done $0x0  }
0x1a: {  	[sflag:s9] =	ssyncadd.s32 $0xFFFFFFB0  }
0x1b: {  	s17 =	simm.s32 $0x0;
	[bflag:$0x0] =	sbarrier.arrive $0xFFFF  }
0x1c: {  	[spmem:s2] =	stream.indirect.scatter.add.f32 [tilespmem:s10], [sflag:$0x1], $0x1, s17, s13, $0xb8;
	[tilespmem:$0x1700] =	vst v63  }
0x1d: {  	_ =	swait.ge [sflag:s9], $0x7D  }
0x1e: {  	s17 =	simm.s32 $0x200;
	[sflag:s9] =	ssyncset.done $0x0  }
.LBB2_2:
0x1f: {  	s18 =	sshra.s32 s17, $0x2;
	[sflag:s9] =	ssyncadd.s32 $0xFFFFFF83;
	p0 =	sne.s32 s17, $0x4E00  }
0x20: {  	[spmem:s2] =	stream.indirect.scatter.add.f32 [tilespmem:s10], [sflag:$0x1], $0x1, s18, s13, $0xb8;
	[tilespmem:$0x1700] =	vst v63  }
.Ltmp0:
0x21: {  	_ = 	snop;
	(pc) =	sbr.rel @p0 .LBB2_2-.Ltmp0, $4  }
0x22: {  	_ = 	snop  }
0x23: {  	s17 =	sadd.s32 $0x200, s17  }
0x24: {  	_ =	swait.ge [sflag:s9], $0x7D  }
0x25: {  	[sflag:s9] =	ssyncset.done $0x0  }
0x26: {  	s16 =	sadd.s32 $0x1, s16  }
0x27: {  	[sflag:s9] =	ssyncadd.s32 $0xFFFFFF83;
	p0 =	sne.s32 s16, s8  }
.Ltmp1:
0x28: {  	[bflag:$0x0] =	sbarrier.arrive $0xFFFF;
	(pc) =	sbr.rel @p0 .LBB2_1-.Ltmp1, $4  }
0x29: {  	[hbm:s7@s14], [sflag:s11] =	dma.strided [spmem:s12@s15], $0x50, s9, $0x10   }
0x2a: {  	_ =	swait.ge [sflag:s9], $0x50  }
0x2b: {  	[sflag:s9] =	ssyncset.done $0x0  }
0x2c: {  	[sflag:s9] =	ssyncadd.s32 $0xFFFFFFB0  }
0x2d: {  	_ =	sfence.sel $0x180000  }
0x2e: {  	[bflag:$0x0] =	sbarrier.arrive $0xFFFF  }
0x2f: {  	p0 =	sne.s32 s0, $0x0;
	_ =	strace $0x90000047  }
0x30: {  	s0 =	sadd.s32 @!p0 $0x100000, s1;
	[bflag:$0x2] =	sbarrier.arrive $0xFFFF  }
0x31: {  	[sflag:s0] =	ssyncadd.tile.s32 @!p0 $0x1;
	_ =	shalt  }
.Lfunc_end2:
_tile_overlayer_lowered:
.L_overlay_start_2:
0x32: {  	(tag) =	ssettag $0x2  }
0x33: {  	s0 =	rddreg [dreg:$0x0];
	s2 =	stileid.u32  }
0x34: {  	s1 =	rddreg [dreg:$0x1];
	p0 =	sne.s32 s2, $0x0  }
0x35: {  	s3 =	rddreg [dreg:$0x2];
	[bflag:$0x3] =	sbarrier.arrive $0xFFFF;
	s2 =	simm.s32 @!p0 $0x1C01  }
0x36: {  	[timem:s3], [sflag:s2] =	dma.local @!p0 [hbm:s0], s1  }
0x37: {  	s0 =	simm.s32 @!p0 $0x1  }
0x38: {  	_ =	swait.ge @!p0 [sflag:s0], s1  }
0x39: {  	s1 =	ssub.s32 @!p0 $0x0, s1;
	[sflag:s0] =	ssyncset.done @!p0 $0x0  }
0x3a: {  	[sflag:s0] =	ssyncadd.s32 @!p0 s1  }
0x3b: {  	[bflag:$0x3] =	sbarrier.arrive $0xFFFF  }
0x3c: {  	_ =	shalt  }

</sc_bundles>
